<compile_context>
chip_gen: v7x
topology: tpu7x:2x2x1
jax: 0.10.2.dev20260603
libtpu: 0.0.44.dev20260713+nightly
codegen_flags: <defaults>
</compile_context>

<pallas_src>
import functools

import jax
import jax.numpy as jnp
from jax import lax
from jax.experimental import pallas as pl
from jax.experimental.pallas import tpu as pltpu
from jax.experimental.pallas import tpu_sc as plsc

NC = 2
NS = 16
LW = 128
BN = 1000


def _mesh():
    return plsc.VectorSubcoreMesh(
        core_axis_name="c", subcore_axis_name="s", num_cores=NC,
        num_subcores=NS)


def _deg_body(nt, erp, recv_hbm, out_hbm, deg_sp, ridx_v, ones_v, zslab_v):
    c = lax.axis_index("c")
    s = lax.axis_index("s")
    slab = nt // NS
    rows = erp // (NC * NS)
    ones16 = jnp.ones((16,), jnp.float32)
    zero16 = jnp.zeros((16,), jnp.float32)

    @pl.loop(0, LW // 16)
    def _(i):
        ones_v[pl.ds(i * 16, 16)] = ones16

    @pl.loop(0, slab // 16)
    def _(i):
        zslab_v[pl.ds(i * 16, 16)] = zero16

    pltpu.sync_copy(zslab_v, deg_sp.at[pl.ds(s * slab, slab)])
    pltpu.sync_copy(recv_hbm.at[pl.ds(c * (erp // NC) + s * rows, rows)],
                    ridx_v)
    plsc.subcore_barrier()

    @pl.loop(0, rows)
    def _(j):
        pltpu.sync_copy(ones_v, deg_sp.at[ridx_v.at[j]], add=True)

    plsc.subcore_barrier()
    pltpu.sync_copy(deg_sp.at[pl.ds(s * slab, slab)],
                    out_hbm.at[c, pl.ds(s * slab, slab)])


def _deg_call(rp, nt):
    erp = rp.shape[0]
    body = functools.partial(_deg_body, nt, erp)
    return pl.kernel(
        body,
        out_type=jax.ShapeDtypeStruct((NC, nt), jnp.float32),
        mesh=_mesh(),
        scratch_types=[
            pltpu.VMEM_SHARED((nt,), jnp.float32),
            pltpu.VMEM((erp // (NC * NS), LW), jnp.int32),
            pltpu.VMEM((LW,), jnp.float32),
            pltpu.VMEM((nt // NS,), jnp.float32),
        ],
    )(rp)


def _prep_body(x_ref, w_ref, b_ref, p_ref, hn_ref, hd_ref, invs_ref):
    h = jnp.dot(x_ref[...], w_ref[...],
                preferred_element_type=jnp.float32) + b_ref[...]
    deg = p_ref[:, 0] + p_ref[:, 1] + 1.0
    invs = lax.rsqrt(deg)
    hn = h * invs[:, None]
    hn_ref[0] = hn[:, :128]
    hn_ref[1] = hn[:, 128:]
    hd_ref[...] = h * (1.0 / deg)[:, None]
    invs_ref[...] = invs[:, None]


def _prep_call(x, w, b2, degt, n, nt):
    d = x.shape[1]
    grid = (n // BN,)
    return pl.pallas_call(
        _prep_body,
        grid=grid,
        in_specs=[
            pl.BlockSpec((BN, d), lambda i: (i, 0)),
            pl.BlockSpec((d, d), lambda i: (0, 0)),
            pl.BlockSpec((1, d), lambda i: (0, 0)),
            pl.BlockSpec((BN, 2), lambda i: (i, 0)),
        ],
        out_specs=[
            pl.BlockSpec((2, BN, 128), lambda i: (0, i, 0)),
            pl.BlockSpec((BN, d), lambda i: (i, 0)),
            pl.BlockSpec((BN, 1), lambda i: (i, 0)),
        ],
        out_shape=[
            jax.ShapeDtypeStruct((2, nt, 128), jnp.float32),
            jax.ShapeDtypeStruct((n, d), jnp.float32),
            jax.ShapeDtypeStruct((nt, 1), jnp.float32),
        ],
    )(x, w, b2, degt)


def _efp_body(ef_ref, oh_ref, out_ref):
    out_ref[:, :16] = ef_ref[...]
    out_ref[:, 16:] = jnp.broadcast_to(oh_ref[...], (ef_ref.shape[0], 16))


def _efp_call(ef, oh, ep):
    e, de = ef.shape
    be = 1000
    return pl.pallas_call(
        _efp_body,
        grid=(e // be,),
        in_specs=[
            pl.BlockSpec((be, de), lambda i: (i, 0)),
            pl.BlockSpec((1, 16), lambda i: (0, 0)),
        ],
        out_specs=pl.BlockSpec((be, 32), lambda i: (i, 0)),
        out_shape=jax.ShapeDtypeStruct((ep, 32), jnp.float32),
    )(ef, oh)


NB = 8


def _hn_body(nt, erp, sidx_hbm, ridx_hbm, hn_hbm, accout_hbm,
             acc_sp, sidx_v, ridx_ring, rows_a, rows_b, sema, semb, semr):
    c = lax.axis_index("c")
    s = lax.axis_index("s")
    rows_hn = erp // NS
    slab = nt // NS
    nblk = rows_hn // NB
    zero16 = jnp.zeros((16,), jnp.float32)

    @pl.loop(0, LW)
    def _(i):
        for j in range(8):
            rows_a[i, pl.ds(j * 16, 16)] = zero16

    @pl.loop(0, slab // LW)
    def _(i):
        pltpu.sync_copy(rows_a, acc_sp.at[pl.ds(s * slab + i * LW, LW)])

    base = s * rows_hn
    pltpu.sync_copy(sidx_hbm.at[pl.ds(base, rows_hn)], sidx_v)
    plsc.subcore_barrier()

    def hn_loop(table):
        pltpu.async_copy(ridx_hbm.at[pl.ds(base, NB)], ridx_ring.at[0],
                         semr)
        pltpu.async_copy(table.at[sidx_v.at[0]], rows_a, sema)
        pltpu.async_copy(table.at[sidx_v.at[1]], rows_b, semb)

        @pl.loop(0, nblk)
        def _(g):
            p = lax.rem(g, 2)
            pltpu.make_async_copy(ridx_hbm.at[pl.ds(base, NB)],
                                  ridx_ring.at[0], semr).wait()

            @pl.when(g < nblk - 1)
            def _():
                pltpu.async_copy(
                    ridx_hbm.at[pl.ds(base + (g + 1) * NB, NB)],
                    ridx_ring.at[1 - p], semr)

            @pl.loop(0, NB // 2)
            def _(t):
                j = g * NB + 2 * t
                pltpu.make_async_copy(table.at[sidx_v.at[0]], rows_a,
                                      sema).wait()
                pltpu.sync_copy(rows_a, acc_sp.at[ridx_ring.at[p, 2 * t]],
                                add=True)

                @pl.when(j + 2 < rows_hn)
                def _():
                    pltpu.async_copy(table.at[sidx_v.at[j + 2]], rows_a,
                                     sema)

                pltpu.make_async_copy(table.at[sidx_v.at[0]], rows_b,
                                      semb).wait()
                pltpu.sync_copy(rows_b,
                                acc_sp.at[ridx_ring.at[p, 2 * t + 1]],
                                add=True)

                @pl.when(j + 3 < rows_hn)
                def _():
                    pltpu.async_copy(table.at[sidx_v.at[j + 3]], rows_b,
                                     semb)

    pl.when(c == 0)(lambda: hn_loop(hn_hbm.at[0]))
    pl.when(c == 1)(lambda: hn_loop(hn_hbm.at[1]))

    plsc.subcore_barrier()

    @pl.loop(0, slab // LW)
    def _(i):
        r0 = s * slab + i * LW
        pltpu.sync_copy(acc_sp.at[pl.ds(r0, LW)],
                        accout_hbm.at[c, pl.ds(r0, LW)])


def _hn_call(sp, rp, hn2, nt):
    erp = sp.shape[0]
    body = functools.partial(_hn_body, nt, erp)
    return pl.kernel(
        body,
        out_type=jax.ShapeDtypeStruct((NC, nt, 128), jnp.float32),
        mesh=_mesh(),
        scratch_types=[
            pltpu.VMEM_SHARED((nt, 128), jnp.float32),
            pltpu.VMEM((erp // NS, LW), jnp.int32),
            pltpu.VMEM((2, NB, LW), jnp.int32),
            pltpu.VMEM((LW, 128), jnp.float32),
            pltpu.VMEM((LW, 128), jnp.float32),
            pltpu.SemaphoreType.DMA,
            pltpu.SemaphoreType.DMA,
            pltpu.SemaphoreType.DMA,
        ],
    )(sp, rp, hn2)


def _ef_body(nt, erp, sidx_hbm, ridx_hbm, ef_hbm, invsrep_hbm,
             gout_hbm, g_sp, sidxe_v, ridxe_v, ef_a, ef_b, sc_a, sc_b,
             ws_a, ws_b, sea, seb, swa, swb):
    c = lax.axis_index("c")
    s = lax.axis_index("s")
    wid = s * NC + c
    rows_ef = erp // (NC * NS)
    slab = nt // NS
    zero16 = jnp.zeros((16,), jnp.float32)

    @pl.loop(0, LW)
    def _(i):
        for j in range(2):
            sc_a[i, pl.ds(j * 16, 16)] = zero16

    @pl.loop(0, slab // LW)
    def _(i):
        pltpu.sync_copy(sc_a, g_sp.at[pl.ds(s * slab + i * LW, LW)])

    ebase = wid * rows_ef
    pltpu.sync_copy(sidx_hbm.at[pl.ds(ebase, rows_ef)], sidxe_v)
    pltpu.sync_copy(ridx_hbm.at[pl.ds(ebase, rows_ef)], ridxe_v)
    plsc.subcore_barrier()

    def stage(j, ef_v, ws_v, se, sw):
        pltpu.async_copy(ef_hbm.at[pl.ds((ebase + j) * LW, LW)], ef_v, se)
        pltpu.async_copy(invsrep_hbm.at[sidxe_v.at[j]], ws_v, sw)

    def run(j, ef_v, sc_v, ws_v, se, sw):
        pltpu.make_async_copy(ef_hbm.at[pl.ds(0, LW)], ef_v, se).wait()
        pltpu.make_async_copy(invsrep_hbm.at[sidxe_v.at[0]], ws_v,
                              sw).wait()

        @pl.loop(0, LW, unroll=4)
        def _(i):
            w16 = ws_v[i, :]
            sc_v[i, pl.ds(0, 16)] = ef_v[i, :] * w16
            sc_v[i, pl.ds(16, 16)] = w16

        pltpu.sync_copy(sc_v, g_sp.at[ridxe_v.at[j]], add=True)

        @pl.when(j + 2 < rows_ef)
        def _():
            stage(j + 2, ef_v, ws_v, se, sw)

    stage(0, ef_a, ws_a, sea, swa)
    stage(1, ef_b, ws_b, seb, swb)

    @pl.loop(0, rows_ef // 2)
    def _(k):
        run(2 * k, ef_a, sc_a, ws_a, sea, swa)
        run(2 * k + 1, ef_b, sc_b, ws_b, seb, swb)

    plsc.subcore_barrier()

    @pl.loop(0, slab // LW)
    def _(i):
        r0 = s * slab + i * LW
        pltpu.sync_copy(g_sp.at[pl.ds(r0, LW)],
                        gout_hbm.at[c, pl.ds(r0, LW)])


def _ef_call(sp, rp, ef32, invsrep, nt):
    erp = sp.shape[0]
    body = functools.partial(_ef_body, nt, erp)
    return pl.kernel(
        body,
        out_type=jax.ShapeDtypeStruct((NC, nt, 32), jnp.float32),
        mesh=_mesh(),
        compiler_params=pltpu.CompilerParams(use_tc_tiling_on_sc=False),
        scratch_types=[
            pltpu.VMEM_SHARED((nt, 32), jnp.float32),
            pltpu.VMEM((erp // (NC * NS), LW), jnp.int32),
            pltpu.VMEM((erp // (NC * NS), LW), jnp.int32),
            pltpu.VMEM((LW, 16), jnp.float32),
            pltpu.VMEM((LW, 16), jnp.float32),
            pltpu.VMEM((LW, 32), jnp.float32),
            pltpu.VMEM((LW, 32), jnp.float32),
            pltpu.VMEM((LW, 16), jnp.float32),
            pltpu.VMEM((LW, 16), jnp.float32),
            pltpu.SemaphoreType.DMA,
            pltpu.SemaphoreType.DMA,
            pltpu.SemaphoreType.DMA,
            pltpu.SemaphoreType.DMA,
        ],
    )(sp, rp, ef32, invsrep)


def _final_body(acc_ref, g_ref, hd_ref, invs_ref, waug_ref, out_ref):
    g = g_ref[0] + g_ref[1]
    gc = jnp.dot(g, waug_ref[...], preferred_element_type=jnp.float32)
    acc = jnp.concatenate([acc_ref[0], acc_ref[1]], axis=1)
    out_ref[...] = invs_ref[...] * (acc + gc) + hd_ref[...]


def _final_call(acc2, g2, hd, invs1, waug, n, nt):
    d = hd.shape[1]
    grid = (n // BN,)
    return pl.pallas_call(
        _final_body,
        grid=grid,
        in_specs=[
            pl.BlockSpec((2, BN, 128), lambda i: (0, i, 0)),
            pl.BlockSpec((2, BN, 32), lambda i: (0, i, 0)),
            pl.BlockSpec((BN, d), lambda i: (i, 0)),
            pl.BlockSpec((BN, 1), lambda i: (i, 0)),
            pl.BlockSpec((32, d), lambda i: (0, 0)),
        ],
        out_specs=pl.BlockSpec((BN, d), lambda i: (i, 0)),
        out_shape=jax.ShapeDtypeStruct((n, d), jnp.float32),
    )(acc2, g2, hd, invs1, waug)


def kernel(node_features, senders, receivers, edge_features, W_kernel,
           W_bias, We_kernel, We_bias):
    n, d = node_features.shape
    e, de = edge_features.shape

    nt = (-(-n // 128)) * 128 + 128
    erows = -(-e // LW)
    erp = -(-erows // (NC * NS)) * (NC * NS)
    ep = erp * LW
    npad = nt - n

    s32 = senders.astype(jnp.int32)
    r32 = receivers.astype(jnp.int32)
    pad_idx = n + (jnp.arange(ep - e, dtype=jnp.int32) % npad)
    sp = jnp.concatenate([s32, pad_idx]).reshape(erp, LW)
    rp = jnp.concatenate([r32, pad_idx]).reshape(erp, LW)

    ef32 = edge_features.astype(jnp.float32)
    waug = jnp.concatenate(
        [We_kernel.astype(jnp.float32),
         We_bias.astype(jnp.float32)[None, :],
         jnp.zeros((15, d), jnp.float32)], axis=0)

    degp = _deg_call(rp, nt)
    degt = jnp.transpose(degp)
    hn2, hd, invs1 = _prep_call(
        node_features.astype(jnp.float32), W_kernel.astype(jnp.float32),
        W_bias.astype(jnp.float32).reshape(1, d), degt, n, nt)
    invsrep = jnp.broadcast_to(invs1, (nt, 16))
    acc2 = _hn_call(sp, rp, hn2, nt)
    g2 = _ef_call(sp, rp, jnp.pad(ef32, ((0, ep - e), (0, 0))), invsrep, nt)
    return _final_call(acc2, g2, hd, invs1, waug, n, nt)

# --- scband reference (transcript-rebuilt; emitter-appended) ---
"""Pipeline reference for scband-gcn-18236431139070 (READ-ONLY COPY).

The authoritative reference and input builder live on the scoring server;
editing this copy changes nothing except your own understanding.
"""

import jax, jax.numpy as jnp
import numpy as np

N = 10000
E = 160000
D = 256
DE = 16

def setup_inputs(seed: int = 0) -> dict:
    key = jax.random.key(seed)
    k1, k2, k3, k4, k5, k6 = jax.random.split(key, 6)
    node_features = jax.random.normal(k1, (N, D), dtype=jnp.float32)
    senders = jax.random.randint(k2, (E,), 0, N)
    receivers = jax.random.randint(k3, (E,), 0, N)
    edge_features = jax.random.normal(k4, (E, DE), dtype=jnp.float32)
    # learned params (flax Dense: kernel [in, out], bias [out]), xavier_normal init
    W_kernel = jax.random.normal(k5, (D, D), dtype=jnp.float32) * np.sqrt(2.0 / (D + D))
    W_bias = jnp.zeros((D,), dtype=jnp.float32)
    We_kernel = jax.random.normal(k6, (DE, D), dtype=jnp.float32) * np.sqrt(2.0 / (DE + D))
    We_bias = jnp.zeros((D,), dtype=jnp.float32)
    return {
        "node_features": node_features,
        "senders": senders,
        "receivers": receivers,
        "edge_features": edge_features,
        "W_kernel": W_kernel,
        "W_bias": W_bias,
        "We_kernel": We_kernel,
        "We_bias": We_bias,
    }

def reference(node_features, senders, receivers, edge_features, W_kernel, W_bias, We_kernel, We_bias):
    num_nodes = node_features.shape[-2]
    # residual=False: single Dense to embed_dim
    h = node_features @ W_kernel + W_bias
    # gather sender node embeddings per edge
    send_edges = jnp.take(h, senders, axis=0)
    # incorporate edge features
    send_edges = send_edges + (edge_features @ We_kernel + We_bias)
    # add_self_edges=True
    send_edges = jnp.concatenate([send_edges, h], axis=0)
    node_inds = jnp.arange(num_nodes, dtype=senders.dtype)
    senders_all = jnp.concatenate([senders, node_inds], axis=0)
    receivers_all = jnp.concatenate([receivers, node_inds], axis=0)
    # normalize=True: symmetric degree normalization (degrees include self edges)
    in_degree = jax.ops.segment_sum(jnp.ones_like(receivers_all), receivers_all, num_nodes).astype(jnp.float32)
    send_degree = jnp.take(in_degree, senders_all, axis=0)
    recv_degree = jnp.take(in_degree, receivers_all, axis=0)
    norm = jax.lax.rsqrt(jnp.clip(send_degree, 1, None) * jnp.clip(recv_degree, 1, None))
    send_edges = send_edges * norm[..., None]
    # scatter-add messages to receiver nodes
    updated_node_features = jax.ops.segment_sum(send_edges, receivers_all, num_nodes)
    return updated_node_features

if __name__ == "__main__":
    import jax
    _d = setup_inputs()
    print(jax.jit(kernel)(*tuple(_d.values())))

</pallas_src>

<mosaic_0001>
#map = affine_map<(d0, d1) -> (0, 0)>
module attributes {stable_mosaic.version = 14 : i64} {
  func.func @_deg_body(%arg0: i32, %arg1: i32, %arg2: memref<1280x128xi32, #tpu.memory_space<hbm>>, %arg3: memref<2x10240xf32, #tpu.memory_space<hbm>>, %arg4: memref<10240xf32, #tpu.memory_space<vmem_shared>>, %arg5: memref<40x128xi32, #tpu.memory_space<vmem>>, %arg6: memref<128xf32, #tpu.memory_space<vmem>>, %arg7: memref<640xf32, #tpu.memory_space<vmem>>) attributes {dimension_semantics = [#tpu.dimension_semantics<core_parallel>, #tpu.dimension_semantics<subcore_parallel>], iteration_bounds = array<i64: 2, 16>, scalar_prefetch = 0 : i64, scratch_operands = 4 : i64, tpu.core_type = #tpu.core_type<sc_vector_subcore>, window_params = [{transform_indices = #map}, {transform_indices = #map}]} {
    %broadcast_in_dim3A = arith.constant 1.000000e+00 : f32
    %broadcast_in_dim3A_0 = vector.broadcast %broadcast_in_dim3A : f32 to vector<16xf32>
    %broadcast_in_dim3A_1 = arith.constant 0.000000e+00 : f32
    %broadcast_in_dim3A_2 = vector.broadcast %broadcast_in_dim3A_1 : f32 to vector<16xf32>
    %scan3A = arith.constant 0 : i32
    %scan3A_3 = arith.constant 8 : i32
    %scan3A_4 = arith.addi %scan3A, %scan3A_3 : i32
    %scan3A_5 = arith.constant 1 : i32
    scf.for %scan3A_27 = %scan3A to %scan3A_4 step %scan3A_5  : i32 {
      %mul3A_28 = arith.constant 1 : i32
      %mul3A_29 = arith.muli %scan3A_27, %mul3A_28 : i32
      %add3A_30 = arith.constant 0 : i32
      %add3A_31 = arith.addi %add3A_30, %mul3A_29 : i32
      %mul3A_32 = arith.constant 16 : i32
      %mul3A_33 = arith.muli %add3A_31, %mul3A_32 : i32
      %swap3A = arith.index_cast %mul3A_33 : i32 to index
      %swap3A_34 = tpu.vector_load %arg6[%swap3A] {strides = array<i32>} : memref<128xf32, #tpu.memory_space<vmem>>, vector<16xf32>,
      %swap3A_35 = vector.shape_cast %swap3A_34 : vector<16xf32> to vector<16xf32>
      %swap3A_36 = vector.shape_cast %broadcast_in_dim3A_0 : vector<16xf32> to vector<16xf32>
      tpu.vector_store %arg6[%swap3A], %swap3A_36 {strides = array<i32>} : memref<128xf32, #tpu.memory_space<vmem>>, vector<16xf32>,
    }
    %scan3A_6 = arith.constant 8 : i32
    %scan3A_7 = arith.constant 0 : i32
    %scan3A_8 = arith.constant 40 : i32
    %scan3A_9 = arith.addi %scan3A_7, %scan3A_8 : i32
    %scan3A_10 = arith.constant 1 : i32
    scf.for %scan3A_27 = %scan3A_7 to %scan3A_9 step %scan3A_10  : i32 {
      %mul3A_28 = arith.constant 1 : i32
      %mul3A_29 = arith.muli %scan3A_27, %mul3A_28 : i32
      %add3A_30 = arith.constant 0 : i32
      %add3A_31 = arith.addi %add3A_30, %mul3A_29 : i32
      %mul3A_32 = arith.constant 16 : i32
      %mul3A_33 = arith.muli %add3A_31, %mul3A_32 : i32
      %swap3A = arith.index_cast %mul3A_33 : i32 to index
      %swap3A_34 = tpu.vector_load %arg7[%swap3A] {strides = array<i32>} : memref<640xf32, #tpu.memory_space<vmem>>, vector<16xf32>,
      %swap3A_35 = vector.shape_cast %swap3A_34 : vector<16xf32> to vector<16xf32>
      %swap3A_36 = vector.shape_cast %broadcast_in_dim3A_2 : vector<16xf32> to vector<16xf32>
      tpu.vector_store %arg7[%swap3A], %swap3A_36 {strides = array<i32>} : memref<640xf32, #tpu.memory_space<vmem>>, vector<16xf32>,
    }
    %scan3A_11 = arith.constant 40 : i32
    %mul3A = arith.constant 640 : i32
    %mul3A_12 = arith.muli %arg1, %mul3A : i32
    "tpu.region"() ({
      %run_scoped3A = tpu.sem_alloc : memref<!tpu.dma_semaphore, #tpu.memory_space<semaphore_mem>>
      %dma_start3A = tpu.memref_slice %arg4[%mul3A_12] : memref<10240xf32, #tpu.memory_space<vmem_shared>> -> memref<640xf32, #tpu.memory_space<vmem_shared>>
      %dma_start3A_27 = tpu.memref_slice %arg4[%mul3A_12] : memref<10240xf32, #tpu.memory_space<vmem_shared>> -> memref<640xf32, #tpu.memory_space<vmem_shared>>
      tpu.enqueue_dma source(%arg7 : memref<640xf32, #tpu.memory_space<vmem>>) target(%dma_start3A_27 : memref<640xf32, #tpu.memory_space<vmem_shared>>) target_semaphore(%run_scoped3A : memref<!tpu.dma_semaphore, #tpu.memory_space<semaphore_mem>>)
      %dma_wait3A = tpu.memref_slice %arg4[%mul3A_12] : memref<10240xf32, #tpu.memory_space<vmem_shared>> -> memref<640xf32, #tpu.memory_space<vmem_shared>>
      %dma_wait3A_28 = tpu.memref_slice %arg4[%mul3A_12] : memref<10240xf32, #tpu.memory_space<vmem_shared>> -> memref<640xf32, #tpu.memory_space<vmem_shared>>
      tpu.wait_dma2 semaphore(%run_scoped3A : memref<!tpu.dma_semaphore, #tpu.memory_space<semaphore_mem>>) src(%arg7 : memref<640xf32, #tpu.memory_space<vmem>>) dst(%dma_wait3A_28 : memref<640xf32, #tpu.memory_space<vmem_shared>>)
      tpu.yield
    }) : () -> ()
    %mul3A_13 = arith.constant 640 : i32
    %mul3A_14 = arith.muli %arg0, %mul3A_13 : i32
    %mul3A_15 = arith.constant 40 : i32
    %mul3A_16 = arith.muli %arg1, %mul3A_15 : i32
    %add3A = arith.addi %mul3A_14, %mul3A_16 : i32
    "tpu.region"() ({
      %run_scoped3A = tpu.sem_alloc : memref<!tpu.dma_semaphore, #tpu.memory_space<semaphore_mem>>
      %dma_start3A = arith.constant 0 : i32
      %dma_start3A_27 = tpu.memref_slice %arg2[%add3A, %dma_start3A] : memref<1280x128xi32, #tpu.memory_space<hbm>> -> memref<40x128xi32, #tpu.memory_space<hbm>>
      %dma_start3A_28 = arith.constant 0 : i32
      %dma_start3A_29 = tpu.memref_slice %arg2[%add3A, %dma_start3A_28] : memref<1280x128xi32, #tpu.memory_space<hbm>> -> memref<40x128xi32, #tpu.memory_space<hbm>>
      tpu.enqueue_dma source(%dma_start3A_29 : memref<40x128xi32, #tpu.memory_space<hbm>>) target(%arg5 : memref<40x128xi32, #tpu.memory_space<vmem>>) target_semaphore(%run_scoped3A : memref<!tpu.dma_semaphore, #tpu.memory_space<semaphore_mem>>)
      %dma_wait3A = arith.constant 0 : i32
      %dma_wait3A_30 = tpu.memref_slice %arg2[%add3A, %dma_wait3A] : memref<1280x128xi32, #tpu.memory_space<hbm>> -> memref<40x128xi32, #tpu.memory_space<hbm>>
      %dma_wait3A_31 = arith.constant 0 : i32
      %dma_wait3A_32 = tpu.memref_slice %arg2[%add3A, %dma_wait3A_31] : memref<1280x128xi32, #tpu.memory_space<hbm>> -> memref<40x128xi32, #tpu.memory_space<hbm>>
      tpu.wait_dma2 semaphore(%run_scoped3A : memref<!tpu.dma_semaphore, #tpu.memory_space<semaphore_mem>>) src(%dma_wait3A_32 : memref<40x128xi32, #tpu.memory_space<hbm>>) dst(%arg5 : memref<40x128xi32, #tpu.memory_space<vmem>>)
      tpu.yield
    }) : () -> ()
    %barrier3A = arith.constant 0 : index
    tpu.barrier barrier_id(%barrier3A)
    %scan3A_17 = arith.constant 0 : i32
    %scan3A_18 = arith.constant 40 : i32
    %scan3A_19 = arith.addi %scan3A_17, %scan3A_18 : i32
    %scan3A_20 = arith.constant 1 : i32
    scf.for %scan3A_27 = %scan3A_17 to %scan3A_19 step %scan3A_20  : i32 {
      %mul3A_28 = arith.constant 1 : i32
      %mul3A_29 = arith.muli %scan3A_27, %mul3A_28 : i32
      %add3A_30 = arith.constant 0 : i32
      %add3A_31 = arith.addi %add3A_30, %mul3A_29 : i32
      "tpu.region"() ({
        %run_scoped3A = tpu.sem_alloc : memref<!tpu.dma_semaphore, #tpu.memory_space<semaphore_mem>>
        %dma_start3A = arith.constant 0 : i32
        %dma_start3A_32 = tpu.memref_slice %arg5[%add3A_31, %dma_start3A] : memref<40x128xi32, #tpu.memory_space<vmem>> -> memref<1x128xi32, #tpu.memory_space<vmem>>
        %dma_start3A_33 = tpu.memref_squeeze %dma_start3A_32 : memref<1x128xi32, #tpu.memory_space<vmem>> -> memref<128xi32, #tpu.memory_space<vmem>>
        %dma_start3A_34 = arith.constant 0 : i32
        %dma_start3A_35 = tpu.memref_slice %arg4[%dma_start3A_34] : memref<10240xf32, #tpu.memory_space<vmem_shared>> -> memref<10240xf32, #tpu.memory_space<vmem_shared>>
        tpu.enqueue_indirect_dma source(%arg6 : memref<128xf32, #tpu.memory_space<vmem>>) target(%dma_start3A_35 : memref<10240xf32, #tpu.memory_space<vmem_shared>>) offsets(%dma_start3A_33 : memref<128xi32, #tpu.memory_space<vmem>>) semaphore(%run_scoped3A : memref<!tpu.dma_semaphore, #tpu.memory_space<semaphore_mem>>) {add = true}
        %dma_wait3A = arith.constant 0 : i32
        %dma_wait3A_36 = tpu.memref_slice %arg5[%add3A_31, %dma_wait3A] : memref<40x128xi32, #tpu.memory_space<vmem>> -> memref<1x128xi32, #tpu.memory_space<vmem>>
        %dma_wait3A_37 = tpu.memref_squeeze %dma_wait3A_36 : memref<1x128xi32, #tpu.memory_space<vmem>> -> memref<128xi32, #tpu.memory_space<vmem>>
        %dma_wait3A_38 = arith.constant 0 : i32
        %dma_wait3A_39 = tpu.memref_slice %arg4[%dma_wait3A_38] : memref<10240xf32, #tpu.memory_space<vmem_shared>> -> memref<10240xf32, #tpu.memory_space<vmem_shared>>
        tpu.wait_indirect_dma semaphore(%run_scoped3A : memref<!tpu.dma_semaphore, #tpu.memory_space<semaphore_mem>>) src(%arg6 : memref<128xf32, #tpu.memory_space<vmem>>) dst(%dma_wait3A_39 : memref<10240xf32, #tpu.memory_space<vmem_shared>>)
        tpu.yield
      }) : () -> ()
    }
    %scan3A_21 = arith.constant 40 : i32
    %barrier3A_22 = arith.constant 0 : index
    tpu.barrier barrier_id(%barrier3A_22)
    %mul3A_23 = arith.constant 640 : i32
    %mul3A_24 = arith.muli %arg1, %mul3A_23 : i32
    %mul3A_25 = arith.constant 640 : i32
    %mul3A_26 = arith.muli %arg1, %mul3A_25 : i32
    "tpu.region"() ({
      %run_scoped3A = tpu.sem_alloc : memref<!tpu.dma_semaphore, #tpu.memory_space<semaphore_mem>>
      %dma_start3A = tpu.memref_slice %arg3[%arg0, %mul3A_26] : memref<2x10240xf32, #tpu.memory_space<hbm>> -> memref<1x640xf32, #tpu.memory_space<hbm>>
      %dma_start3A_27 = tpu.memref_squeeze %dma_start3A : memref<1x640xf32, #tpu.memory_space<hbm>> -> memref<640xf32, #tpu.memory_space<hbm>>
      %dma_start3A_28 = tpu.memref_slice %arg4[%mul3A_24] : memref<10240xf32, #tpu.memory_space<vmem_shared>> -> memref<640xf32, #tpu.memory_space<vmem_shared>>
      tpu.enqueue_dma source(%dma_start3A_28 : memref<640xf32, #tpu.memory_space<vmem_shared>>) target(%dma_start3A_27 : memref<640xf32, #tpu.memory_space<hbm>>) target_semaphore(%run_scoped3A : memref<!tpu.dma_semaphore, #tpu.memory_space<semaphore_mem>>)
      %dma_wait3A = tpu.memref_slice %arg3[%arg0, %mul3A_26] : memref<2x10240xf32, #tpu.memory_space<hbm>> -> memref<1x640xf32, #tpu.memory_space<hbm>>
      %dma_wait3A_29 = tpu.memref_squeeze %dma_wait3A : memref<1x640xf32, #tpu.memory_space<hbm>> -> memref<640xf32, #tpu.memory_space<hbm>>
      %dma_wait3A_30 = tpu.memref_slice %arg4[%mul3A_24] : memref<10240xf32, #tpu.memory_space<vmem_shared>> -> memref<640xf32, #tpu.memory_space<vmem_shared>>
      tpu.wait_dma2 semaphore(%run_scoped3A : memref<!tpu.dma_semaphore, #tpu.memory_space<semaphore_mem>>) src(%dma_wait3A_30 : memref<640xf32, #tpu.memory_space<vmem_shared>>) dst(%dma_wait3A_29 : memref<640xf32, #tpu.memory_space<hbm>>)
      tpu.yield
    }) : () -> ()
    return
  }
}

#map = affine_map<(d0, d1) -> (0, 0)>
#map1 = affine_map<(d0, d1) -> (0, 0, 0)>
module attributes {stable_mosaic.version = 14 : i64} {
  func.func @_hn_body(%arg0: i32, %arg1: i32, %arg2: memref<1280x128xi32, #tpu.memory_space<hbm>>, %arg3: memref<1280x128xi32, #tpu.memory_space<hbm>>, %arg4: memref<2x10240x128xf32, #tpu.memory_space<hbm>>, %arg5: memref<2x10240x128xf32, #tpu.memory_space<hbm>>, %arg6: memref<10240x128xf32, #tpu.memory_space<vmem_shared>>, %arg7: memref<80x128xi32, #tpu.memory_space<vmem>>, %arg8: memref<2x8x128xi32, #tpu.memory_space<vmem>>, %arg9: memref<128x128xf32, #tpu.memory_space<vmem>>, %arg10: memref<128x128xf32, #tpu.memory_space<vmem>>, %arg11: memref<!tpu.dma_semaphore, #tpu.memory_space<semaphore_mem>>, %arg12: memref<!tpu.dma_semaphore, #tpu.memory_space<semaphore_mem>>, %arg13: memref<!tpu.dma_semaphore, #tpu.memory_space<semaphore_mem>>) attributes {dimension_semantics = [#tpu.dimension_semantics<core_parallel>, #tpu.dimension_semantics<subcore_parallel>], iteration_bounds = array<i64: 2, 16>, scalar_prefetch = 0 : i64, scratch_operands = 8 : i64, tpu.core_type = #tpu.core_type<sc_vector_subcore>, window_params = [{transform_indices = #map}, {transform_indices = #map}, {transform_indices = #map1}, {transform_indices = #map1}]} {
    %broadcast_in_dim3A = arith.constant 0.000000e+00 : f32
    %broadcast_in_dim3A_0 = vector.broadcast %broadcast_in_dim3A : f32 to vector<16xf32>
    %scan3A = arith.constant 0 : i32
    %scan3A_1 = arith.constant 128 : i32
    %scan3A_2 = arith.addi %scan3A, %scan3A_1 : i32
    %scan3A_3 = arith.constant 1 : i32
    scf.for %scan3A_24 = %scan3A to %scan3A_2 step %scan3A_3  : i32 {
      %mul3A_25 = arith.constant 1 : i32
      %mul3A_26 = arith.muli %scan3A_24, %mul3A_25 : i32
      %add3A = arith.constant 0 : i32
      %add3A_27 = arith.addi %add3A, %mul3A_26 : i32
      %swap3A = arith.index_cast %add3A_27 : i32 to index
      %swap3A_28 = arith.constant 0 : index
      %swap3A_29 = tpu.vector_load %arg9[%swap3A, %swap3A_28] {strides = array<i32>} : memref<128x128xf32, #tpu.memory_space<vmem>>, vector<1x16xf32>,
      %swap3A_30 = vector.shape_cast %swap3A_29 : vector<1x16xf32> to vector<16xf32>
      %swap3A_31 = vector.shape_cast %broadcast_in_dim3A_0 : vector<16xf32> to vector<1x16xf32>
      tpu.vector_store %arg9[%swap3A, %swap3A_28], %swap3A_31 {strides = array<i32>} : memref<128x128xf32, #tpu.memory_space<vmem>>, vector<1x16xf32>,
      %swap3A_32 = arith.index_cast %add3A_27 : i32 to index
      %swap3A_33 = arith.constant 16 : index
      %swap3A_34 = tpu.vector_load %arg9[%swap3A_32, %swap3A_33] {strides = array<i32>} : memref<128x128xf32, #tpu.memory_space<vmem>>, vector<1x16xf32>,
      %swap3A_35 = vector.shape_cast %swap3A_34 : vector<1x16xf32> to vector<16xf32>
      %swap3A_36 = vector.shape_cast %broadcast_in_dim3A_0 : vector<16xf32> to vector<1x16xf32>
      tpu.vector_store %arg9[%swap3A_32, %swap3A_33], %swap3A_36 {strides = array<i32>} : memref<128x128xf32, #tpu.memory_space<vmem>>, vector<1x16xf32>,
      %swap3A_37 = arith.index_cast %add3A_27 : i32 to index
      %swap3A_38 = arith.constant 32 : index
      %swap3A_39 = tpu.vector_load %arg9[%swap3A_37, %swap3A_38] {strides = array<i32>} : memref<128x128xf32, #tpu.memory_space<vmem>>, vector<1x16xf32>,
      %swap3A_40 = vector.shape_cast %swap3A_39 : vector<1x16xf32> to vector<16xf32>
      %swap3A_41 = vector.shape_cast %broadcast_in_dim3A_0 : vector<16xf32> to vector<1x16xf32>
      tpu.vector_store %arg9[%swap3A_37, %swap3A_38], %swap3A_41 {strides = array<i32>} : memref<128x128xf32, #tpu.memory_space<vmem>>, vector<1x16xf32>,
      %swap3A_42 = arith.index_cast %add3A_27 : i32 to index
      %swap3A_43 = arith.constant 48 : index
      %swap3A_44 = tpu.vector_load %arg9[%swap3A_42, %swap3A_43] {strides = array<i32>} : memref<128x128xf32, #tpu.memory_space<vmem>>, vector<1x16xf32>,
      %swap3A_45 = vector.shape_cast %swap3A_44 : vector<1x16xf32> to vector<16xf32>
      %swap3A_46 = vector.shape_cast %broadcast_in_dim3A_0 : vector<16xf32> to vector<1x16xf32>
      tpu.vector_store %arg9[%swap3A_42, %swap3A_43], %swap3A_46 {strides = array<i32>} : memref<128x128xf32, #tpu.memory_space<vmem>>, vector<1x16xf32>,
      %swap3A_47 = arith.index_cast %add3A_27 : i32 to index
      %swap3A_48 = arith.constant 64 : index
      %swap3A_49 = tpu.vector_load %arg9[%swap3A_47, %swap3A_48] {strides = array<i32>} : memref<128x128xf32, #tpu.memory_space<vmem>>, vector<1x16xf32>,
      %swap3A_50 = vector.shape_cast %swap3A_49 : vector<1x16xf32> to vector<16xf32>
      %swap3A_51 = vector.shape_cast %broadcast_in_dim3A_0 : vector<16xf32> to vector<1x16xf32>
      tpu.vector_store %arg9[%swap3A_47, %swap3A_48], %swap3A_51 {strides = array<i32>} : memref<128x128xf32, #tpu.memory_space<vmem>>, vector<1x16xf32>,
      %swap3A_52 = arith.index_cast %add3A_27 : i32 to index
      %swap3A_53 = arith.constant 80 : index
      %swap3A_54 = tpu.vector_load %arg9[%swap3A_52, %swap3A_53] {strides = array<i32>} : memref<128x128xf32, #tpu.memory_space<vmem>>, vector<1x16xf32>,
      %swap3A_55 = vector.shape_cast %swap3A_54 : vector<1x16xf32> to vector<16xf32>
      %swap3A_56 = vector.shape_cast %broadcast_in_dim3A_0 : vector<16xf32> to vector<1x16xf32>
      tpu.vector_store %arg9[%swap3A_52, %swap3A_53], %swap3A_56 {strides = array<i32>} : memref<128x128xf32, #tpu.memory_space<vmem>>, vector<1x16xf32>,
      %swap3A_57 = arith.index_cast %add3A_27 : i32 to index
      %swap3A_58 = arith.constant 96 : index
      %swap3A_59 = tpu.vector_load %arg9[%swap3A_57, %swap3A_58] {strides = array<i32>} : memref<128x128xf32, #tpu.memory_space<vmem>>, vector<1x16xf32>,
      %swap3A_60 = vector.shape_cast %swap3A_59 : vector<1x16xf32> to vector<16xf32>
      %swap3A_61 = vector.shape_cast %broadcast_in_dim3A_0 : vector<16xf32> to vector<1x16xf32>
      tpu.vector_store %arg9[%swap3A_57, %swap3A_58], %swap3A_61 {strides = array<i32>} : memref<128x128xf32, #tpu.memory_space<vmem>>, vector<1x16xf32>,
      %swap3A_62 = arith.index_cast %add3A_27 : i32 to index
      %swap3A_63 = arith.constant 112 : index
      %swap3A_64 = tpu.vector_load %arg9[%swap3A_62, %swap3A_63] {strides = array<i32>} : memref<128x128xf32, #tpu.memory_space<vmem>>, vector<1x16xf32>,
      %swap3A_65 = vector.shape_cast %swap3A_64 : vector<1x16xf32> to vector<16xf32>
      %swap3A_66 = vector.shape_cast %broadcast_in_dim3A_0 : vector<16xf32> to vector<1x16xf32>
      tpu.vector_store %arg9[%swap3A_62, %swap3A_63], %swap3A_66 {strides = array<i32>} : memref<128x128xf32, #tpu.memory_space<vmem>>, vector<1x16xf32>,
    }
    %scan3A_4 = arith.constant 128 : i32
    %scan3A_5 = arith.constant 0 : i32
    %scan3A_6 = arith.constant 5 : i32
    %scan3A_7 = arith.addi %scan3A_5, %scan3A_6 : i32
    %scan3A_8 = arith.constant 1 : i32
    scf.for %scan3A_24 = %scan3A_5 to %scan3A_7 step %scan3A_8  : i32 {
      %mul3A_25 = arith.constant 1 : i32
      %mul3A_26 = arith.muli %scan3A_24, %mul3A_25 : i32
      %add3A = arith.constant 0 : i32
      %add3A_27 = arith.addi %add3A, %mul3A_26 : i32
      %mul3A_28 = arith.constant 640 : i32
      %mul3A_29 = arith.muli %arg1, %mul3A_28 : i32
      %mul3A_30 = arith.constant 128 : i32
      %mul3A_31 = arith.muli %add3A_27, %mul3A_30 : i32
      %add3A_32 = arith.addi %mul3A_29, %mul3A_31 : i32
      "tpu.region"() ({
        %run_scoped3A = tpu.sem_alloc : memref<!tpu.dma_semaphore, #tpu.memory_space<semaphore_mem>>
        %dma_start3A = arith.constant 0 : i32
        %dma_start3A_33 = tpu.memref_slice %arg6[%add3A_32, %dma_start3A] : memref<10240x128xf32, #tpu.memory_space<vmem_shared>> -> memref<128x128xf32, #tpu.memory_space<vmem_shared>>
        %dma_start3A_34 = arith.constant 0 : i32
        %dma_start3A_35 = tpu.memref_slice %arg6[%add3A_32, %dma_start3A_34] : memref<10240x128xf32, #tpu.memory_space<vmem_shared>> -> memref<128x128xf32, #tpu.memory_space<vmem_shared>>
        tpu.enqueue_dma source(%arg9 : memref<128x128xf32, #tpu.memory_space<vmem>>) target(%dma_start3A_35 : memref<128x128xf32, #tpu.memory_space<vmem_shared>>) target_semaphore(%run_scoped3A : memref<!tpu.dma_semaphore, #tpu.memory_space<semaphore_mem>>)
        %dma_wait3A = arith.constant 0 : i32
        %dma_wait3A_36 = tpu.memref_slice %arg6[%add3A_32, %dma_wait3A] : memref<10240x128xf32, #tpu.memory_space<vmem_shared>> -> memref<128x128xf32, #tpu.memory_space<vmem_shared>>
        %dma_wait3A_37 = arith.constant 0 : i32
        %dma_wait3A_38 = tpu.memref_slice %arg6[%add3A_32, %dma_wait3A_37] : memref<10240x128xf32, #tpu.memory_space<vmem_shared>> -> memref<128x128xf32, #tpu.memory_space<vmem_shared>>
        tpu.wait_dma2 semaphore(%run_scoped3A : memref<!tpu.dma_semaphore, #tpu.memory_space<semaphore_mem>>) src(%arg9 : memref<128x128xf32, #tpu.memory_space<vmem>>) dst(%dma_wait3A_38 : memref<128x128xf32, #tpu.memory_space<vmem_shared>>)
        tpu.yield
      }) : () -> ()
    }
    %scan3A_9 = arith.constant 5 : i32
    %mul3A = arith.constant 80 : i32
    %mul3A_10 = arith.muli %arg1, %mul3A : i32
    "tpu.region"() ({
      %run_scoped3A = tpu.sem_alloc : memref<!tpu.dma_semaphore, #tpu.memory_space<semaphore_mem>>
      %dma_start3A = arith.constant 0 : i32
      %dma_start3A_24 = tpu.memref_slice %arg2[%mul3A_10, %dma_start3A] : memref<1280x128xi32, #tpu.memory_space<hbm>> -> memref<80x128xi32, #tpu.memory_space<hbm>>
      %dma_start3A_25 = arith.constant 0 : i32
      %dma_start3A_26 = tpu.memref_slice %arg2[%mul3A_10, %dma_start3A_25] : memref<1280x128xi32, #tpu.memory_space<hbm>> -> memref<80x128xi32, #tpu.memory_space<hbm>>
      tpu.enqueue_dma source(%dma_start3A_26 : memref<80x128xi32, #tpu.memory_space<hbm>>) target(%arg7 : memref<80x128xi32, #tpu.memory_space<vmem>>) target_semaphore(%run_scoped3A : memref<!tpu.dma_semaphore, #tpu.memory_space<semaphore_mem>>)
      %dma_wait3A = arith.constant 0 : i32
      %dma_wait3A_27 = tpu.memref_slice %arg2[%mul3A_10, %dma_wait3A] : memref<1280x128xi32, #tpu.memory_space<hbm>> -> memref<80x128xi32, #tpu.memory_space<hbm>>
      %dma_wait3A_28 = arith.constant 0 : i32
      %dma_wait3A_29 = tpu.memref_slice %arg2[%mul3A_10, %dma_wait3A_28] : memref<1280x128xi32, #tpu.memory_space<hbm>> -> memref<80x128xi32, #tpu.memory_space<hbm>>
      tpu.wait_dma2 semaphore(%run_scoped3A : memref<!tpu.dma_semaphore, #tpu.memory_space<semaphore_mem>>) src(%dma_wait3A_29 : memref<80x128xi32, #tpu.memory_space<hbm>>) dst(%arg7 : memref<80x128xi32, #tpu.memory_space<vmem>>)
      tpu.yield
    }) : () -> ()
    %barrier3A = arith.constant 0 : index
    tpu.barrier barrier_id(%barrier3A)
    %eq3A = arith.constant 0 : i32
    %eq3A_11 = arith.cmpi eq, %arg0, %eq3A : i32
    %convert_element_type3A = arith.extui %eq3A_11 : i1 to i32
    %cond3A = arith.constant 0 : i32
    %cond3A_12 = arith.cmpi ne, %convert_element_type3A, %cond3A : i32
    scf.if %cond3A_12 {
      %dma_start3A = arith.constant 0 : i32
      %dma_start3A_24 = arith.constant 0 : i32
      %dma_start3A_25 = arith.constant 0 : i32
      %dma_start3A_26 = tpu.memref_slice %arg8[%dma_start3A, %dma_start3A_24, %dma_start3A_25] : memref<2x8x128xi32, #tpu.memory_space<vmem>> -> memref<1x8x128xi32, #tpu.memory_space<vmem>>
      %dma_start3A_27 = tpu.memref_squeeze %dma_start3A_26 : memref<1x8x128xi32, #tpu.memory_space<vmem>> -> memref<8x128xi32, #tpu.memory_space<vmem>>
      %dma_start3A_28 = arith.constant 0 : i32
      %dma_start3A_29 = tpu.memref_slice %arg3[%mul3A_10, %dma_start3A_28] : memref<1280x128xi32, #tpu.memory_space<hbm>> -> memref<8x128xi32, #tpu.memory_space<hbm>>
      %dma_start3A_30 = arith.constant 0 : i32
      %dma_start3A_31 = arith.constant 0 : i32
      %dma_start3A_32 = tpu.memref_slice %arg8[%dma_start3A, %dma_start3A_30, %dma_start3A_31] : memref<2x8x128xi32, #tpu.memory_space<vmem>> -> memref<1x8x128xi32, #tpu.memory_space<vmem>>
      %dma_start3A_33 = tpu.memref_squeeze %dma_start3A_32 : memref<1x8x128xi32, #tpu.memory_space<vmem>> -> memref<8x128xi32, #tpu.memory_space<vmem>>
      %dma_start3A_34 = arith.constant 0 : i32
      %dma_start3A_35 = tpu.memref_slice %arg3[%mul3A_10, %dma_start3A_34] : memref<1280x128xi32, #tpu.memory_space<hbm>> -> memref<8x128xi32, #tpu.memory_space<hbm>>
      tpu.enqueue_dma source(%dma_start3A_35 : memref<8x128xi32, #tpu.memory_space<hbm>>) target(%dma_start3A_33 : memref<8x128xi32, #tpu.memory_space<vmem>>) target_semaphore(%arg13 : memref<!tpu.dma_semaphore, #tpu.memory_space<semaphore_mem>>)
      %dma_start3A_36 = arith.constant 0 : i32
      %dma_start3A_37 = arith.constant 0 : i32
      %dma_start3A_38 = arith.constant 0 : i32
      %dma_start3A_39 = tpu.memref_slice %arg7[%dma_start3A_37, %dma_start3A_38] : memref<80x128xi32, #tpu.memory_space<vmem>> -> memref<1x128xi32, #tpu.memory_space<vmem>>
      %dma_start3A_40 = tpu.memref_squeeze %dma_start3A_39 : memref<1x128xi32, #tpu.memory_space<vmem>> -> memref<128xi32, #tpu.memory_space<vmem>>
      %dma_start3A_41 = arith.constant 0 : i32
      %dma_start3A_42 = arith.constant 0 : i32
      %dma_start3A_43 = tpu.memref_slice %arg4[%dma_start3A_36, %dma_start3A_41, %dma_start3A_42] : memref<2x10240x128xf32, #tpu.memory_space<hbm>> -> memref<1x10240x128xf32, #tpu.memory_space<hbm>>
      %dma_start3A_44 = tpu.memref_squeeze %dma_start3A_43 : memref<1x10240x128xf32, #tpu.memory_space<hbm>> -> memref<10240x128xf32, #tpu.memory_space<hbm>>
      %dma_start3A_45 = arith.constant 0 : i32
      %dma_start3A_46 = arith.constant 0 : i32
      %dma_start3A_47 = tpu.memref_slice %dma_start3A_44[%dma_start3A_45, %dma_start3A_46] : memref<10240x128xf32, #tpu.memory_space<hbm>> -> memref<10240x128xf32, #tpu.memory_space<hbm>>
      tpu.enqueue_indirect_dma source(%dma_start3A_47 : memref<10240x128xf32, #tpu.memory_space<hbm>>) target(%arg9 : memref<128x128xf32, #tpu.memory_space<vmem>>) offsets(%dma_start3A_40 : memref<128xi32, #tpu.memory_space<vmem>>) semaphore(%arg11 : memref<!tpu.dma_semaphore, #tpu.memory_space<semaphore_mem>>)
      %dma_start3A_48 = arith.constant 0 : i32
      %dma_start3A_49 = arith.constant 1 : i32
      %dma_start3A_50 = arith.constant 0 : i32
      %dma_start3A_51 = tpu.memref_slice %arg7[%dma_start3A_49, %dma_start3A_50] : memref<80x128xi32, #tpu.memory_space<vmem>> -> memref<1x128xi32, #tpu.memory_space<vmem>>
      %dma_start3A_52 = tpu.memref_squeeze %dma_start3A_51 : memref<1x128xi32, #tpu.memory_space<vmem>> -> memref<128xi32, #tpu.memory_space<vmem>>
      %dma_start3A_53 = arith.constant 0 : i32
      %dma_start3A_54 = arith.constant 0 : i32
      %dma_start3A_55 = tpu.memref_slice %arg4[%dma_start3A_48, %dma_start3A_53, %dma_start3A_54] : memref<2x10240x128xf32, #tpu.memory_space<hbm>> -> memref<1x10240x128xf32, #tpu.memory_space<hbm>>
      %dma_start3A_56 = tpu.memref_squeeze %dma_start3A_55 : memref<1x10240x128xf32, #tpu.memory_space<hbm>> -> memref<10240x128xf32, #tpu.memory_space<hbm>>
      %dma_start3A_57 = arith.constant 0 : i32
      %dma_start3A_58 = arith.constant 0 : i32
      %dma_start3A_59 = tpu.memref_slice %dma_start3A_56[%dma_start3A_57, %dma_start3A_58] : memref<10240x128xf32, #tpu.memory_space<hbm>> -> memref<10240x128xf32, #tpu.memory_space<hbm>>
      tpu.enqueue_indirect_dma source(%dma_start3A_59 : memref<10240x128xf32, #tpu.memory_space<hbm>>) target(%arg10 : memref<128x128xf32, #tpu.memory_space<vmem>>) offsets(%dma_start3A_52 : memref<128xi32, #tpu.memory_space<vmem>>) semaphore(%arg12 : memref<!tpu.dma_semaphore, #tpu.memory_space<semaphore_mem>>)
      %scan3A_60 = arith.constant 0 : i32
      %scan3A_61 = arith.constant 0 : i32
      %scan3A_62 = arith.constant 10 : i32
      %scan3A_63 = arith.addi %scan3A_61, %scan3A_62 : i32
      %scan3A_64 = arith.constant 1 : i32
      scf.for %scan3A_66 = %scan3A_61 to %scan3A_63 step %scan3A_64  : i32 {
        %mul3A_67 = arith.constant 1 : i32
        %mul3A_68 = arith.muli %scan3A_66, %mul3A_67 : i32
        %add3A = arith.constant 0 : i32
        %add3A_69 = arith.addi %add3A, %mul3A_68 : i32
        %rem3A = arith.constant 2 : i32
        %rem3A_70 = arith.remsi %add3A_69, %rem3A : i32
        %dma_wait3A = arith.constant 0 : i32
        %dma_wait3A_71 = arith.constant 0 : i32
        %dma_wait3A_72 = arith.constant 0 : i32
        %dma_wait3A_73 = tpu.memref_slice %arg8[%dma_wait3A, %dma_wait3A_71, %dma_wait3A_72] : memref<2x8x128xi32, #tpu.memory_space<vmem>> -> memref<1x8x128xi32, #tpu.memory_space<vmem>>
        %dma_wait3A_74 = tpu.memref_squeeze %dma_wait3A_73 : memref<1x8x128xi32, #tpu.memory_space<vmem>> -> memref<8x128xi32, #tpu.memory_space<vmem>>
        %dma_wait3A_75 = arith.constant 0 : i32
        %dma_wait3A_76 = tpu.memref_slice %arg3[%mul3A_10, %dma_wait3A_75] : memref<1280x128xi32, #tpu.memory_space<hbm>> -> memref<8x128xi32, #tpu.memory_space<hbm>>
        %dma_wait3A_77 = arith.constant 0 : i32
        %dma_wait3A_78 = arith.constant 0 : i32
        %dma_wait3A_79 = tpu.memref_slice %arg8[%dma_wait3A, %dma_wait3A_77, %dma_wait3A_78] : memref<2x8x128xi32, #tpu.memory_space<vmem>> -> memref<1x8x128xi32, #tpu.memory_space<vmem>>
        %dma_wait3A_80 = tpu.memref_squeeze %dma_wait3A_79 : memref<1x8x128xi32, #tpu.memory_space<vmem>> -> memref<8x128xi32, #tpu.memory_space<vmem>>
        %dma_wait3A_81 = arith.constant 0 : i32
        %dma_wait3A_82 = tpu.memref_slice %arg3[%mul3A_10, %dma_wait3A_81] : memref<1280x128xi32, #tpu.memory_space<hbm>> -> memref<8x128xi32, #tpu.memory_space<hbm>>
        tpu.wait_dma2 semaphore(%arg13 : memref<!tpu.dma_semaphore, #tpu.memory_space<semaphore_mem>>) src(%dma_wait3A_82 : memref<8x128xi32, #tpu.memory_space<hbm>>) dst(%dma_wait3A_80 : memref<8x128xi32, #tpu.memory_space<vmem>>)
        %lt3A = arith.constant 9 : i32
        %lt3A_83 = arith.cmpi slt, %add3A_69, %lt3A : i32
        %convert_element_type3A_84 = arith.extui %lt3A_83 : i1 to i32
        %cond3A_85 = arith.constant 0 : i32
        %cond3A_86 = arith.cmpi ne, %convert_element_type3A_84, %cond3A_85 : i32
        scf.if %cond3A_86 {
          %add3A_92 = arith.constant 1 : i32
          %add3A_93 = arith.addi %add3A_69, %add3A_92 : i32
          %mul3A_94 = arith.constant 8 : i32
          %mul3A_95 = arith.muli %add3A_93, %mul3A_94 : i32
          %add3A_96 = arith.addi %mul3A_10, %mul3A_95 : i32
          %sub3A = arith.constant 1 : i32
          %sub3A_97 = arith.subi %sub3A, %rem3A_70 : i32
          %dma_start3A_98 = arith.constant 0 : i32
          %dma_start3A_99 = arith.constant 0 : i32
          %dma_start3A_100 = tpu.memref_slice %arg8[%sub3A_97, %dma_start3A_98, %dma_start3A_99] : memref<2x8x128xi32, #tpu.memory_space<vmem>> -> memref<1x8x128xi32, #tpu.memory_space<vmem>>
          %dma_start3A_101 = tpu.memref_squeeze %dma_start3A_100 : memref<1x8x128xi32, #tpu.memory_space<vmem>> -> memref<8x128xi32, #tpu.memory_space<vmem>>
          %dma_start3A_102 = arith.constant 0 : i32
          %dma_start3A_103 = tpu.memref_slice %arg3[%add3A_96, %dma_start3A_102] : memref<1280x128xi32, #tpu.memory_space<hbm>> -> memref<8x128xi32, #tpu.memory_space<hbm>>
          %dma_start3A_104 = arith.constant 0 : i32
          %dma_start3A_105 = arith.constant 0 : i32
          %dma_start3A_106 = tpu.memref_slice %arg8[%sub3A_97, %dma_start3A_104, %dma_start3A_105] : memref<2x8x128xi32, #tpu.memory_space<vmem>> -> memref<1x8x128xi32, #tpu.memory_space<vmem>>
          %dma_start3A_107 = tpu.memref_squeeze %dma_start3A_106 : memref<1x8x128xi32, #tpu.memory_space<vmem>> -> memref<8x128xi32, #tpu.memory_space<vmem>>
          %dma_start3A_108 = arith.constant 0 : i32
          %dma_start3A_109 = tpu.memref_slice %arg3[%add3A_96, %dma_start3A_108] : memref<1280x128xi32, #tpu.memory_space<hbm>> -> memref<8x128xi32, #tpu.memory_space<hbm>>
          tpu.enqueue_dma source(%dma_start3A_109 : memref<8x128xi32, #tpu.memory_space<hbm>>) target(%dma_start3A_107 : memref<8x128xi32, #tpu.memory_space<vmem>>) target_semaphore(%arg13 : memref<!tpu.dma_semaphore, #tpu.memory_space<semaphore_mem>>)
        } else {
        }
        %scan3A_87 = arith.constant 0 : i32
        %scan3A_88 = arith.constant 4 : i32
        %scan3A_89 = arith.addi %scan3A_87, %scan3A_88 : i32
        %scan3A_90 = arith.constant 1 : i32
        scf.for %scan3A_92 = %scan3A_87 to %scan3A_89 step %scan3A_90  : i32 {
          %mul3A_93 = arith.constant 1 : i32
          %mul3A_94 = arith.muli %scan3A_92, %mul3A_93 : i32
          %add3A_95 = arith.constant 0 : i32
          %add3A_96 = arith.addi %add3A_95, %mul3A_94 : i32
          %mul3A_97 = arith.constant 8 : i32
          %mul3A_98 = arith.muli %add3A_69, %mul3A_97 : i32
          %mul3A_99 = arith.constant 2 : i32
          %mul3A_100 = arith.muli %mul3A_99, %add3A_96 : i32
          %add3A_101 = arith.addi %mul3A_98, %mul3A_100 : i32
          %dma_wait3A_102 = arith.constant 0 : i32
          %dma_wait3A_103 = arith.constant 0 : i32
          %dma_wait3A_104 = tpu.memref_slice %arg7[%dma_wait3A_102, %dma_wait3A_103] : memref<80x128xi32, #tpu.memory_space<vmem>> -> memref<1x128xi32, #tpu.memory_space<vmem>>
          %dma_wait3A_105 = tpu.memref_squeeze %dma_wait3A_104 : memref<1x128xi32, #tpu.memory_space<vmem>> -> memref<128xi32, #tpu.memory_space<vmem>>
          %dma_wait3A_106 = arith.constant 0 : i32
          %dma_wait3A_107 = arith.constant 0 : i32
          %dma_wait3A_108 = tpu.memref_slice %arg4[%scan3A_60, %dma_wait3A_106, %dma_wait3A_107] : memref<2x10240x128xf32, #tpu.memory_space<hbm>> -> memref<1x10240x128xf32, #tpu.memory_space<hbm>>
          %dma_wait3A_109 = tpu.memref_squeeze %dma_wait3A_108 : memref<1x10240x128xf32, #tpu.memory_space<hbm>> -> memref<10240x128xf32, #tpu.memory_space<hbm>>
          %dma_wait3A_110 = arith.constant 0 : i32
          %dma_wait3A_111 = arith.constant 0 : i32
          %dma_wait3A_112 = tpu.memref_slice %dma_wait3A_109[%dma_wait3A_110, %dma_wait3A_111] : memref<10240x128xf32, #tpu.memory_space<hbm>> -> memref<10240x128xf32, #tpu.memory_space<hbm>>
          tpu.wait_indirect_dma semaphore(%arg11 : memref<!tpu.dma_semaphore, #tpu.memory_space<semaphore_mem>>) src(%dma_wait3A_112 : memref<10240x128xf32, #tpu.memory_space<hbm>>) dst(%arg9 : memref<128x128xf32, #tpu.memory_space<vmem>>)
          %mul3A_113 = arith.constant 2 : i32
          %mul3A_114 = arith.muli %mul3A_113, %add3A_96 : i32
          "tpu.region"() ({
            %run_scoped3A = tpu.sem_alloc : memref<!tpu.dma_semaphore, #tpu.memory_space<semaphore_mem>>
            %dma_start3A_144 = arith.constant 0 : i32
            %dma_start3A_145 = tpu.memref_slice %arg8[%rem3A_70, %mul3A_114, %dma_start3A_144] : memref<2x8x128xi32, #tpu.memory_space<vmem>> -> memref<1x1x128xi32, #tpu.memory_space<vmem>>
            %dma_start3A_146 = tpu.memref_squeeze %dma_start3A_145 : memref<1x1x128xi32, #tpu.memory_space<vmem>> -> memref<128xi32, #tpu.memory_space<vmem>>
            %dma_start3A_147 = arith.constant 0 : i32
            %dma_start3A_148 = arith.constant 0 : i32
            %dma_start3A_149 = tpu.memref_slice %arg6[%dma_start3A_147, %dma_start3A_148] : memref<10240x128xf32, #tpu.memory_space<vmem_shared>> -> memref<10240x128xf32, #tpu.memory_space<vmem_shared>>
            tpu.enqueue_indirect_dma source(%arg9 : memref<128x128xf32, #tpu.memory_space<vmem>>) target(%dma_start3A_149 : memref<10240x128xf32, #tpu.memory_space<vmem_shared>>) offsets(%dma_start3A_146 : memref<128xi32, #tpu.memory_space<vmem>>) semaphore(%run_scoped3A : memref<!tpu.dma_semaphore, #tpu.memory_space<semaphore_mem>>) {add = true}
            %dma_wait3A_150 = arith.constant 0 : i32
            %dma_wait3A_151 = tpu.memref_slice %arg8[%rem3A_70, %mul3A_114, %dma_wait3A_150] : memref<2x8x128xi32, #tpu.memory_space<vmem>> -> memref<1x1x128xi32, #tpu.memory_space<vmem>>
            %dma_wait3A_152 = tpu.memref_squeeze %dma_wait3A_151 : memref<1x1x128xi32, #tpu.memory_space<vmem>> -> memref<128xi32, #tpu.memory_space<vmem>>
            %dma_wait3A_153 = arith.constant 0 : i32
            %dma_wait3A_154 = arith.constant 0 : i32
            %dma_wait3A_155 = tpu.memref_slice %arg6[%dma_wait3A_153, %dma_wait3A_154] : memref<10240x128xf32, #tpu.memory_space<vmem_shared>> -> memref<10240x128xf32, #tpu.memory_space<vmem_shared>>
            tpu.wait_indirect_dma semaphore(%run_scoped3A : memref<!tpu.dma_semaphore, #tpu.memory_space<semaphore_mem>>) src(%arg9 : memref<128x128xf32, #tpu.memory_space<vmem>>) dst(%dma_wait3A_155 : memref<10240x128xf32, #tpu.memory_space<vmem_shared>>)
            tpu.yield
          }) : () -> ()
          %add3A_115 = arith.constant 2 : i32
          %add3A_116 = arith.addi %add3A_101, %add3A_115 : i32
          %lt3A_117 = arith.constant 80 : i32
          %lt3A_118 = arith.cmpi slt, %add3A_116, %lt3A_117 : i32
          %convert_element_type3A_119 = arith.extui %lt3A_118 : i1 to i32
          %cond3A_120 = arith.constant 0 : i32
          %cond3A_121 = arith.cmpi ne, %convert_element_type3A_119, %cond3A_120 : i32
          scf.if %cond3A_121 {
            %add3A_144 = arith.constant 2 : i32
            %add3A_145 = arith.addi %add3A_101, %add3A_144 : i32
            %dma_start3A_146 = arith.constant 0 : i32
            %dma_start3A_147 = tpu.memref_slice %arg7[%add3A_145, %dma_start3A_146] : memref<80x128xi32, #tpu.memory_space<vmem>> -> memref<1x128xi32, #tpu.memory_space<vmem>>
            %dma_start3A_148 = tpu.memref_squeeze %dma_start3A_147 : memref<1x128xi32, #tpu.memory_space<vmem>> -> memref<128xi32, #tpu.memory_space<vmem>>
            %dma_start3A_149 = arith.constant 0 : i32
            %dma_start3A_150 = arith.constant 0 : i32
            %dma_start3A_151 = tpu.memref_slice %arg4[%scan3A_60, %dma_start3A_149, %dma_start3A_150] : memref<2x10240x128xf32, #tpu.memory_space<hbm>> -> memref<1x10240x128xf32, #tpu.memory_space<hbm>>
            %dma_start3A_152 = tpu.memref_squeeze %dma_start3A_151 : memref<1x10240x128xf32, #tpu.memory_space<hbm>> -> memref<10240x128xf32, #tpu.memory_space<hbm>>
            %dma_start3A_153 = arith.constant 0 : i32
            %dma_start3A_154 = arith.constant 0 : i32
            %dma_start3A_155 = tpu.memref_slice %dma_start3A_152[%dma_start3A_153, %dma_start3A_154] : memref<10240x128xf32, #tpu.memory_space<hbm>> -> memref<10240x128xf32, #tpu.memory_space<hbm>>
            tpu.enqueue_indirect_dma source(%dma_start3A_155 : memref<10240x128xf32, #tpu.memory_space<hbm>>) target(%arg9 : memref<128x128xf32, #tpu.memory_space<vmem>>) offsets(%dma_start3A_148 : memref<128xi32, #tpu.memory_space<vmem>>) semaphore(%arg11 : memref<!tpu.dma_semaphore, #tpu.memory_space<semaphore_mem>>)
          } else {
          }
          %dma_wait3A_122 = arith.constant 0 : i32
          %dma_wait3A_123 = arith.constant 0 : i32
          %dma_wait3A_124 = tpu.memref_slice %arg7[%dma_wait3A_122, %dma_wait3A_123] : memref<80x128xi32, #tpu.memory_space<vmem>> -> memref<1x128xi32, #tpu.memory_space<vmem>>
          %dma_wait3A_125 = tpu.memref_squeeze %dma_wait3A_124 : memref<1x128xi32, #tpu.memory_space<vmem>> -> memref<128xi32, #tpu.memory_space<vmem>>
          %dma_wait3A_126 = arith.constant 0 : i32
          %dma_wait3A_127 = arith.constant 0 : i32
          %dma_wait3A_128 = tpu.memref_slice %arg4[%scan3A_60, %dma_wait3A_126, %dma_wait3A_127] : memref<2x10240x128xf32, #tpu.memory_space<hbm>> -> memref<1x10240x128xf32, #tpu.memory_space<hbm>>
          %dma_wait3A_129 = tpu.memref_squeeze %dma_wait3A_128 : memref<1x10240x128xf32, #tpu.memory_space<hbm>> -> memref<10240x128xf32, #tpu.memory_space<hbm>>
          %dma_wait3A_130 = arith.constant 0 : i32
          %dma_wait3A_131 = arith.constant 0 : i32
          %dma_wait3A_132 = tpu.memref_slice %dma_wait3A_129[%dma_wait3A_130, %dma_wait3A_131] : memref<10240x128xf32, #tpu.memory_space<hbm>> -> memref<10240x128xf32, #tpu.memory_space<hbm>>
          tpu.wait_indirect_dma semaphore(%arg12 : memref<!tpu.dma_semaphore, #tpu.memory_space<semaphore_mem>>) src(%dma_wait3A_132 : memref<10240x128xf32, #tpu.memory_space<hbm>>) dst(%arg10 : memref<128x128xf32, #tpu.memory_space<vmem>>)
          %mul3A_133 = arith.constant 2 : i32
          %mul3A_134 = arith.muli %mul3A_133, %add3A_96 : i32
          %add3A_135 = arith.constant 1 : i32
          %add3A_136 = arith.addi %mul3A_134, %add3A_135 : i32
          "tpu.region"() ({
            %run_scoped3A = tpu.sem_alloc : memref<!tpu.dma_semaphore, #tpu.memory_space<semaphore_mem>>
            %dma_start3A_144 = arith.constant 0 : i32
            %dma_start3A_145 = tpu.memref_slice %arg8[%rem3A_70, %add3A_136, %dma_start3A_144] : memref<2x8x128xi32, #tpu.memory_space<vmem>> -> memref<1x1x128xi32, #tpu.memory_space<vmem>>
            %dma_start3A_146 = tpu.memref_squeeze %dma_start3A_145 : memref<1x1x128xi32, #tpu.memory_space<vmem>> -> memref<128xi32, #tpu.memory_space<vmem>>
            %dma_start3A_147 = arith.constant 0 : i32
            %dma_start3A_148 = arith.constant 0 : i32
            %dma_start3A_149 = tpu.memref_slice %arg6[%dma_start3A_147, %dma_start3A_148] : memref<10240x128xf32, #tpu.memory_space<vmem_shared>> -> memref<10240x128xf32, #tpu.memory_space<vmem_shared>>
            tpu.enqueue_indirect_dma source(%arg10 : memref<128x128xf32, #tpu.memory_space<vmem>>) target(%dma_start3A_149 : memref<10240x128xf32, #tpu.memory_space<vmem_shared>>) offsets(%dma_start3A_146 : memref<128xi32, #tpu.memory_space<vmem>>) semaphore(%run_scoped3A : memref<!tpu.dma_semaphore, #tpu.memory_space<semaphore_mem>>) {add = true}
            %dma_wait3A_150 = arith.constant 0 : i32
            %dma_wait3A_151 = tpu.memref_slice %arg8[%rem3A_70, %add3A_136, %dma_wait3A_150] : memref<2x8x128xi32, #tpu.memory_space<vmem>> -> memref<1x1x128xi32, #tpu.memory_space<vmem>>
            %dma_wait3A_152 = tpu.memref_squeeze %dma_wait3A_151 : memref<1x1x128xi32, #tpu.memory_space<vmem>> -> memref<128xi32, #tpu.memory_space<vmem>>
            %dma_wait3A_153 = arith.constant 0 : i32
            %dma_wait3A_154 = arith.constant 0 : i32
            %dma_wait3A_155 = tpu.memref_slice %arg6[%dma_wait3A_153, %dma_wait3A_154] : memref<10240x128xf32, #tpu.memory_space<vmem_shared>> -> memref<10240x128xf32, #tpu.memory_space<vmem_shared>>
            tpu.wait_indirect_dma semaphore(%run_scoped3A : memref<!tpu.dma_semaphore, #tpu.memory_space<semaphore_mem>>) src(%arg10 : memref<128x128xf32, #tpu.memory_space<vmem>>) dst(%dma_wait3A_155 : memref<10240x128xf32, #tpu.memory_space<vmem_shared>>)
            tpu.yield
          }) : () -> ()
          %add3A_137 = arith.constant 3 : i32
          %add3A_138 = arith.addi %add3A_101, %add3A_137 : i32
          %lt3A_139 = arith.constant 80 : i32
          %lt3A_140 = arith.cmpi slt, %add3A_138, %lt3A_139 : i32
          %convert_element_type3A_141 = arith.extui %lt3A_140 : i1 to i32
          %cond3A_142 = arith.constant 0 : i32
          %cond3A_143 = arith.cmpi ne, %convert_element_type3A_141, %cond3A_142 : i32
          scf.if %cond3A_143 {
            %add3A_144 = arith.constant 3 : i32
            %add3A_145 = arith.addi %add3A_101, %add3A_144 : i32
            %dma_start3A_146 = arith.constant 0 : i32
            %dma_start3A_147 = tpu.memref_slice %arg7[%add3A_145, %dma_start3A_146] : memref<80x128xi32, #tpu.memory_space<vmem>> -> memref<1x128xi32, #tpu.memory_space<vmem>>
            %dma_start3A_148 = tpu.memref_squeeze %dma_start3A_147 : memref<1x128xi32, #tpu.memory_space<vmem>> -> memref<128xi32, #tpu.memory_space<vmem>>
            %dma_start3A_149 = arith.constant 0 : i32
            %dma_start3A_150 = arith.constant 0 : i32
            %dma_start3A_151 = tpu.memref_slice %arg4[%scan3A_60, %dma_start3A_149, %dma_start3A_150] : memref<2x10240x128xf32, #tpu.memory_space<hbm>> -> memref<1x10240x128xf32, #tpu.memory_space<hbm>>
            %dma_start3A_152 = tpu.memref_squeeze %dma_start3A_151 : memref<1x10240x128xf32, #tpu.memory_space<hbm>> -> memref<10240x128xf32, #tpu.memory_space<hbm>>
            %dma_start3A_153 = arith.constant 0 : i32
            %dma_start3A_154 = arith.constant 0 : i32
            %dma_start3A_155 = tpu.memref_slice %dma_start3A_152[%dma_start3A_153, %dma_start3A_154] : memref<10240x128xf32, #tpu.memory_space<hbm>> -> memref<10240x128xf32, #tpu.memory_space<hbm>>
            tpu.enqueue_indirect_dma source(%dma_start3A_155 : memref<10240x128xf32, #tpu.memory_space<hbm>>) target(%arg10 : memref<128x128xf32, #tpu.memory_space<vmem>>) offsets(%dma_start3A_148 : memref<128xi32, #tpu.memory_space<vmem>>) semaphore(%arg12 : memref<!tpu.dma_semaphore, #tpu.memory_space<semaphore_mem>>)
          } else {
          }
        }
        %scan3A_91 = arith.constant 4 : i32
      }
      %scan3A_65 = arith.constant 10 : i32
    } else {
    }
    %eq3A_13 = arith.constant 1 : i32
    %eq3A_14 = arith.cmpi eq, %arg0, %eq3A_13 : i32
    %convert_element_type3A_15 = arith.extui %eq3A_14 : i1 to i32
    %cond3A_16 = arith.constant 0 : i32
    %cond3A_17 = arith.cmpi ne, %convert_element_type3A_15, %cond3A_16 : i32
    scf.if %cond3A_17 {
      %dma_start3A = arith.constant 0 : i32
      %dma_start3A_24 = arith.constant 0 : i32
      %dma_start3A_25 = arith.constant 0 : i32
      %dma_start3A_26 = tpu.memref_slice %arg8[%dma_start3A, %dma_start3A_24, %dma_start3A_25] : memref<2x8x128xi32, #tpu.memory_space<vmem>> -> memref<1x8x128xi32, #tpu.memory_space<vmem>>
      %dma_start3A_27 = tpu.memref_squeeze %dma_start3A_26 : memref<1x8x128xi32, #tpu.memory_space<vmem>> -> memref<8x128xi32, #tpu.memory_space<vmem>>
      %dma_start3A_28 = arith.constant 0 : i32
      %dma_start3A_29 = tpu.memref_slice %arg3[%mul3A_10, %dma_start3A_28] : memref<1280x128xi32, #tpu.memory_space<hbm>> -> memref<8x128xi32, #tpu.memory_space<hbm>>
      %dma_start3A_30 = arith.constant 0 : i32
      %dma_start3A_31 = arith.constant 0 : i32
      %dma_start3A_32 = tpu.memref_slice %arg8[%dma_start3A, %dma_start3A_30, %dma_start3A_31] : memref<2x8x128xi32, #tpu.memory_space<vmem>> -> memref<1x8x128xi32, #tpu.memory_space<vmem>>
      %dma_start3A_33 = tpu.memref_squeeze %dma_start3A_32 : memref<1x8x128xi32, #tpu.memory_space<vmem>> -> memref<8x128xi32, #tpu.memory_space<vmem>>
      %dma_start3A_34 = arith.constant 0 : i32
      %dma_start3A_35 = tpu.memref_slice %arg3[%mul3A_10, %dma_start3A_34] : memref<1280x128xi32, #tpu.memory_space<hbm>> -> memref<8x128xi32, #tpu.memory_space<hbm>>
      tpu.enqueue_dma source(%dma_start3A_35 : memref<8x128xi32, #tpu.memory_space<hbm>>) target(%dma_start3A_33 : memref<8x128xi32, #tpu.memory_space<vmem>>) target_semaphore(%arg13 : memref<!tpu.dma_semaphore, #tpu.memory_space<semaphore_mem>>)
      %dma_start3A_36 = arith.constant 1 : i32
      %dma_start3A_37 = arith.constant 0 : i32
      %dma_start3A_38 = arith.constant 0 : i32
      %dma_start3A_39 = tpu.memref_slice %arg7[%dma_start3A_37, %dma_start3A_38] : memref<80x128xi32, #tpu.memory_space<vmem>> -> memref<1x128xi32, #tpu.memory_space<vmem>>
      %dma_start3A_40 = tpu.memref_squeeze %dma_start3A_39 : memref<1x128xi32, #tpu.memory_space<vmem>> -> memref<128xi32, #tpu.memory_space<vmem>>
      %dma_start3A_41 = arith.constant 0 : i32
      %dma_start3A_42 = arith.constant 0 : i32
      %dma_start3A_43 = tpu.memref_slice %arg4[%dma_start3A_36, %dma_start3A_41, %dma_start3A_42] : memref<2x10240x128xf32, #tpu.memory_space<hbm>> -> memref<1x10240x128xf32, #tpu.memory_space<hbm>>
      %dma_start3A_44 = tpu.memref_squeeze %dma_start3A_43 : memref<1x10240x128xf32, #tpu.memory_space<hbm>> -> memref<10240x128xf32, #tpu.memory_space<hbm>>
      %dma_start3A_45 = arith.constant 0 : i32
      %dma_start3A_46 = arith.constant 0 : i32
      %dma_start3A_47 = tpu.memref_slice %dma_start3A_44[%dma_start3A_45, %dma_start3A_46] : memref<10240x128xf32, #tpu.memory_space<hbm>> -> memref<10240x128xf32, #tpu.memory_space<hbm>>
      tpu.enqueue_indirect_dma source(%dma_start3A_47 : memref<10240x128xf32, #tpu.memory_space<hbm>>) target(%arg9 : memref<128x128xf32, #tpu.memory_space<vmem>>) offsets(%dma_start3A_40 : memref<128xi32, #tpu.memory_space<vmem>>) semaphore(%arg11 : memref<!tpu.dma_semaphore, #tpu.memory_space<semaphore_mem>>)
      %dma_start3A_48 = arith.constant 1 : i32
      %dma_start3A_49 = arith.constant 1 : i32
      %dma_start3A_50 = arith.constant 0 : i32
      %dma_start3A_51 = tpu.memref_slice %arg7[%dma_start3A_49, %dma_start3A_50] : memref<80x128xi32, #tpu.memory_space<vmem>> -> memref<1x128xi32, #tpu.memory_space<vmem>>
      %dma_start3A_52 = tpu.memref_squeeze %dma_start3A_51 : memref<1x128xi32, #tpu.memory_space<vmem>> -> memref<128xi32, #tpu.memory_space<vmem>>
      %dma_start3A_53 = arith.constant 0 : i32
      %dma_start3A_54 = arith.constant 0 : i32
      %dma_start3A_55 = tpu.memref_slice %arg4[%dma_start3A_48, %dma_start3A_53, %dma_start3A_54] : memref<2x10240x128xf32, #tpu.memory_space<hbm>> -> memref<1x10240x128xf32, #tpu.memory_space<hbm>>
      %dma_start3A_56 = tpu.memref_squeeze %dma_start3A_55 : memref<1x10240x128xf32, #tpu.memory_space<hbm>> -> memref<10240x128xf32, #tpu.memory_space<hbm>>
      %dma_start3A_57 = arith.constant 0 : i32
      %dma_start3A_58 = arith.constant 0 : i32
      %dma_start3A_59 = tpu.memref_slice %dma_start3A_56[%dma_start3A_57, %dma_start3A_58] : memref<10240x128xf32, #tpu.memory_space<hbm>> -> memref<10240x128xf32, #tpu.memory_space<hbm>>
      tpu.enqueue_indirect_dma source(%dma_start3A_59 : memref<10240x128xf32, #tpu.memory_space<hbm>>) target(%arg10 : memref<128x128xf32, #tpu.memory_space<vmem>>) offsets(%dma_start3A_52 : memref<128xi32, #tpu.memory_space<vmem>>) semaphore(%arg12 : memref<!tpu.dma_semaphore, #tpu.memory_space<semaphore_mem>>)
      %scan3A_60 = arith.constant 1 : i32
      %scan3A_61 = arith.constant 0 : i32
      %scan3A_62 = arith.constant 10 : i32
      %scan3A_63 = arith.addi %scan3A_61, %scan3A_62 : i32
      %scan3A_64 = arith.constant 1 : i32
      scf.for %scan3A_66 = %scan3A_61 to %scan3A_63 step %scan3A_64  : i32 {
        %mul3A_67 = arith.constant 1 : i32
        %mul3A_68 = arith.muli %scan3A_66, %mul3A_67 : i32
        %add3A = arith.constant 0 : i32
        %add3A_69 = arith.addi %add3A, %mul3A_68 : i32
        %rem3A = arith.constant 2 : i32
        %rem3A_70 = arith.remsi %add3A_69, %rem3A : i32
        %dma_wait3A = arith.constant 0 : i32
        %dma_wait3A_71 = arith.constant 0 : i32
        %dma_wait3A_72 = arith.constant 0 : i32
        %dma_wait3A_73 = tpu.memref_slice %arg8[%dma_wait3A, %dma_wait3A_71, %dma_wait3A_72] : memref<2x8x128xi32, #tpu.memory_space<vmem>> -> memref<1x8x128xi32, #tpu.memory_space<vmem>>
        %dma_wait3A_74 = tpu.memref_squeeze %dma_wait3A_73 : memref<1x8x128xi32, #tpu.memory_space<vmem>> -> memref<8x128xi32, #tpu.memory_space<vmem>>
        %dma_wait3A_75 = arith.constant 0 : i32
        %dma_wait3A_76 = tpu.memref_slice %arg3[%mul3A_10, %dma_wait3A_75] : memref<1280x128xi32, #tpu.memory_space<hbm>> -> memref<8x128xi32, #tpu.memory_space<hbm>>
        %dma_wait3A_77 = arith.constant 0 : i32
        %dma_wait3A_78 = arith.constant 0 : i32
        %dma_wait3A_79 = tpu.memref_slice %arg8[%dma_wait3A, %dma_wait3A_77, %dma_wait3A_78] : memref<2x8x128xi32, #tpu.memory_space<vmem>> -> memref<1x8x128xi32, #tpu.memory_space<vmem>>
        %dma_wait3A_80 = tpu.memref_squeeze %dma_wait3A_79 : memref<1x8x128xi32, #tpu.memory_space<vmem>> -> memref<8x128xi32, #tpu.memory_space<vmem>>
        %dma_wait3A_81 = arith.constant 0 : i32
        %dma_wait3A_82 = tpu.memref_slice %arg3[%mul3A_10, %dma_wait3A_81] : memref<1280x128xi32, #tpu.memory_space<hbm>> -> memref<8x128xi32, #tpu.memory_space<hbm>>
        tpu.wait_dma2 semaphore(%arg13 : memref<!tpu.dma_semaphore, #tpu.memory_space<semaphore_mem>>) src(%dma_wait3A_82 : memref<8x128xi32, #tpu.memory_space<hbm>>) dst(%dma_wait3A_80 : memref<8x128xi32, #tpu.memory_space<vmem>>)
        %lt3A = arith.constant 9 : i32
        %lt3A_83 = arith.cmpi slt, %add3A_69, %lt3A : i32
        %convert_element_type3A_84 = arith.extui %lt3A_83 : i1 to i32
        %cond3A_85 = arith.constant 0 : i32
        %cond3A_86 = arith.cmpi ne, %convert_element_type3A_84, %cond3A_85 : i32
        scf.if %cond3A_86 {
          %add3A_92 = arith.constant 1 : i32
          %add3A_93 = arith.addi %add3A_69, %add3A_92 : i32
          %mul3A_94 = arith.constant 8 : i32
          %mul3A_95 = arith.muli %add3A_93, %mul3A_94 : i32
          %add3A_96 = arith.addi %mul3A_10, %mul3A_95 : i32
          %sub3A = arith.constant 1 : i32
          %sub3A_97 = arith.subi %sub3A, %rem3A_70 : i32
          %dma_start3A_98 = arith.constant 0 : i32
          %dma_start3A_99 = arith.constant 0 : i32
          %dma_start3A_100 = tpu.memref_slice %arg8[%sub3A_97, %dma_start3A_98, %dma_start3A_99] : memref<2x8x128xi32, #tpu.memory_space<vmem>> -> memref<1x8x128xi32, #tpu.memory_space<vmem>>
          %dma_start3A_101 = tpu.memref_squeeze %dma_start3A_100 : memref<1x8x128xi32, #tpu.memory_space<vmem>> -> memref<8x128xi32, #tpu.memory_space<vmem>>
          %dma_start3A_102 = arith.constant 0 : i32
          %dma_start3A_103 = tpu.memref_slice %arg3[%add3A_96, %dma_start3A_102] : memref<1280x128xi32, #tpu.memory_space<hbm>> -> memref<8x128xi32, #tpu.memory_space<hbm>>
          %dma_start3A_104 = arith.constant 0 : i32
          %dma_start3A_105 = arith.constant 0 : i32
          %dma_start3A_106 = tpu.memref_slice %arg8[%sub3A_97, %dma_start3A_104, %dma_start3A_105] : memref<2x8x128xi32, #tpu.memory_space<vmem>> -> memref<1x8x128xi32, #tpu.memory_space<vmem>>
          %dma_start3A_107 = tpu.memref_squeeze %dma_start3A_106 : memref<1x8x128xi32, #tpu.memory_space<vmem>> -> memref<8x128xi32, #tpu.memory_space<vmem>>
          %dma_start3A_108 = arith.constant 0 : i32
          %dma_start3A_109 = tpu.memref_slice %arg3[%add3A_96, %dma_start3A_108] : memref<1280x128xi32, #tpu.memory_space<hbm>> -> memref<8x128xi32, #tpu.memory_space<hbm>>
          tpu.enqueue_dma source(%dma_start3A_109 : memref<8x128xi32, #tpu.memory_space<hbm>>) target(%dma_start3A_107 : memref<8x128xi32, #tpu.memory_space<vmem>>) target_semaphore(%arg13 : memref<!tpu.dma_semaphore, #tpu.memory_space<semaphore_mem>>)
        } else {
        }
        %scan3A_87 = arith.constant 0 : i32
        %scan3A_88 = arith.constant 4 : i32
        %scan3A_89 = arith.addi %scan3A_87, %scan3A_88 : i32
        %scan3A_90 = arith.constant 1 : i32
        scf.for %scan3A_92 = %scan3A_87 to %scan3A_89 step %scan3A_90  : i32 {
          %mul3A_93 = arith.constant 1 : i32
          %mul3A_94 = arith.muli %scan3A_92, %mul3A_93 : i32
          %add3A_95 = arith.constant 0 : i32
          %add3A_96 = arith.addi %add3A_95, %mul3A_94 : i32
          %mul3A_97 = arith.constant 8 : i32
          %mul3A_98 = arith.muli %add3A_69, %mul3A_97 : i32
          %mul3A_99 = arith.constant 2 : i32
          %mul3A_100 = arith.muli %mul3A_99, %add3A_96 : i32
          %add3A_101 = arith.addi %mul3A_98, %mul3A_100 : i32
          %dma_wait3A_102 = arith.constant 0 : i32
          %dma_wait3A_103 = arith.constant 0 : i32
          %dma_wait3A_104 = tpu.memref_slice %arg7[%dma_wait3A_102, %dma_wait3A_103] : memref<80x128xi32, #tpu.memory_space<vmem>> -> memref<1x128xi32, #tpu.memory_space<vmem>>
          %dma_wait3A_105 = tpu.memref_squeeze %dma_wait3A_104 : memref<1x128xi32, #tpu.memory_space<vmem>> -> memref<128xi32, #tpu.memory_space<vmem>>
          %dma_wait3A_106 = arith.constant 0 : i32
          %dma_wait3A_107 = arith.constant 0 : i32
          %dma_wait3A_108 = tpu.memref_slice %arg4[%scan3A_60, %dma_wait3A_106, %dma_wait3A_107] : memref<2x10240x128xf32, #tpu.memory_space<hbm>> -> memref<1x10240x128xf32, #tpu.memory_space<hbm>>
          %dma_wait3A_109 = tpu.memref_squeeze %dma_wait3A_108 : memref<1x10240x128xf32, #tpu.memory_space<hbm>> -> memref<10240x128xf32, #tpu.memory_space<hbm>>
          %dma_wait3A_110 = arith.constant 0 : i32
          %dma_wait3A_111 = arith.constant 0 : i32
          %dma_wait3A_112 = tpu.memref_slice %dma_wait3A_109[%dma_wait3A_110, %dma_wait3A_111] : memref<10240x128xf32, #tpu.memory_space<hbm>> -> memref<10240x128xf32, #tpu.memory_space<hbm>>
          tpu.wait_indirect_dma semaphore(%arg11 : memref<!tpu.dma_semaphore, #tpu.memory_space<semaphore_mem>>) src(%dma_wait3A_112 : memref<10240x128xf32, #tpu.memory_space<hbm>>) dst(%arg9 : memref<128x128xf32, #tpu.memory_space<vmem>>)
          %mul3A_113 = arith.constant 2 : i32
          %mul3A_114 = arith.muli %mul3A_113, %add3A_96 : i32
          "tpu.region"() ({
            %run_scoped3A = tpu.sem_alloc : memref<!tpu.dma_semaphore, #tpu.memory_space<semaphore_mem>>
            %dma_start3A_144 = arith.constant 0 : i32
            %dma_start3A_145 = tpu.memref_slice %arg8[%rem3A_70, %mul3A_114, %dma_start3A_144] : memref<2x8x128xi32, #tpu.memory_space<vmem>> -> memref<1x1x128xi32, #tpu.memory_space<vmem>>
            %dma_start3A_146 = tpu.memref_squeeze %dma_start3A_145 : memref<1x1x128xi32, #tpu.memory_space<vmem>> -> memref<128xi32, #tpu.memory_space<vmem>>
            %dma_start3A_147 = arith.constant 0 : i32
            %dma_start3A_148 = arith.constant 0 : i32
            %dma_start3A_149 = tpu.memref_slice %arg6[%dma_start3A_147, %dma_start3A_148] : memref<10240x128xf32, #tpu.memory_space<vmem_shared>> -> memref<10240x128xf32, #tpu.memory_space<vmem_shared>>
            tpu.enqueue_indirect_dma source(%arg9 : memref<128x128xf32, #tpu.memory_space<vmem>>) target(%dma_start3A_149 : memref<10240x128xf32, #tpu.memory_space<vmem_shared>>) offsets(%dma_start3A_146 : memref<128xi32, #tpu.memory_space<vmem>>) semaphore(%run_scoped3A : memref<!tpu.dma_semaphore, #tpu.memory_space<semaphore_mem>>) {add = true}
            %dma_wait3A_150 = arith.constant 0 : i32
            %dma_wait3A_151 = tpu.memref_slice %arg8[%rem3A_70, %mul3A_114, %dma_wait3A_150] : memref<2x8x128xi32, #tpu.memory_space<vmem>> -> memref<1x1x128xi32, #tpu.memory_space<vmem>>
            %dma_wait3A_152 = tpu.memref_squeeze %dma_wait3A_151 : memref<1x1x128xi32, #tpu.memory_space<vmem>> -> memref<128xi32, #tpu.memory_space<vmem>>
            %dma_wait3A_153 = arith.constant 0 : i32
            %dma_wait3A_154 = arith.constant 0 : i32
            %dma_wait3A_155 = tpu.memref_slice %arg6[%dma_wait3A_153, %dma_wait3A_154] : memref<10240x128xf32, #tpu.memory_space<vmem_shared>> -> memref<10240x128xf32, #tpu.memory_space<vmem_shared>>
            tpu.wait_indirect_dma semaphore(%run_scoped3A : memref<!tpu.dma_semaphore, #tpu.memory_space<semaphore_mem>>) src(%arg9 : memref<128x128xf32, #tpu.memory_space<vmem>>) dst(%dma_wait3A_155 : memref<10240x128xf32, #tpu.memory_space<vmem_shared>>)
            tpu.yield
          }) : () -> ()
          %add3A_115 = arith.constant 2 : i32
          %add3A_116 = arith.addi %add3A_101, %add3A_115 : i32
          %lt3A_117 = arith.constant 80 : i32
          %lt3A_118 = arith.cmpi slt, %add3A_116, %lt3A_117 : i32
          %convert_element_type3A_119 = arith.extui %lt3A_118 : i1 to i32
          %cond3A_120 = arith.constant 0 : i32
          %cond3A_121 = arith.cmpi ne, %convert_element_type3A_119, %cond3A_120 : i32
          scf.if %cond3A_121 {
            %add3A_144 = arith.constant 2 : i32
            %add3A_145 = arith.addi %add3A_101, %add3A_144 : i32
            %dma_start3A_146 = arith.constant 0 : i32
            %dma_start3A_147 = tpu.memref_slice %arg7[%add3A_145, %dma_start3A_146] : memref<80x128xi32, #tpu.memory_space<vmem>> -> memref<1x128xi32, #tpu.memory_space<vmem>>
            %dma_start3A_148 = tpu.memref_squeeze %dma_start3A_147 : memref<1x128xi32, #tpu.memory_space<vmem>> -> memref<128xi32, #tpu.memory_space<vmem>>
            %dma_start3A_149 = arith.constant 0 : i32
            %dma_start3A_150 = arith.constant 0 : i32
            %dma_start3A_151 = tpu.memref_slice %arg4[%scan3A_60, %dma_start3A_149, %dma_start3A_150] : memref<2x10240x128xf32, #tpu.memory_space<hbm>> -> memref<1x10240x128xf32, #tpu.memory_space<hbm>>
            %dma_start3A_152 = tpu.memref_squeeze %dma_start3A_151 : memref<1x10240x128xf32, #tpu.memory_space<hbm>> -> memref<10240x128xf32, #tpu.memory_space<hbm>>
            %dma_start3A_153 = arith.constant 0 : i32
            %dma_start3A_154 = arith.constant 0 : i32
            %dma_start3A_155 = tpu.memref_slice %dma_start3A_152[%dma_start3A_153, %dma_start3A_154] : memref<10240x128xf32, #tpu.memory_space<hbm>> -> memref<10240x128xf32, #tpu.memory_space<hbm>>
            tpu.enqueue_indirect_dma source(%dma_start3A_155 : memref<10240x128xf32, #tpu.memory_space<hbm>>) target(%arg9 : memref<128x128xf32, #tpu.memory_space<vmem>>) offsets(%dma_start3A_148 : memref<128xi32, #tpu.memory_space<vmem>>) semaphore(%arg11 : memref<!tpu.dma_semaphore, #tpu.memory_space<semaphore_mem>>)
          } else {
          }
          %dma_wait3A_122 = arith.constant 0 : i32
          %dma_wait3A_123 = arith.constant 0 : i32
          %dma_wait3A_124 = tpu.memref_slice %arg7[%dma_wait3A_122, %dma_wait3A_123] : memref<80x128xi32, #tpu.memory_space<vmem>> -> memref<1x128xi32, #tpu.memory_space<vmem>>
          %dma_wait3A_125 = tpu.memref_squeeze %dma_wait3A_124 : memref<1x128xi32, #tpu.memory_space<vmem>> -> memref<128xi32, #tpu.memory_space<vmem>>
          %dma_wait3A_126 = arith.constant 0 : i32
          %dma_wait3A_127 = arith.constant 0 : i32
          %dma_wait3A_128 = tpu.memref_slice %arg4[%scan3A_60, %dma_wait3A_126, %dma_wait3A_127] : memref<2x10240x128xf32, #tpu.memory_space<hbm>> -> memref<1x10240x128xf32, #tpu.memory_space<hbm>>
          %dma_wait3A_129 = tpu.memref_squeeze %dma_wait3A_128 : memref<1x10240x128xf32, #tpu.memory_space<hbm>> -> memref<10240x128xf32, #tpu.memory_space<hbm>>
          %dma_wait3A_130 = arith.constant 0 : i32
          %dma_wait3A_131 = arith.constant 0 : i32
          %dma_wait3A_132 = tpu.memref_slice %dma_wait3A_129[%dma_wait3A_130, %dma_wait3A_131] : memref<10240x128xf32, #tpu.memory_space<hbm>> -> memref<10240x128xf32, #tpu.memory_space<hbm>>
          tpu.wait_indirect_dma semaphore(%arg12 : memref<!tpu.dma_semaphore, #tpu.memory_space<semaphore_mem>>) src(%dma_wait3A_132 : memref<10240x128xf32, #tpu.memory_space<hbm>>) dst(%arg10 : memref<128x128xf32, #tpu.memory_space<vmem>>)
          %mul3A_133 = arith.constant 2 : i32
          %mul3A_134 = arith.muli %mul3A_133, %add3A_96 : i32
          %add3A_135 = arith.constant 1 : i32
          %add3A_136 = arith.addi %mul3A_134, %add3A_135 : i32
          "tpu.region"() ({
            %run_scoped3A = tpu.sem_alloc : memref<!tpu.dma_semaphore, #tpu.memory_space<semaphore_mem>>
            %dma_start3A_144 = arith.constant 0 : i32
            %dma_start3A_145 = tpu.memref_slice %arg8[%rem3A_70, %add3A_136, %dma_start3A_144] : memref<2x8x128xi32, #tpu.memory_space<vmem>> -> memref<1x1x128xi32, #tpu.memory_space<vmem>>
            %dma_start3A_146 = tpu.memref_squeeze %dma_start3A_145 : memref<1x1x128xi32, #tpu.memory_space<vmem>> -> memref<128xi32, #tpu.memory_space<vmem>>
            %dma_start3A_147 = arith.constant 0 : i32
            %dma_start3A_148 = arith.constant 0 : i32
            %dma_start3A_149 = tpu.memref_slice %arg6[%dma_start3A_147, %dma_start3A_148] : memref<10240x128xf32, #tpu.memory_space<vmem_shared>> -> memref<10240x128xf32, #tpu.memory_space<vmem_shared>>
            tpu.enqueue_indirect_dma source(%arg10 : memref<128x128xf32, #tpu.memory_space<vmem>>) target(%dma_start3A_149 : memref<10240x128xf32, #tpu.memory_space<vmem_shared>>) offsets(%dma_start3A_146 : memref<128xi32, #tpu.memory_space<vmem>>) semaphore(%run_scoped3A : memref<!tpu.dma_semaphore, #tpu.memory_space<semaphore_mem>>) {add = true}
            %dma_wait3A_150 = arith.constant 0 : i32
            %dma_wait3A_151 = tpu.memref_slice %arg8[%rem3A_70, %add3A_136, %dma_wait3A_150] : memref<2x8x128xi32, #tpu.memory_space<vmem>> -> memref<1x1x128xi32, #tpu.memory_space<vmem>>
            %dma_wait3A_152 = tpu.memref_squeeze %dma_wait3A_151 : memref<1x1x128xi32, #tpu.memory_space<vmem>> -> memref<128xi32, #tpu.memory_space<vmem>>
            %dma_wait3A_153 = arith.constant 0 : i32
            %dma_wait3A_154 = arith.constant 0 : i32
            %dma_wait3A_155 = tpu.memref_slice %arg6[%dma_wait3A_153, %dma_wait3A_154] : memref<10240x128xf32, #tpu.memory_space<vmem_shared>> -> memref<10240x128xf32, #tpu.memory_space<vmem_shared>>
            tpu.wait_indirect_dma semaphore(%run_scoped3A : memref<!tpu.dma_semaphore, #tpu.memory_space<semaphore_mem>>) src(%arg10 : memref<128x128xf32, #tpu.memory_space<vmem>>) dst(%dma_wait3A_155 : memref<10240x128xf32, #tpu.memory_space<vmem_shared>>)
            tpu.yield
          }) : () -> ()
          %add3A_137 = arith.constant 3 : i32
          %add3A_138 = arith.addi %add3A_101, %add3A_137 : i32
          %lt3A_139 = arith.constant 80 : i32
          %lt3A_140 = arith.cmpi slt, %add3A_138, %lt3A_139 : i32
          %convert_element_type3A_141 = arith.extui %lt3A_140 : i1 to i32
          %cond3A_142 = arith.constant 0 : i32
          %cond3A_143 = arith.cmpi ne, %convert_element_type3A_141, %cond3A_142 : i32
          scf.if %cond3A_143 {
            %add3A_144 = arith.constant 3 : i32
            %add3A_145 = arith.addi %add3A_101, %add3A_144 : i32
            %dma_start3A_146 = arith.constant 0 : i32
            %dma_start3A_147 = tpu.memref_slice %arg7[%add3A_145, %dma_start3A_146] : memref<80x128xi32, #tpu.memory_space<vmem>> -> memref<1x128xi32, #tpu.memory_space<vmem>>
            %dma_start3A_148 = tpu.memref_squeeze %dma_start3A_147 : memref<1x128xi32, #tpu.memory_space<vmem>> -> memref<128xi32, #tpu.memory_space<vmem>>
            %dma_start3A_149 = arith.constant 0 : i32
            %dma_start3A_150 = arith.constant 0 : i32
            %dma_start3A_151 = tpu.memref_slice %arg4[%scan3A_60, %dma_start3A_149, %dma_start3A_150] : memref<2x10240x128xf32, #tpu.memory_space<hbm>> -> memref<1x10240x128xf32, #tpu.memory_space<hbm>>
            %dma_start3A_152 = tpu.memref_squeeze %dma_start3A_151 : memref<1x10240x128xf32, #tpu.memory_space<hbm>> -> memref<10240x128xf32, #tpu.memory_space<hbm>>
            %dma_start3A_153 = arith.constant 0 : i32
            %dma_start3A_154 = arith.constant 0 : i32
            %dma_start3A_155 = tpu.memref_slice %dma_start3A_152[%dma_start3A_153, %dma_start3A_154] : memref<10240x128xf32, #tpu.memory_space<hbm>> -> memref<10240x128xf32, #tpu.memory_space<hbm>>
            tpu.enqueue_indirect_dma source(%dma_start3A_155 : memref<10240x128xf32, #tpu.memory_space<hbm>>) target(%arg10 : memref<128x128xf32, #tpu.memory_space<vmem>>) offsets(%dma_start3A_148 : memref<128xi32, #tpu.memory_space<vmem>>) semaphore(%arg12 : memref<!tpu.dma_semaphore, #tpu.memory_space<semaphore_mem>>)
          } else {
          }
        }
        %scan3A_91 = arith.constant 4 : i32
      }
      %scan3A_65 = arith.constant 10 : i32
    } else {
    }
    %barrier3A_18 = arith.constant 0 : index
    tpu.barrier barrier_id(%barrier3A_18)
    %scan3A_19 = arith.constant 0 : i32
    %scan3A_20 = arith.constant 5 : i32
    %scan3A_21 = arith.addi %scan3A_19, %scan3A_20 : i32
    %scan3A_22 = arith.constant 1 : i32
    scf.for %scan3A_24 = %scan3A_19 to %scan3A_21 step %scan3A_22  : i32 {
      %mul3A_25 = arith.constant 1 : i32
      %mul3A_26 = arith.muli %scan3A_24, %mul3A_25 : i32
      %add3A = arith.constant 0 : i32
      %add3A_27 = arith.addi %add3A, %mul3A_26 : i32
      %mul3A_28 = arith.constant 640 : i32
      %mul3A_29 = arith.muli %arg1, %mul3A_28 : i32
      %mul3A_30 = arith.constant 128 : i32
      %mul3A_31 = arith.muli %add3A_27, %mul3A_30 : i32
      %add3A_32 = arith.addi %mul3A_29, %mul3A_31 : i32
      "tpu.region"() ({
        %run_scoped3A = tpu.sem_alloc : memref<!tpu.dma_semaphore, #tpu.memory_space<semaphore_mem>>
        %dma_start3A = arith.constant 0 : i32
        %dma_start3A_33 = tpu.memref_slice %arg5[%arg0, %add3A_32, %dma_start3A] : memref<2x10240x128xf32, #tpu.memory_space<hbm>> -> memref<1x128x128xf32, #tpu.memory_space<hbm>>
        %dma_start3A_34 = tpu.memref_squeeze %dma_start3A_33 : memref<1x128x128xf32, #tpu.memory_space<hbm>> -> memref<128x128xf32, #tpu.memory_space<hbm>>
        %dma_start3A_35 = arith.constant 0 : i32
        %dma_start3A_36 = tpu.memref_slice %arg6[%add3A_32, %dma_start3A_35] : memref<10240x128xf32, #tpu.memory_space<vmem_shared>> -> memref<128x128xf32, #tpu.memory_space<vmem_shared>>
        tpu.enqueue_dma source(%dma_start3A_36 : memref<128x128xf32, #tpu.memory_space<vmem_shared>>) target(%dma_start3A_34 : memref<128x128xf32, #tpu.memory_space<hbm>>) target_semaphore(%run_scoped3A : memref<!tpu.dma_semaphore, #tpu.memory_space<semaphore_mem>>)
        %dma_wait3A = arith.constant 0 : i32
        %dma_wait3A_37 = tpu.memref_slice %arg5[%arg0, %add3A_32, %dma_wait3A] : memref<2x10240x128xf32, #tpu.memory_space<hbm>> -> memref<1x128x128xf32, #tpu.memory_space<hbm>>
        %dma_wait3A_38 = tpu.memref_squeeze %dma_wait3A_37 : memref<1x128x128xf32, #tpu.memory_space<hbm>> -> memref<128x128xf32, #tpu.memory_space<hbm>>
        %dma_wait3A_39 = arith.constant 0 : i32
        %dma_wait3A_40 = tpu.memref_slice %arg6[%add3A_32, %dma_wait3A_39] : memref<10240x128xf32, #tpu.memory_space<vmem_shared>> -> memref<128x128xf32, #tpu.memory_space<vmem_shared>>
        tpu.wait_dma2 semaphore(%run_scoped3A : memref<!tpu.dma_semaphore, #tpu.memory_space<semaphore_mem>>) src(%dma_wait3A_40 : memref<128x128xf32, #tpu.memory_space<vmem_shared>>) dst(%dma_wait3A_38 : memref<128x128xf32, #tpu.memory_space<hbm>>)
        tpu.yield
      }) : () -> ()
    }
    %scan3A_23 = arith.constant 5 : i32
    return
  }
}

#map = affine_map<(d0, d1) -> (0, 0)>
#map1 = affine_map<(d0, d1) -> (0, 0, 0)>
module attributes {stable_mosaic.version = 14 : i64} {
  func.func @_ef_body(%arg0: i32, %arg1: i32, %arg2: memref<1280x128xi32, #tpu.memory_space<hbm>>, %arg3: memref<1280x128xi32, #tpu.memory_space<hbm>>, %arg4: memref<163840x16xf32, #tpu.memory_space<hbm>>, %arg5: memref<10240x16xf32, #tpu.memory_space<hbm>>, %arg6: memref<2x10240x32xf32, #tpu.memory_space<hbm>>, %arg7: memref<10240x32xf32, #tpu.memory_space<vmem_shared>>, %arg8: memref<40x128xi32, #tpu.memory_space<vmem>>, %arg9: memref<40x128xi32, #tpu.memory_space<vmem>>, %arg10: memref<128x16xf32, #tpu.memory_space<vmem>>, %arg11: memref<128x16xf32, #tpu.memory_space<vmem>>, %arg12: memref<128x32xf32, #tpu.memory_space<vmem>>, %arg13: memref<128x32xf32, #tpu.memory_space<vmem>>, %arg14: memref<128x16xf32, #tpu.memory_space<vmem>>, %arg15: memref<128x16xf32, #tpu.memory_space<vmem>>, %arg16: memref<!tpu.dma_semaphore, #tpu.memory_space<semaphore_mem>>, %arg17: memref<!tpu.dma_semaphore, #tpu.memory_space<semaphore_mem>>, %arg18: memref<!tpu.dma_semaphore, #tpu.memory_space<semaphore_mem>>, %arg19: memref<!tpu.dma_semaphore, #tpu.memory_space<semaphore_mem>>) attributes {dimension_semantics = [#tpu.dimension_semantics<core_parallel>, #tpu.dimension_semantics<subcore_parallel>], iteration_bounds = array<i64: 2, 16>, scalar_prefetch = 0 : i64, scratch_operands = 13 : i64, tpu.core_type = #tpu.core_type<sc_vector_subcore>, window_params = [{transform_indices = #map}, {transform_indices = #map}, {transform_indices = #map}, {transform_indices = #map}, {transform_indices = #map1}]} {
    %mul3A = arith.constant 2 : i32
    %mul3A_0 = arith.muli %arg1, %mul3A : i32
    %add3A = arith.addi %mul3A_0, %arg0 : i32
    %broadcast_in_dim3A = arith.constant 0.000000e+00 : f32
    %broadcast_in_dim3A_1 = vector.broadcast %broadcast_in_dim3A : f32 to vector<16xf32>
    %scan3A = arith.constant 0 : i32
    %scan3A_2 = arith.constant 128 : i32
    %scan3A_3 = arith.addi %scan3A, %scan3A_2 : i32
    %scan3A_4 = arith.constant 1 : i32
    scf.for %scan3A_53 = %scan3A to %scan3A_3 step %scan3A_4  : i32 {
      %mul3A_54 = arith.constant 1 : i32
      %mul3A_55 = arith.muli %scan3A_53, %mul3A_54 : i32
      %add3A_56 = arith.constant 0 : i32
      %add3A_57 = arith.addi %add3A_56, %mul3A_55 : i32
      %swap3A = arith.index_cast %add3A_57 : i32 to index
      %swap3A_58 = arith.constant 0 : index
      %swap3A_59 = tpu.vector_load %arg12[%swap3A, %swap3A_58] {strides = array<i32>} : memref<128x32xf32, #tpu.memory_space<vmem>>, vector<1x16xf32>,
      %swap3A_60 = vector.shape_cast %swap3A_59 : vector<1x16xf32> to vector<16xf32>
      %swap3A_61 = vector.shape_cast %broadcast_in_dim3A_1 : vector<16xf32> to vector<1x16xf32>
      tpu.vector_store %arg12[%swap3A, %swap3A_58], %swap3A_61 {strides = array<i32>} : memref<128x32xf32, #tpu.memory_space<vmem>>, vector<1x16xf32>,
      %swap3A_62 = arith.index_cast %add3A_57 : i32 to index
      %swap3A_63 = arith.constant 16 : index
      %swap3A_64 = tpu.vector_load %arg12[%swap3A_62, %swap3A_63] {strides = array<i32>} : memref<128x32xf32, #tpu.memory_space<vmem>>, vector<1x16xf32>,
      %swap3A_65 = vector.shape_cast %swap3A_64 : vector<1x16xf32> to vector<16xf32>
      %swap3A_66 = vector.shape_cast %broadcast_in_dim3A_1 : vector<16xf32> to vector<1x16xf32>
      tpu.vector_store %arg12[%swap3A_62, %swap3A_63], %swap3A_66 {strides = array<i32>} : memref<128x32xf32, #tpu.memory_space<vmem>>, vector<1x16xf32>,
    }
    %scan3A_5 = arith.constant 128 : i32
    %scan3A_6 = arith.constant 0 : i32
    %scan3A_7 = arith.constant 5 : i32
    %scan3A_8 = arith.addi %scan3A_6, %scan3A_7 : i32
    %scan3A_9 = arith.constant 1 : i32
    scf.for %scan3A_53 = %scan3A_6 to %scan3A_8 step %scan3A_9  : i32 {
      %mul3A_54 = arith.constant 1 : i32
      %mul3A_55 = arith.muli %scan3A_53, %mul3A_54 : i32
      %add3A_56 = arith.constant 0 : i32
      %add3A_57 = arith.addi %add3A_56, %mul3A_55 : i32
      %mul3A_58 = arith.constant 640 : i32
      %mul3A_59 = arith.muli %arg1, %mul3A_58 : i32
      %mul3A_60 = arith.constant 128 : i32
      %mul3A_61 = arith.muli %add3A_57, %mul3A_60 : i32
      %add3A_62 = arith.addi %mul3A_59, %mul3A_61 : i32
      "tpu.region"() ({
        %run_scoped3A = tpu.sem_alloc : memref<!tpu.dma_semaphore, #tpu.memory_space<semaphore_mem>>
        %dma_start3A_63 = arith.constant 0 : i32
        %dma_start3A_64 = tpu.memref_slice %arg7[%add3A_62, %dma_start3A_63] : memref<10240x32xf32, #tpu.memory_space<vmem_shared>> -> memref<128x32xf32, #tpu.memory_space<vmem_shared>>
        %dma_start3A_65 = arith.constant 0 : i32
        %dma_start3A_66 = tpu.memref_slice %arg7[%add3A_62, %dma_start3A_65] : memref<10240x32xf32, #tpu.memory_space<vmem_shared>> -> memref<128x32xf32, #tpu.memory_space<vmem_shared>>
        tpu.enqueue_dma source(%arg12 : memref<128x32xf32, #tpu.memory_space<vmem>>) target(%dma_start3A_66 : memref<128x32xf32, #tpu.memory_space<vmem_shared>>) target_semaphore(%run_scoped3A : memref<!tpu.dma_semaphore, #tpu.memory_space<semaphore_mem>>)
        %dma_wait3A = arith.constant 0 : i32
        %dma_wait3A_67 = tpu.memref_slice %arg7[%add3A_62, %dma_wait3A] : memref<10240x32xf32, #tpu.memory_space<vmem_shared>> -> memref<128x32xf32, #tpu.memory_space<vmem_shared>>
        %dma_wait3A_68 = arith.constant 0 : i32
        %dma_wait3A_69 = tpu.memref_slice %arg7[%add3A_62, %dma_wait3A_68] : memref<10240x32xf32, #tpu.memory_space<vmem_shared>> -> memref<128x32xf32, #tpu.memory_space<vmem_shared>>
        tpu.wait_dma2 semaphore(%run_scoped3A : memref<!tpu.dma_semaphore, #tpu.memory_space<semaphore_mem>>) src(%arg12 : memref<128x32xf32, #tpu.memory_space<vmem>>) dst(%dma_wait3A_69 : memref<128x32xf32, #tpu.memory_space<vmem_shared>>)
        tpu.yield
      }) : () -> ()
    }
    %scan3A_10 = arith.constant 5 : i32
    %mul3A_11 = arith.constant 40 : i32
    %mul3A_12 = arith.muli %add3A, %mul3A_11 : i32
    "tpu.region"() ({
      %run_scoped3A = tpu.sem_alloc : memref<!tpu.dma_semaphore, #tpu.memory_space<semaphore_mem>>
      %dma_start3A_53 = arith.constant 0 : i32
      %dma_start3A_54 = tpu.memref_slice %arg2[%mul3A_12, %dma_start3A_53] : memref<1280x128xi32, #tpu.memory_space<hbm>> -> memref<40x128xi32, #tpu.memory_space<hbm>>
      %dma_start3A_55 = arith.constant 0 : i32
      %dma_start3A_56 = tpu.memref_slice %arg2[%mul3A_12, %dma_start3A_55] : memref<1280x128xi32, #tpu.memory_space<hbm>> -> memref<40x128xi32, #tpu.memory_space<hbm>>
      tpu.enqueue_dma source(%dma_start3A_56 : memref<40x128xi32, #tpu.memory_space<hbm>>) target(%arg8 : memref<40x128xi32, #tpu.memory_space<vmem>>) target_semaphore(%run_scoped3A : memref<!tpu.dma_semaphore, #tpu.memory_space<semaphore_mem>>)
      %dma_wait3A = arith.constant 0 : i32
      %dma_wait3A_57 = tpu.memref_slice %arg2[%mul3A_12, %dma_wait3A] : memref<1280x128xi32, #tpu.memory_space<hbm>> -> memref<40x128xi32, #tpu.memory_space<hbm>>
      %dma_wait3A_58 = arith.constant 0 : i32
      %dma_wait3A_59 = tpu.memref_slice %arg2[%mul3A_12, %dma_wait3A_58] : memref<1280x128xi32, #tpu.memory_space<hbm>> -> memref<40x128xi32, #tpu.memory_space<hbm>>
      tpu.wait_dma2 semaphore(%run_scoped3A : memref<!tpu.dma_semaphore, #tpu.memory_space<semaphore_mem>>) src(%dma_wait3A_59 : memref<40x128xi32, #tpu.memory_space<hbm>>) dst(%arg8 : memref<40x128xi32, #tpu.memory_space<vmem>>)
      tpu.yield
    }) : () -> ()
    "tpu.region"() ({
      %run_scoped3A = tpu.sem_alloc : memref<!tpu.dma_semaphore, #tpu.memory_space<semaphore_mem>>
      %dma_start3A_53 = arith.constant 0 : i32
      %dma_start3A_54 = tpu.memref_slice %arg3[%mul3A_12, %dma_start3A_53] : memref<1280x128xi32, #tpu.memory_space<hbm>> -> memref<40x128xi32, #tpu.memory_space<hbm>>
      %dma_start3A_55 = arith.constant 0 : i32
      %dma_start3A_56 = tpu.memref_slice %arg3[%mul3A_12, %dma_start3A_55] : memref<1280x128xi32, #tpu.memory_space<hbm>> -> memref<40x128xi32, #tpu.memory_space<hbm>>
      tpu.enqueue_dma source(%dma_start3A_56 : memref<40x128xi32, #tpu.memory_space<hbm>>) target(%arg9 : memref<40x128xi32, #tpu.memory_space<vmem>>) target_semaphore(%run_scoped3A : memref<!tpu.dma_semaphore, #tpu.memory_space<semaphore_mem>>)
      %dma_wait3A = arith.constant 0 : i32
      %dma_wait3A_57 = tpu.memref_slice %arg3[%mul3A_12, %dma_wait3A] : memref<1280x128xi32, #tpu.memory_space<hbm>> -> memref<40x128xi32, #tpu.memory_space<hbm>>
      %dma_wait3A_58 = arith.constant 0 : i32
      %dma_wait3A_59 = tpu.memref_slice %arg3[%mul3A_12, %dma_wait3A_58] : memref<1280x128xi32, #tpu.memory_space<hbm>> -> memref<40x128xi32, #tpu.memory_space<hbm>>
      tpu.wait_dma2 semaphore(%run_scoped3A : memref<!tpu.dma_semaphore, #tpu.memory_space<semaphore_mem>>) src(%dma_wait3A_59 : memref<40x128xi32, #tpu.memory_space<hbm>>) dst(%arg9 : memref<40x128xi32, #tpu.memory_space<vmem>>)
      tpu.yield
    }) : () -> ()
    %barrier3A = arith.constant 0 : index
    tpu.barrier barrier_id(%barrier3A)
    %add3A_13 = arith.constant 0 : i32
    %add3A_14 = arith.addi %mul3A_12, %add3A_13 : i32
    %mul3A_15 = arith.constant 128 : i32
    %mul3A_16 = arith.muli %add3A_14, %mul3A_15 : i32
    %dma_start3A = arith.constant 0 : i32
    %dma_start3A_17 = tpu.memref_slice %arg4[%mul3A_16, %dma_start3A] : memref<163840x16xf32, #tpu.memory_space<hbm>> -> memref<128x16xf32, #tpu.memory_space<hbm>>
    %dma_start3A_18 = arith.constant 0 : i32
    %dma_start3A_19 = tpu.memref_slice %arg4[%mul3A_16, %dma_start3A_18] : memref<163840x16xf32, #tpu.memory_space<hbm>> -> memref<128x16xf32, #tpu.memory_space<hbm>>
    tpu.enqueue_dma source(%dma_start3A_19 : memref<128x16xf32, #tpu.memory_space<hbm>>) target(%arg10 : memref<128x16xf32, #tpu.memory_space<vmem>>) target_semaphore(%arg16 : memref<!tpu.dma_semaphore, #tpu.memory_space<semaphore_mem>>)
    %dma_start3A_20 = arith.constant 0 : i32
    %dma_start3A_21 = arith.constant 0 : i32
    %dma_start3A_22 = tpu.memref_slice %arg8[%dma_start3A_20, %dma_start3A_21] : memref<40x128xi32, #tpu.memory_space<vmem>> -> memref<1x128xi32, #tpu.memory_space<vmem>>
    %dma_start3A_23 = tpu.memref_squeeze %dma_start3A_22 : memref<1x128xi32, #tpu.memory_space<vmem>> -> memref<128xi32, #tpu.memory_space<vmem>>
    %dma_start3A_24 = arith.constant 0 : i32
    %dma_start3A_25 = arith.constant 0 : i32
    %dma_start3A_26 = tpu.memref_slice %arg5[%dma_start3A_24, %dma_start3A_25] : memref<10240x16xf32, #tpu.memory_space<hbm>> -> memref<10240x16xf32, #tpu.memory_space<hbm>>
    tpu.enqueue_indirect_dma source(%dma_start3A_26 : memref<10240x16xf32, #tpu.memory_space<hbm>>) target(%arg14 : memref<128x16xf32, #tpu.memory_space<vmem>>) offsets(%dma_start3A_23 : memref<128xi32, #tpu.memory_space<vmem>>) semaphore(%arg18 : memref<!tpu.dma_semaphore, #tpu.memory_space<semaphore_mem>>)
    %add3A_27 = arith.constant 1 : i32
    %add3A_28 = arith.addi %mul3A_12, %add3A_27 : i32
    %mul3A_29 = arith.constant 128 : i32
    %mul3A_30 = arith.muli %add3A_28, %mul3A_29 : i32
    %dma_start3A_31 = arith.constant 0 : i32
    %dma_start3A_32 = tpu.memref_slice %arg4[%mul3A_30, %dma_start3A_31] : memref<163840x16xf32, #tpu.memory_space<hbm>> -> memref<128x16xf32, #tpu.memory_space<hbm>>
    %dma_start3A_33 = arith.constant 0 : i32
    %dma_start3A_34 = tpu.memref_slice %arg4[%mul3A_30, %dma_start3A_33] : memref<163840x16xf32, #tpu.memory_space<hbm>> -> memref<128x16xf32, #tpu.memory_space<hbm>>
    tpu.enqueue_dma source(%dma_start3A_34 : memref<128x16xf32, #tpu.memory_space<hbm>>) target(%arg11 : memref<128x16xf32, #tpu.memory_space<vmem>>) target_semaphore(%arg17 : memref<!tpu.dma_semaphore, #tpu.memory_space<semaphore_mem>>)
    %dma_start3A_35 = arith.constant 1 : i32
    %dma_start3A_36 = arith.constant 0 : i32
    %dma_start3A_37 = tpu.memref_slice %arg8[%dma_start3A_35, %dma_start3A_36] : memref<40x128xi32, #tpu.memory_space<vmem>> -> memref<1x128xi32, #tpu.memory_space<vmem>>
    %dma_start3A_38 = tpu.memref_squeeze %dma_start3A_37 : memref<1x128xi32, #tpu.memory_space<vmem>> -> memref<128xi32, #tpu.memory_space<vmem>>
    %dma_start3A_39 = arith.constant 0 : i32
    %dma_start3A_40 = arith.constant 0 : i32
    %dma_start3A_41 = tpu.memref_slice %arg5[%dma_start3A_39, %dma_start3A_40] : memref<10240x16xf32, #tpu.memory_space<hbm>> -> memref<10240x16xf32, #tpu.memory_space<hbm>>
    tpu.enqueue_indirect_dma source(%dma_start3A_41 : memref<10240x16xf32, #tpu.memory_space<hbm>>) target(%arg15 : memref<128x16xf32, #tpu.memory_space<vmem>>) offsets(%dma_start3A_38 : memref<128xi32, #tpu.memory_space<vmem>>) semaphore(%arg19 : memref<!tpu.dma_semaphore, #tpu.memory_space<semaphore_mem>>)
    %scan3A_42 = arith.constant 0 : i32
    %scan3A_43 = arith.constant 20 : i32
    %scan3A_44 = arith.addi %scan3A_42, %scan3A_43 : i32
    %scan3A_45 = arith.constant 1 : i32
    scf.for %scan3A_53 = %scan3A_42 to %scan3A_44 step %scan3A_45  : i32 {
      %mul3A_54 = arith.constant 1 : i32
      %mul3A_55 = arith.muli %scan3A_53, %mul3A_54 : i32
      %add3A_56 = arith.constant 0 : i32
      %add3A_57 = arith.addi %add3A_56, %mul3A_55 : i32
      %mul3A_58 = arith.constant 2 : i32
      %mul3A_59 = arith.muli %mul3A_58, %add3A_57 : i32
      %dma_wait3A = arith.constant 0 : i32
      %dma_wait3A_60 = arith.constant 0 : i32
      %dma_wait3A_61 = tpu.memref_slice %arg4[%dma_wait3A, %dma_wait3A_60] : memref<163840x16xf32, #tpu.memory_space<hbm>> -> memref<128x16xf32, #tpu.memory_space<hbm>>
      %dma_wait3A_62 = arith.constant 0 : i32
      %dma_wait3A_63 = arith.constant 0 : i32
      %dma_wait3A_64 = tpu.memref_slice %arg4[%dma_wait3A_62, %dma_wait3A_63] : memref<163840x16xf32, #tpu.memory_space<hbm>> -> memref<128x16xf32, #tpu.memory_space<hbm>>
      tpu.wait_dma2 semaphore(%arg16 : memref<!tpu.dma_semaphore, #tpu.memory_space<semaphore_mem>>) src(%dma_wait3A_64 : memref<128x16xf32, #tpu.memory_space<hbm>>) dst(%arg10 : memref<128x16xf32, #tpu.memory_space<vmem>>)
      %dma_wait3A_65 = arith.constant 0 : i32
      %dma_wait3A_66 = arith.constant 0 : i32
      %dma_wait3A_67 = tpu.memref_slice %arg8[%dma_wait3A_65, %dma_wait3A_66] : memref<40x128xi32, #tpu.memory_space<vmem>> -> memref<1x128xi32, #tpu.memory_space<vmem>>
      %dma_wait3A_68 = tpu.memref_squeeze %dma_wait3A_67 : memref<1x128xi32, #tpu.memory_space<vmem>> -> memref<128xi32, #tpu.memory_space<vmem>>
      %dma_wait3A_69 = arith.constant 0 : i32
      %dma_wait3A_70 = arith.constant 0 : i32
      %dma_wait3A_71 = tpu.memref_slice %arg5[%dma_wait3A_69, %dma_wait3A_70] : memref<10240x16xf32, #tpu.memory_space<hbm>> -> memref<10240x16xf32, #tpu.memory_space<hbm>>
      tpu.wait_indirect_dma semaphore(%arg18 : memref<!tpu.dma_semaphore, #tpu.memory_space<semaphore_mem>>) src(%dma_wait3A_71 : memref<10240x16xf32, #tpu.memory_space<hbm>>) dst(%arg14 : memref<128x16xf32, #tpu.memory_space<vmem>>)
      %scan3A_72 = arith.constant 0 : i32
      %scan3A_73 = arith.constant 128 : i32
      %scan3A_74 = arith.addi %scan3A_72, %scan3A_73 : i32
      %scan3A_75 = arith.constant 4 : i32
      scf.for %scan3A_110 = %scan3A_72 to %scan3A_74 step %scan3A_75  : i32 {
        %mul3A_111 = arith.constant 1 : i32
        %mul3A_112 = arith.muli %scan3A_110, %mul3A_111 : i32
        %add3A_113 = arith.constant 0 : i32
        %add3A_114 = arith.addi %add3A_113, %mul3A_112 : i32
        %get3A = arith.index_cast %add3A_114 : i32 to index
        %get3A_115 = arith.constant 0 : index
        %get3A_116 = tpu.vector_load %arg14[%get3A, %get3A_115] {strides = array<i32>} : memref<128x16xf32, #tpu.memory_space<vmem>>, vector<1x16xf32>,
        %get3A_117 = vector.shape_cast %get3A_116 : vector<1x16xf32> to vector<16xf32>
        %get3A_118 = arith.index_cast %add3A_114 : i32 to index
        %get3A_119 = arith.constant 0 : index
        %get3A_120 = tpu.vector_load %arg10[%get3A_118, %get3A_119] {strides = array<i32>} : memref<128x16xf32, #tpu.memory_space<vmem>>, vector<1x16xf32>,
        %get3A_121 = vector.shape_cast %get3A_120 : vector<1x16xf32> to vector<16xf32>
        %mul3A_122 = arith.mulf %get3A_121, %get3A_117 : vector<16xf32>
        %swap3A = arith.index_cast %add3A_114 : i32 to index
        %swap3A_123 = arith.constant 0 : index
        %swap3A_124 = tpu.vector_load %arg12[%swap3A, %swap3A_123] {strides = array<i32>} : memref<128x32xf32, #tpu.memory_space<vmem>>, vector<1x16xf32>,
        %swap3A_125 = vector.shape_cast %swap3A_124 : vector<1x16xf32> to vector<16xf32>
        %swap3A_126 = vector.shape_cast %mul3A_122 : vector<16xf32> to vector<1x16xf32>
        tpu.vector_store %arg12[%swap3A, %swap3A_123], %swap3A_126 {strides = array<i32>} : memref<128x32xf32, #tpu.memory_space<vmem>>, vector<1x16xf32>,
        %swap3A_127 = arith.index_cast %add3A_114 : i32 to index
        %swap3A_128 = arith.constant 16 : index
        %swap3A_129 = tpu.vector_load %arg12[%swap3A_127, %swap3A_128] {strides = array<i32>} : memref<128x32xf32, #tpu.memory_space<vmem>>, vector<1x16xf32>,
        %swap3A_130 = vector.shape_cast %swap3A_129 : vector<1x16xf32> to vector<16xf32>
        %swap3A_131 = vector.shape_cast %get3A_117 : vector<16xf32> to vector<1x16xf32>
        tpu.vector_store %arg12[%swap3A_127, %swap3A_128], %swap3A_131 {strides = array<i32>} : memref<128x32xf32, #tpu.memory_space<vmem>>, vector<1x16xf32>,
        %scan3A_132 = arith.constant 1 : i32
        %scan3A_133 = arith.addi %scan3A_110, %scan3A_132 : i32
        %mul3A_134 = arith.constant 1 : i32
        %mul3A_135 = arith.muli %scan3A_133, %mul3A_134 : i32
        %add3A_136 = arith.constant 0 : i32
        %add3A_137 = arith.addi %add3A_136, %mul3A_135 : i32
        %get3A_138 = arith.index_cast %add3A_137 : i32 to index
        %get3A_139 = arith.constant 0 : index
        %get3A_140 = tpu.vector_load %arg14[%get3A_138, %get3A_139] {strides = array<i32>} : memref<128x16xf32, #tpu.memory_space<vmem>>, vector<1x16xf32>,
        %get3A_141 = vector.shape_cast %get3A_140 : vector<1x16xf32> to vector<16xf32>
        %get3A_142 = arith.index_cast %add3A_137 : i32 to index
        %get3A_143 = arith.constant 0 : index
        %get3A_144 = tpu.vector_load %arg10[%get3A_142, %get3A_143] {strides = array<i32>} : memref<128x16xf32, #tpu.memory_space<vmem>>, vector<1x16xf32>,
        %get3A_145 = vector.shape_cast %get3A_144 : vector<1x16xf32> to vector<16xf32>
        %mul3A_146 = arith.mulf %get3A_145, %get3A_141 : vector<16xf32>
        %swap3A_147 = arith.index_cast %add3A_137 : i32 to index
        %swap3A_148 = arith.constant 0 : index
        %swap3A_149 = tpu.vector_load %arg12[%swap3A_147, %swap3A_148] {strides = array<i32>} : memref<128x32xf32, #tpu.memory_space<vmem>>, vector<1x16xf32>,
        %swap3A_150 = vector.shape_cast %swap3A_149 : vector<1x16xf32> to vector<16xf32>
        %swap3A_151 = vector.shape_cast %mul3A_146 : vector<16xf32> to vector<1x16xf32>
        tpu.vector_store %arg12[%swap3A_147, %swap3A_148], %swap3A_151 {strides = array<i32>} : memref<128x32xf32, #tpu.memory_space<vmem>>, vector<1x16xf32>,
        %swap3A_152 = arith.index_cast %add3A_137 : i32 to index
        %swap3A_153 = arith.constant 16 : index
        %swap3A_154 = tpu.vector_load %arg12[%swap3A_152, %swap3A_153] {strides = array<i32>} : memref<128x32xf32, #tpu.memory_space<vmem>>, vector<1x16xf32>,
        %swap3A_155 = vector.shape_cast %swap3A_154 : vector<1x16xf32> to vector<16xf32>
        %swap3A_156 = vector.shape_cast %get3A_141 : vector<16xf32> to vector<1x16xf32>
        tpu.vector_store %arg12[%swap3A_152, %swap3A_153], %swap3A_156 {strides = array<i32>} : memref<128x32xf32, #tpu.memory_space<vmem>>, vector<1x16xf32>,
        %scan3A_157 = arith.constant 2 : i32
        %scan3A_158 = arith.addi %scan3A_110, %scan3A_157 : i32
        %mul3A_159 = arith.constant 1 : i32
        %mul3A_160 = arith.muli %scan3A_158, %mul3A_159 : i32
        %add3A_161 = arith.constant 0 : i32
        %add3A_162 = arith.addi %add3A_161, %mul3A_160 : i32
        %get3A_163 = arith.index_cast %add3A_162 : i32 to index
        %get3A_164 = arith.constant 0 : index
        %get3A_165 = tpu.vector_load %arg14[%get3A_163, %get3A_164] {strides = array<i32>} : memref<128x16xf32, #tpu.memory_space<vmem>>, vector<1x16xf32>,
        %get3A_166 = vector.shape_cast %get3A_165 : vector<1x16xf32> to vector<16xf32>
        %get3A_167 = arith.index_cast %add3A_162 : i32 to index
        %get3A_168 = arith.constant 0 : index
        %get3A_169 = tpu.vector_load %arg10[%get3A_167, %get3A_168] {strides = array<i32>} : memref<128x16xf32, #tpu.memory_space<vmem>>, vector<1x16xf32>,
        %get3A_170 = vector.shape_cast %get3A_169 : vector<1x16xf32> to vector<16xf32>
        %mul3A_171 = arith.mulf %get3A_170, %get3A_166 : vector<16xf32>
        %swap3A_172 = arith.index_cast %add3A_162 : i32 to index
        %swap3A_173 = arith.constant 0 : index
        %swap3A_174 = tpu.vector_load %arg12[%swap3A_172, %swap3A_173] {strides = array<i32>} : memref<128x32xf32, #tpu.memory_space<vmem>>, vector<1x16xf32>,
        %swap3A_175 = vector.shape_cast %swap3A_174 : vector<1x16xf32> to vector<16xf32>
        %swap3A_176 = vector.shape_cast %mul3A_171 : vector<16xf32> to vector<1x16xf32>
        tpu.vector_store %arg12[%swap3A_172, %swap3A_173], %swap3A_176 {strides = array<i32>} : memref<128x32xf32, #tpu.memory_space<vmem>>, vector<1x16xf32>,
        %swap3A_177 = arith.index_cast %add3A_162 : i32 to index
        %swap3A_178 = arith.constant 16 : index
        %swap3A_179 = tpu.vector_load %arg12[%swap3A_177, %swap3A_178] {strides = array<i32>} : memref<128x32xf32, #tpu.memory_space<vmem>>, vector<1x16xf32>,
        %swap3A_180 = vector.shape_cast %swap3A_179 : vector<1x16xf32> to vector<16xf32>
        %swap3A_181 = vector.shape_cast %get3A_166 : vector<16xf32> to vector<1x16xf32>
        tpu.vector_store %arg12[%swap3A_177, %swap3A_178], %swap3A_181 {strides = array<i32>} : memref<128x32xf32, #tpu.memory_space<vmem>>, vector<1x16xf32>,
        %scan3A_182 = arith.constant 3 : i32
        %scan3A_183 = arith.addi %scan3A_110, %scan3A_182 : i32
        %mul3A_184 = arith.constant 1 : i32
        %mul3A_185 = arith.muli %scan3A_183, %mul3A_184 : i32
        %add3A_186 = arith.constant 0 : i32
        %add3A_187 = arith.addi %add3A_186, %mul3A_185 : i32
        %get3A_188 = arith.index_cast %add3A_187 : i32 to index
        %get3A_189 = arith.constant 0 : index
        %get3A_190 = tpu.vector_load %arg14[%get3A_188, %get3A_189] {strides = array<i32>} : memref<128x16xf32, #tpu.memory_space<vmem>>, vector<1x16xf32>,
        %get3A_191 = vector.shape_cast %get3A_190 : vector<1x16xf32> to vector<16xf32>
        %get3A_192 = arith.index_cast %add3A_187 : i32 to index
        %get3A_193 = arith.constant 0 : index
        %get3A_194 = tpu.vector_load %arg10[%get3A_192, %get3A_193] {strides = array<i32>} : memref<128x16xf32, #tpu.memory_space<vmem>>, vector<1x16xf32>,
        %get3A_195 = vector.shape_cast %get3A_194 : vector<1x16xf32> to vector<16xf32>
        %mul3A_196 = arith.mulf %get3A_195, %get3A_191 : vector<16xf32>
        %swap3A_197 = arith.index_cast %add3A_187 : i32 to index
        %swap3A_198 = arith.constant 0 : index
        %swap3A_199 = tpu.vector_load %arg12[%swap3A_197, %swap3A_198] {strides = array<i32>} : memref<128x32xf32, #tpu.memory_space<vmem>>, vector<1x16xf32>,
        %swap3A_200 = vector.shape_cast %swap3A_199 : vector<1x16xf32> to vector<16xf32>
        %swap3A_201 = vector.shape_cast %mul3A_196 : vector<16xf32> to vector<1x16xf32>
        tpu.vector_store %arg12[%swap3A_197, %swap3A_198], %swap3A_201 {strides = array<i32>} : memref<128x32xf32, #tpu.memory_space<vmem>>, vector<1x16xf32>,
        %swap3A_202 = arith.index_cast %add3A_187 : i32 to index
        %swap3A_203 = arith.constant 16 : index
        %swap3A_204 = tpu.vector_load %arg12[%swap3A_202, %swap3A_203] {strides = array<i32>} : memref<128x32xf32, #tpu.memory_space<vmem>>, vector<1x16xf32>,
        %swap3A_205 = vector.shape_cast %swap3A_204 : vector<1x16xf32> to vector<16xf32>
        %swap3A_206 = vector.shape_cast %get3A_191 : vector<16xf32> to vector<1x16xf32>
        tpu.vector_store %arg12[%swap3A_202, %swap3A_203], %swap3A_206 {strides = array<i32>} : memref<128x32xf32, #tpu.memory_space<vmem>>, vector<1x16xf32>,
      }
      %scan3A_76 = arith.constant 128 : i32
      "tpu.region"() ({
        %run_scoped3A = tpu.sem_alloc : memref<!tpu.dma_semaphore, #tpu.memory_space<semaphore_mem>>
        %dma_start3A_110 = arith.constant 0 : i32
        %dma_start3A_111 = tpu.memref_slice %arg9[%mul3A_59, %dma_start3A_110] : memref<40x128xi32, #tpu.memory_space<vmem>> -> memref<1x128xi32, #tpu.memory_space<vmem>>
        %dma_start3A_112 = tpu.memref_squeeze %dma_start3A_111 : memref<1x128xi32, #tpu.memory_space<vmem>> -> memref<128xi32, #tpu.memory_space<vmem>>
        %dma_start3A_113 = arith.constant 0 : i32
        %dma_start3A_114 = arith.constant 0 : i32
        %dma_start3A_115 = tpu.memref_slice %arg7[%dma_start3A_113, %dma_start3A_114] : memref<10240x32xf32, #tpu.memory_space<vmem_shared>> -> memref<10240x32xf32, #tpu.memory_space<vmem_shared>>
        tpu.enqueue_indirect_dma source(%arg12 : memref<128x32xf32, #tpu.memory_space<vmem>>) target(%dma_start3A_115 : memref<10240x32xf32, #tpu.memory_space<vmem_shared>>) offsets(%dma_start3A_112 : memref<128xi32, #tpu.memory_space<vmem>>) semaphore(%run_scoped3A : memref<!tpu.dma_semaphore, #tpu.memory_space<semaphore_mem>>) {add = true}
        %dma_wait3A_116 = arith.constant 0 : i32
        %dma_wait3A_117 = tpu.memref_slice %arg9[%mul3A_59, %dma_wait3A_116] : memref<40x128xi32, #tpu.memory_space<vmem>> -> memref<1x128xi32, #tpu.memory_space<vmem>>
        %dma_wait3A_118 = tpu.memref_squeeze %dma_wait3A_117 : memref<1x128xi32, #tpu.memory_space<vmem>> -> memref<128xi32, #tpu.memory_space<vmem>>
        %dma_wait3A_119 = arith.constant 0 : i32
        %dma_wait3A_120 = arith.constant 0 : i32
        %dma_wait3A_121 = tpu.memref_slice %arg7[%dma_wait3A_119, %dma_wait3A_120] : memref<10240x32xf32, #tpu.memory_space<vmem_shared>> -> memref<10240x32xf32, #tpu.memory_space<vmem_shared>>
        tpu.wait_indirect_dma semaphore(%run_scoped3A : memref<!tpu.dma_semaphore, #tpu.memory_space<semaphore_mem>>) src(%arg12 : memref<128x32xf32, #tpu.memory_space<vmem>>) dst(%dma_wait3A_121 : memref<10240x32xf32, #tpu.memory_space<vmem_shared>>)
        tpu.yield
      }) : () -> ()
      %add3A_77 = arith.constant 2 : i32
      %add3A_78 = arith.addi %mul3A_59, %add3A_77 : i32
      %lt3A = arith.constant 40 : i32
      %lt3A_79 = arith.cmpi slt, %add3A_78, %lt3A : i32
      %convert_element_type3A = arith.extui %lt3A_79 : i1 to i32
      %cond3A = arith.constant 0 : i32
      %cond3A_80 = arith.cmpi ne, %convert_element_type3A, %cond3A : i32
      scf.if %cond3A_80 {
        %add3A_110 = arith.constant 2 : i32
        %add3A_111 = arith.addi %mul3A_59, %add3A_110 : i32
        %add3A_112 = arith.addi %mul3A_12, %add3A_111 : i32
        %mul3A_113 = arith.constant 128 : i32
        %mul3A_114 = arith.muli %add3A_112, %mul3A_113 : i32
        %dma_start3A_115 = arith.constant 0 : i32
        %dma_start3A_116 = tpu.memref_slice %arg4[%mul3A_114, %dma_start3A_115] : memref<163840x16xf32, #tpu.memory_space<hbm>> -> memref<128x16xf32, #tpu.memory_space<hbm>>
        %dma_start3A_117 = arith.constant 0 : i32
        %dma_start3A_118 = tpu.memref_slice %arg4[%mul3A_114, %dma_start3A_117] : memref<163840x16xf32, #tpu.memory_space<hbm>> -> memref<128x16xf32, #tpu.memory_space<hbm>>
        tpu.enqueue_dma source(%dma_start3A_118 : memref<128x16xf32, #tpu.memory_space<hbm>>) target(%arg10 : memref<128x16xf32, #tpu.memory_space<vmem>>) target_semaphore(%arg16 : memref<!tpu.dma_semaphore, #tpu.memory_space<semaphore_mem>>)
        %dma_start3A_119 = arith.constant 0 : i32
        %dma_start3A_120 = tpu.memref_slice %arg8[%add3A_111, %dma_start3A_119] : memref<40x128xi32, #tpu.memory_space<vmem>> -> memref<1x128xi32, #tpu.memory_space<vmem>>
        %dma_start3A_121 = tpu.memref_squeeze %dma_start3A_120 : memref<1x128xi32, #tpu.memory_space<vmem>> -> memref<128xi32, #tpu.memory_space<vmem>>
        %dma_start3A_122 = arith.constant 0 : i32
        %dma_start3A_123 = arith.constant 0 : i32
        %dma_start3A_124 = tpu.memref_slice %arg5[%dma_start3A_122, %dma_start3A_123] : memref<10240x16xf32, #tpu.memory_space<hbm>> -> memref<10240x16xf32, #tpu.memory_space<hbm>>
        tpu.enqueue_indirect_dma source(%dma_start3A_124 : memref<10240x16xf32, #tpu.memory_space<hbm>>) target(%arg14 : memref<128x16xf32, #tpu.memory_space<vmem>>) offsets(%dma_start3A_121 : memref<128xi32, #tpu.memory_space<vmem>>) semaphore(%arg18 : memref<!tpu.dma_semaphore, #tpu.memory_space<semaphore_mem>>)
      } else {
      }
      %mul3A_81 = arith.constant 2 : i32
      %mul3A_82 = arith.muli %mul3A_81, %add3A_57 : i32
      %add3A_83 = arith.constant 1 : i32
      %add3A_84 = arith.addi %mul3A_82, %add3A_83 : i32
      %dma_wait3A_85 = arith.constant 0 : i32
      %dma_wait3A_86 = arith.constant 0 : i32
      %dma_wait3A_87 = tpu.memref_slice %arg4[%dma_wait3A_85, %dma_wait3A_86] : memref<163840x16xf32, #tpu.memory_space<hbm>> -> memref<128x16xf32, #tpu.memory_space<hbm>>
      %dma_wait3A_88 = arith.constant 0 : i32
      %dma_wait3A_89 = arith.constant 0 : i32
      %dma_wait3A_90 = tpu.memref_slice %arg4[%dma_wait3A_88, %dma_wait3A_89] : memref<163840x16xf32, #tpu.memory_space<hbm>> -> memref<128x16xf32, #tpu.memory_space<hbm>>
      tpu.wait_dma2 semaphore(%arg17 : memref<!tpu.dma_semaphore, #tpu.memory_space<semaphore_mem>>) src(%dma_wait3A_90 : memref<128x16xf32, #tpu.memory_space<hbm>>) dst(%arg11 : memref<128x16xf32, #tpu.memory_space<vmem>>)
      %dma_wait3A_91 = arith.constant 0 : i32
      %dma_wait3A_92 = arith.constant 0 : i32
      %dma_wait3A_93 = tpu.memref_slice %arg8[%dma_wait3A_91, %dma_wait3A_92] : memref<40x128xi32, #tpu.memory_space<vmem>> -> memref<1x128xi32, #tpu.memory_space<vmem>>
      %dma_wait3A_94 = tpu.memref_squeeze %dma_wait3A_93 : memref<1x128xi32, #tpu.memory_space<vmem>> -> memref<128xi32, #tpu.memory_space<vmem>>
      %dma_wait3A_95 = arith.constant 0 : i32
      %dma_wait3A_96 = arith.constant 0 : i32
      %dma_wait3A_97 = tpu.memref_slice %arg5[%dma_wait3A_95, %dma_wait3A_96] : memref<10240x16xf32, #tpu.memory_space<hbm>> -> memref<10240x16xf32, #tpu.memory_space<hbm>>
      tpu.wait_indirect_dma semaphore(%arg19 : memref<!tpu.dma_semaphore, #tpu.memory_space<semaphore_mem>>) src(%dma_wait3A_97 : memref<10240x16xf32, #tpu.memory_space<hbm>>) dst(%arg15 : memref<128x16xf32, #tpu.memory_space<vmem>>)
      %scan3A_98 = arith.constant 0 : i32
      %scan3A_99 = arith.constant 128 : i32
      %scan3A_100 = arith.addi %scan3A_98, %scan3A_99 : i32
      %scan3A_101 = arith.constant 4 : i32
      scf.for %scan3A_110 = %scan3A_98 to %scan3A_100 step %scan3A_101  : i32 {
        %mul3A_111 = arith.constant 1 : i32
        %mul3A_112 = arith.muli %scan3A_110, %mul3A_111 : i32
        %add3A_113 = arith.constant 0 : i32
        %add3A_114 = arith.addi %add3A_113, %mul3A_112 : i32
        %get3A = arith.index_cast %add3A_114 : i32 to index
        %get3A_115 = arith.constant 0 : index
        %get3A_116 = tpu.vector_load %arg15[%get3A, %get3A_115] {strides = array<i32>} : memref<128x16xf32, #tpu.memory_space<vmem>>, vector<1x16xf32>,
        %get3A_117 = vector.shape_cast %get3A_116 : vector<1x16xf32> to vector<16xf32>
        %get3A_118 = arith.index_cast %add3A_114 : i32 to index
        %get3A_119 = arith.constant 0 : index
        %get3A_120 = tpu.vector_load %arg11[%get3A_118, %get3A_119] {strides = array<i32>} : memref<128x16xf32, #tpu.memory_space<vmem>>, vector<1x16xf32>,
        %get3A_121 = vector.shape_cast %get3A_120 : vector<1x16xf32> to vector<16xf32>
        %mul3A_122 = arith.mulf %get3A_121, %get3A_117 : vector<16xf32>
        %swap3A = arith.index_cast %add3A_114 : i32 to index
        %swap3A_123 = arith.constant 0 : index
        %swap3A_124 = tpu.vector_load %arg13[%swap3A, %swap3A_123] {strides = array<i32>} : memref<128x32xf32, #tpu.memory_space<vmem>>, vector<1x16xf32>,
        %swap3A_125 = vector.shape_cast %swap3A_124 : vector<1x16xf32> to vector<16xf32>
        %swap3A_126 = vector.shape_cast %mul3A_122 : vector<16xf32> to vector<1x16xf32>
        tpu.vector_store %arg13[%swap3A, %swap3A_123], %swap3A_126 {strides = array<i32>} : memref<128x32xf32, #tpu.memory_space<vmem>>, vector<1x16xf32>,
        %swap3A_127 = arith.index_cast %add3A_114 : i32 to index
        %swap3A_128 = arith.constant 16 : index
        %swap3A_129 = tpu.vector_load %arg13[%swap3A_127, %swap3A_128] {strides = array<i32>} : memref<128x32xf32, #tpu.memory_space<vmem>>, vector<1x16xf32>,
        %swap3A_130 = vector.shape_cast %swap3A_129 : vector<1x16xf32> to vector<16xf32>
        %swap3A_131 = vector.shape_cast %get3A_117 : vector<16xf32> to vector<1x16xf32>
        tpu.vector_store %arg13[%swap3A_127, %swap3A_128], %swap3A_131 {strides = array<i32>} : memref<128x32xf32, #tpu.memory_space<vmem>>, vector<1x16xf32>,
        %scan3A_132 = arith.constant 1 : i32
        %scan3A_133 = arith.addi %scan3A_110, %scan3A_132 : i32
        %mul3A_134 = arith.constant 1 : i32
        %mul3A_135 = arith.muli %scan3A_133, %mul3A_134 : i32
        %add3A_136 = arith.constant 0 : i32
        %add3A_137 = arith.addi %add3A_136, %mul3A_135 : i32
        %get3A_138 = arith.index_cast %add3A_137 : i32 to index
        %get3A_139 = arith.constant 0 : index
        %get3A_140 = tpu.vector_load %arg15[%get3A_138, %get3A_139] {strides = array<i32>} : memref<128x16xf32, #tpu.memory_space<vmem>>, vector<1x16xf32>,
        %get3A_141 = vector.shape_cast %get3A_140 : vector<1x16xf32> to vector<16xf32>
        %get3A_142 = arith.index_cast %add3A_137 : i32 to index
        %get3A_143 = arith.constant 0 : index
        %get3A_144 = tpu.vector_load %arg11[%get3A_142, %get3A_143] {strides = array<i32>} : memref<128x16xf32, #tpu.memory_space<vmem>>, vector<1x16xf32>,
        %get3A_145 = vector.shape_cast %get3A_144 : vector<1x16xf32> to vector<16xf32>
        %mul3A_146 = arith.mulf %get3A_145, %get3A_141 : vector<16xf32>
        %swap3A_147 = arith.index_cast %add3A_137 : i32 to index
        %swap3A_148 = arith.constant 0 : index
        %swap3A_149 = tpu.vector_load %arg13[%swap3A_147, %swap3A_148] {strides = array<i32>} : memref<128x32xf32, #tpu.memory_space<vmem>>, vector<1x16xf32>,
        %swap3A_150 = vector.shape_cast %swap3A_149 : vector<1x16xf32> to vector<16xf32>
        %swap3A_151 = vector.shape_cast %mul3A_146 : vector<16xf32> to vector<1x16xf32>
        tpu.vector_store %arg13[%swap3A_147, %swap3A_148], %swap3A_151 {strides = array<i32>} : memref<128x32xf32, #tpu.memory_space<vmem>>, vector<1x16xf32>,
        %swap3A_152 = arith.index_cast %add3A_137 : i32 to index
        %swap3A_153 = arith.constant 16 : index
        %swap3A_154 = tpu.vector_load %arg13[%swap3A_152, %swap3A_153] {strides = array<i32>} : memref<128x32xf32, #tpu.memory_space<vmem>>, vector<1x16xf32>,
        %swap3A_155 = vector.shape_cast %swap3A_154 : vector<1x16xf32> to vector<16xf32>
        %swap3A_156 = vector.shape_cast %get3A_141 : vector<16xf32> to vector<1x16xf32>
        tpu.vector_store %arg13[%swap3A_152, %swap3A_153], %swap3A_156 {strides = array<i32>} : memref<128x32xf32, #tpu.memory_space<vmem>>, vector<1x16xf32>,
        %scan3A_157 = arith.constant 2 : i32
        %scan3A_158 = arith.addi %scan3A_110, %scan3A_157 : i32
        %mul3A_159 = arith.constant 1 : i32
        %mul3A_160 = arith.muli %scan3A_158, %mul3A_159 : i32
        %add3A_161 = arith.constant 0 : i32
        %add3A_162 = arith.addi %add3A_161, %mul3A_160 : i32
        %get3A_163 = arith.index_cast %add3A_162 : i32 to index
        %get3A_164 = arith.constant 0 : index
        %get3A_165 = tpu.vector_load %arg15[%get3A_163, %get3A_164] {strides = array<i32>} : memref<128x16xf32, #tpu.memory_space<vmem>>, vector<1x16xf32>,
        %get3A_166 = vector.shape_cast %get3A_165 : vector<1x16xf32> to vector<16xf32>
        %get3A_167 = arith.index_cast %add3A_162 : i32 to index
        %get3A_168 = arith.constant 0 : index
        %get3A_169 = tpu.vector_load %arg11[%get3A_167, %get3A_168] {strides = array<i32>} : memref<128x16xf32, #tpu.memory_space<vmem>>, vector<1x16xf32>,
        %get3A_170 = vector.shape_cast %get3A_169 : vector<1x16xf32> to vector<16xf32>
        %mul3A_171 = arith.mulf %get3A_170, %get3A_166 : vector<16xf32>
        %swap3A_172 = arith.index_cast %add3A_162 : i32 to index
        %swap3A_173 = arith.constant 0 : index
        %swap3A_174 = tpu.vector_load %arg13[%swap3A_172, %swap3A_173] {strides = array<i32>} : memref<128x32xf32, #tpu.memory_space<vmem>>, vector<1x16xf32>,
        %swap3A_175 = vector.shape_cast %swap3A_174 : vector<1x16xf32> to vector<16xf32>
        %swap3A_176 = vector.shape_cast %mul3A_171 : vector<16xf32> to vector<1x16xf32>
        tpu.vector_store %arg13[%swap3A_172, %swap3A_173], %swap3A_176 {strides = array<i32>} : memref<128x32xf32, #tpu.memory_space<vmem>>, vector<1x16xf32>,
        %swap3A_177 = arith.index_cast %add3A_162 : i32 to index
        %swap3A_178 = arith.constant 16 : index
        %swap3A_179 = tpu.vector_load %arg13[%swap3A_177, %swap3A_178] {strides = array<i32>} : memref<128x32xf32, #tpu.memory_space<vmem>>, vector<1x16xf32>,
        %swap3A_180 = vector.shape_cast %swap3A_179 : vector<1x16xf32> to vector<16xf32>
        %swap3A_181 = vector.shape_cast %get3A_166 : vector<16xf32> to vector<1x16xf32>
        tpu.vector_store %arg13[%swap3A_177, %swap3A_178], %swap3A_181 {strides = array<i32>} : memref<128x32xf32, #tpu.memory_space<vmem>>, vector<1x16xf32>,
        %scan3A_182 = arith.constant 3 : i32
        %scan3A_183 = arith.addi %scan3A_110, %scan3A_182 : i32
        %mul3A_184 = arith.constant 1 : i32
        %mul3A_185 = arith.muli %scan3A_183, %mul3A_184 : i32
        %add3A_186 = arith.constant 0 : i32
        %add3A_187 = arith.addi %add3A_186, %mul3A_185 : i32
        %get3A_188 = arith.index_cast %add3A_187 : i32 to index
        %get3A_189 = arith.constant 0 : index
        %get3A_190 = tpu.vector_load %arg15[%get3A_188, %get3A_189] {strides = array<i32>} : memref<128x16xf32, #tpu.memory_space<vmem>>, vector<1x16xf32>,
        %get3A_191 = vector.shape_cast %get3A_190 : vector<1x16xf32> to vector<16xf32>
        %get3A_192 = arith.index_cast %add3A_187 : i32 to index
        %get3A_193 = arith.constant 0 : index
        %get3A_194 = tpu.vector_load %arg11[%get3A_192, %get3A_193] {strides = array<i32>} : memref<128x16xf32, #tpu.memory_space<vmem>>, vector<1x16xf32>,
        %get3A_195 = vector.shape_cast %get3A_194 : vector<1x16xf32> to vector<16xf32>
        %mul3A_196 = arith.mulf %get3A_195, %get3A_191 : vector<16xf32>
        %swap3A_197 = arith.index_cast %add3A_187 : i32 to index
        %swap3A_198 = arith.constant 0 : index
        %swap3A_199 = tpu.vector_load %arg13[%swap3A_197, %swap3A_198] {strides = array<i32>} : memref<128x32xf32, #tpu.memory_space<vmem>>, vector<1x16xf32>,
        %swap3A_200 = vector.shape_cast %swap3A_199 : vector<1x16xf32> to vector<16xf32>
        %swap3A_201 = vector.shape_cast %mul3A_196 : vector<16xf32> to vector<1x16xf32>
        tpu.vector_store %arg13[%swap3A_197, %swap3A_198], %swap3A_201 {strides = array<i32>} : memref<128x32xf32, #tpu.memory_space<vmem>>, vector<1x16xf32>,
        %swap3A_202 = arith.index_cast %add3A_187 : i32 to index
        %swap3A_203 = arith.constant 16 : index
        %swap3A_204 = tpu.vector_load %arg13[%swap3A_202, %swap3A_203] {strides = array<i32>} : memref<128x32xf32, #tpu.memory_space<vmem>>, vector<1x16xf32>,
        %swap3A_205 = vector.shape_cast %swap3A_204 : vector<1x16xf32> to vector<16xf32>
        %swap3A_206 = vector.shape_cast %get3A_191 : vector<16xf32> to vector<1x16xf32>
        tpu.vector_store %arg13[%swap3A_202, %swap3A_203], %swap3A_206 {strides = array<i32>} : memref<128x32xf32, #tpu.memory_space<vmem>>, vector<1x16xf32>,
      }
      %scan3A_102 = arith.constant 128 : i32
      "tpu.region"() ({
        %run_scoped3A = tpu.sem_alloc : memref<!tpu.dma_semaphore, #tpu.memory_space<semaphore_mem>>
        %dma_start3A_110 = arith.constant 0 : i32
        %dma_start3A_111 = tpu.memref_slice %arg9[%add3A_84, %dma_start3A_110] : memref<40x128xi32, #tpu.memory_space<vmem>> -> memref<1x128xi32, #tpu.memory_space<vmem>>
        %dma_start3A_112 = tpu.memref_squeeze %dma_start3A_111 : memref<1x128xi32, #tpu.memory_space<vmem>> -> memref<128xi32, #tpu.memory_space<vmem>>
        %dma_start3A_113 = arith.constant 0 : i32
        %dma_start3A_114 = arith.constant 0 : i32
        %dma_start3A_115 = tpu.memref_slice %arg7[%dma_start3A_113, %dma_start3A_114] : memref<10240x32xf32, #tpu.memory_space<vmem_shared>> -> memref<10240x32xf32, #tpu.memory_space<vmem_shared>>
        tpu.enqueue_indirect_dma source(%arg13 : memref<128x32xf32, #tpu.memory_space<vmem>>) target(%dma_start3A_115 : memref<10240x32xf32, #tpu.memory_space<vmem_shared>>) offsets(%dma_start3A_112 : memref<128xi32, #tpu.memory_space<vmem>>) semaphore(%run_scoped3A : memref<!tpu.dma_semaphore, #tpu.memory_space<semaphore_mem>>) {add = true}
        %dma_wait3A_116 = arith.constant 0 : i32
        %dma_wait3A_117 = tpu.memref_slice %arg9[%add3A_84, %dma_wait3A_116] : memref<40x128xi32, #tpu.memory_space<vmem>> -> memref<1x128xi32, #tpu.memory_space<vmem>>
        %dma_wait3A_118 = tpu.memref_squeeze %dma_wait3A_117 : memref<1x128xi32, #tpu.memory_space<vmem>> -> memref<128xi32, #tpu.memory_space<vmem>>
        %dma_wait3A_119 = arith.constant 0 : i32
        %dma_wait3A_120 = arith.constant 0 : i32
        %dma_wait3A_121 = tpu.memref_slice %arg7[%dma_wait3A_119, %dma_wait3A_120] : memref<10240x32xf32, #tpu.memory_space<vmem_shared>> -> memref<10240x32xf32, #tpu.memory_space<vmem_shared>>
        tpu.wait_indirect_dma semaphore(%run_scoped3A : memref<!tpu.dma_semaphore, #tpu.memory_space<semaphore_mem>>) src(%arg13 : memref<128x32xf32, #tpu.memory_space<vmem>>) dst(%dma_wait3A_121 : memref<10240x32xf32, #tpu.memory_space<vmem_shared>>)
        tpu.yield
      }) : () -> ()
      %add3A_103 = arith.constant 2 : i32
      %add3A_104 = arith.addi %add3A_84, %add3A_103 : i32
      %lt3A_105 = arith.constant 40 : i32
      %lt3A_106 = arith.cmpi slt, %add3A_104, %lt3A_105 : i32
      %convert_element_type3A_107 = arith.extui %lt3A_106 : i1 to i32
      %cond3A_108 = arith.constant 0 : i32
      %cond3A_109 = arith.cmpi ne, %convert_element_type3A_107, %cond3A_108 : i32
      scf.if %cond3A_109 {
        %add3A_110 = arith.constant 2 : i32
        %add3A_111 = arith.addi %add3A_84, %add3A_110 : i32
        %add3A_112 = arith.addi %mul3A_12, %add3A_111 : i32
        %mul3A_113 = arith.constant 128 : i32
        %mul3A_114 = arith.muli %add3A_112, %mul3A_113 : i32
        %dma_start3A_115 = arith.constant 0 : i32
        %dma_start3A_116 = tpu.memref_slice %arg4[%mul3A_114, %dma_start3A_115] : memref<163840x16xf32, #tpu.memory_space<hbm>> -> memref<128x16xf32, #tpu.memory_space<hbm>>
        %dma_start3A_117 = arith.constant 0 : i32
        %dma_start3A_118 = tpu.memref_slice %arg4[%mul3A_114, %dma_start3A_117] : memref<163840x16xf32, #tpu.memory_space<hbm>> -> memref<128x16xf32, #tpu.memory_space<hbm>>
        tpu.enqueue_dma source(%dma_start3A_118 : memref<128x16xf32, #tpu.memory_space<hbm>>) target(%arg11 : memref<128x16xf32, #tpu.memory_space<vmem>>) target_semaphore(%arg17 : memref<!tpu.dma_semaphore, #tpu.memory_space<semaphore_mem>>)
        %dma_start3A_119 = arith.constant 0 : i32
        %dma_start3A_120 = tpu.memref_slice %arg8[%add3A_111, %dma_start3A_119] : memref<40x128xi32, #tpu.memory_space<vmem>> -> memref<1x128xi32, #tpu.memory_space<vmem>>
        %dma_start3A_121 = tpu.memref_squeeze %dma_start3A_120 : memref<1x128xi32, #tpu.memory_space<vmem>> -> memref<128xi32, #tpu.memory_space<vmem>>
        %dma_start3A_122 = arith.constant 0 : i32
        %dma_start3A_123 = arith.constant 0 : i32
        %dma_start3A_124 = tpu.memref_slice %arg5[%dma_start3A_122, %dma_start3A_123] : memref<10240x16xf32, #tpu.memory_space<hbm>> -> memref<10240x16xf32, #tpu.memory_space<hbm>>
        tpu.enqueue_indirect_dma source(%dma_start3A_124 : memref<10240x16xf32, #tpu.memory_space<hbm>>) target(%arg15 : memref<128x16xf32, #tpu.memory_space<vmem>>) offsets(%dma_start3A_121 : memref<128xi32, #tpu.memory_space<vmem>>) semaphore(%arg19 : memref<!tpu.dma_semaphore, #tpu.memory_space<semaphore_mem>>)
      } else {
      }
    }
    %scan3A_46 = arith.constant 20 : i32
    %barrier3A_47 = arith.constant 0 : index
    tpu.barrier barrier_id(%barrier3A_47)
    %scan3A_48 = arith.constant 0 : i32
    %scan3A_49 = arith.constant 5 : i32
    %scan3A_50 = arith.addi %scan3A_48, %scan3A_49 : i32
    %scan3A_51 = arith.constant 1 : i32
    scf.for %scan3A_53 = %scan3A_48 to %scan3A_50 step %scan3A_51  : i32 {
      %mul3A_54 = arith.constant 1 : i32
      %mul3A_55 = arith.muli %scan3A_53, %mul3A_54 : i32
      %add3A_56 = arith.constant 0 : i32
      %add3A_57 = arith.addi %add3A_56, %mul3A_55 : i32
      %mul3A_58 = arith.constant 640 : i32
      %mul3A_59 = arith.muli %arg1, %mul3A_58 : i32
      %mul3A_60 = arith.constant 128 : i32
      %mul3A_61 = arith.muli %add3A_57, %mul3A_60 : i32
      %add3A_62 = arith.addi %mul3A_59, %mul3A_61 : i32
      "tpu.region"() ({
        %run_scoped3A = tpu.sem_alloc : memref<!tpu.dma_semaphore, #tpu.memory_space<semaphore_mem>>
        %dma_start3A_63 = arith.constant 0 : i32
        %dma_start3A_64 = tpu.memref_slice %arg6[%arg0, %add3A_62, %dma_start3A_63] : memref<2x10240x32xf32, #tpu.memory_space<hbm>> -> memref<1x128x32xf32, #tpu.memory_space<hbm>>
        %dma_start3A_65 = tpu.memref_squeeze %dma_start3A_64 : memref<1x128x32xf32, #tpu.memory_space<hbm>> -> memref<128x32xf32, #tpu.memory_space<hbm>>
        %dma_start3A_66 = arith.constant 0 : i32
        %dma_start3A_67 = tpu.memref_slice %arg7[%add3A_62, %dma_start3A_66] : memref<10240x32xf32, #tpu.memory_space<vmem_shared>> -> memref<128x32xf32, #tpu.memory_space<vmem_shared>>
        tpu.enqueue_dma source(%dma_start3A_67 : memref<128x32xf32, #tpu.memory_space<vmem_shared>>) target(%dma_start3A_65 : memref<128x32xf32, #tpu.memory_space<hbm>>) target_semaphore(%run_scoped3A : memref<!tpu.dma_semaphore, #tpu.memory_space<semaphore_mem>>)
        %dma_wait3A = arith.constant 0 : i32
        %dma_wait3A_68 = tpu.memref_slice %arg6[%arg0, %add3A_62, %dma_wait3A] : memref<2x10240x32xf32, #tpu.memory_space<hbm>> -> memref<1x128x32xf32, #tpu.memory_space<hbm>>
        %dma_wait3A_69 = tpu.memref_squeeze %dma_wait3A_68 : memref<1x128x32xf32, #tpu.memory_space<hbm>> -> memref<128x32xf32, #tpu.memory_space<hbm>>
        %dma_wait3A_70 = arith.constant 0 : i32
        %dma_wait3A_71 = tpu.memref_slice %arg7[%add3A_62, %dma_wait3A_70] : memref<10240x32xf32, #tpu.memory_space<vmem_shared>> -> memref<128x32xf32, #tpu.memory_space<vmem_shared>>
        tpu.wait_dma2 semaphore(%run_scoped3A : memref<!tpu.dma_semaphore, #tpu.memory_space<semaphore_mem>>) src(%dma_wait3A_71 : memref<128x32xf32, #tpu.memory_space<vmem_shared>>) dst(%dma_wait3A_69 : memref<128x32xf32, #tpu.memory_space<hbm>>)
        tpu.yield
      }) : () -> ()
    }
    %scan3A_52 = arith.constant 5 : i32
    return
  }
}

module attributes {stable_mosaic.version = 14 : i64} {
  func.func @_prep_body(%arg0: i32, %arg1: memref<1000x256xf32, #tpu.memory_space<vmem>>, %arg2: memref<256x256xf32, #tpu.memory_space<vmem>>, %arg3: memref<1x256xf32, #tpu.memory_space<vmem>>, %arg4: memref<1000x2xf32, #tpu.memory_space<vmem>>, %arg5: memref<2x1000x128xf32, #tpu.memory_space<vmem>>, %arg6: memref<1000x256xf32, #tpu.memory_space<vmem>>, %arg7: memref<1000x1xf32, #tpu.memory_space<vmem>>) attributes {dimension_semantics = [#tpu.dimension_semantics<arbitrary>], iteration_bounds = array<i64: 10>, scalar_prefetch = 0 : i64, scratch_operands = 0 : i64, tpu.core_type = #tpu.core_type<tc>, window_params = [{transform_indices = @transform_0, window_bounds = array<i64: 1000, 256>}, {pipeline_mode = #tpu.pipeline_mode<synchronous>, transform_indices = @transform_1, window_bounds = array<i64: 256, 256>}, {pipeline_mode = #tpu.pipeline_mode<synchronous>, transform_indices = @transform_2, window_bounds = array<i64: 1, 256>}, {transform_indices = @transform_3, window_bounds = array<i64: 1000, 2>}, {transform_indices = @transform_4, window_bounds = array<i64: 2, 1000, 128>}, {transform_indices = @transform_5, window_bounds = array<i64: 1000, 256>}, {transform_indices = @transform_6, window_bounds = array<i64: 1000, 1>}]} {
    %get3A = arith.constant 0 : index
    %get3A_0 = arith.constant 0 : index
    %get3A_1 = vector.load %arg1[%get3A, %get3A_0] : memref<1000x256xf32, #tpu.memory_space<vmem>>, vector<1000x256xf32>
    %get3A_2 = arith.constant 0 : index
    %get3A_3 = arith.constant 0 : index
    %get3A_4 = vector.load %arg2[%get3A_2, %get3A_3] : memref<256x256xf32, #tpu.memory_space<vmem>>, vector<256x256xf32>
    %dot_general3A = arith.constant dense<0.000000e+00> : vector<1000x256xf32>
    %dot_general3A_5 = tpu.matmul %get3A_1, %get3A_4, %dot_general3A {dimension_numbers = #tpu.dot_dimension_numbers<[1], [0], [0], [1], [0, 0, 1, 1], [], []>, transpose_lhs_hint = false} : vector<1000x256xf32>, vector<256x256xf32>, vector<1000x256xf32> -> vector<1000x256xf32>
    %get3A_6 = arith.constant 0 : index
    %get3A_7 = arith.constant 0 : index
    %get3A_8 = vector.load %arg3[%get3A_6, %get3A_7] : memref<1x256xf32, #tpu.memory_space<vmem>>, vector<1x256xf32>
    %add3A = vector.broadcast %get3A_8 : vector<1x256xf32> to vector<1000x256xf32>
    %add3A_9 = arith.addf %dot_general3A_5, %add3A : vector<1000x256xf32>
    %get3A_10 = arith.constant 0 : index
    %get3A_11 = arith.constant 0 : index
    %get3A_12 = vector.load %arg4[%get3A_10, %get3A_11] : memref<1000x2xf32, #tpu.memory_space<vmem>>, vector<1000x1xf32>
    %get3A_13 = vector.shape_cast %get3A_12 : vector<1000x1xf32> to vector<1000xf32>
    %get3A_14 = arith.constant 0 : index
    %get3A_15 = arith.constant 1 : index
    %get3A_16 = vector.load %arg4[%get3A_14, %get3A_15] : memref<1000x2xf32, #tpu.memory_space<vmem>>, vector<1000x1xf32>
    %get3A_17 = vector.shape_cast %get3A_16 : vector<1000x1xf32> to vector<1000xf32>
    %add3A_18 = arith.addf %get3A_13, %get3A_17 : vector<1000xf32>
    %add3A_19 = arith.constant 1.000000e+00 : f32
    %add3A_20 = vector.broadcast %add3A_19 : f32 to vector<1000xf32>
    %add3A_21 = arith.addf %add3A_18, %add3A_20 : vector<1000xf32>
    %rsqrt3A = math.rsqrt %add3A_21 : vector<1000xf32>
    %broadcast_in_dim3A = vector.shape_cast %rsqrt3A : vector<1000xf32> to vector<1000x1xf32>
    %mul3A = vector.broadcast %broadcast_in_dim3A : vector<1000x1xf32> to vector<1000x256xf32>
    %mul3A_22 = arith.mulf %add3A_9, %mul3A : vector<1000x256xf32>
    %slice3A = vector.extract_strided_slice %mul3A_22 {offsets = [0, 0], sizes = [1000, 128], strides = [1, 1]} : vector<1000x256xf32> to vector<1000x128xf32>
    %swap3A = arith.constant 0 : index
    %swap3A_23 = arith.constant 0 : index
    %swap3A_24 = arith.constant 0 : index
    %swap3A_25 = vector.load %arg5[%swap3A, %swap3A_23, %swap3A_24] : memref<2x1000x128xf32, #tpu.memory_space<vmem>>, vector<1x1000x128xf32>
    %swap3A_26 = vector.shape_cast %swap3A_25 : vector<1x1000x128xf32> to vector<1000x128xf32>
    %swap3A_27 = vector.shape_cast %slice3A : vector<1000x128xf32> to vector<1x1000x128xf32>
    tpu.vector_store %arg5[%swap3A, %swap3A_23, %swap3A_24], %swap3A_27 {strides = array<i32>} : memref<2x1000x128xf32, #tpu.memory_space<vmem>>, vector<1x1000x128xf32>,
    %slice3A_28 = vector.extract_strided_slice %mul3A_22 {offsets = [0, 128], sizes = [1000, 128], strides = [1, 1]} : vector<1000x256xf32> to vector<1000x128xf32>
    %swap3A_29 = arith.constant 1 : index
    %swap3A_30 = arith.constant 0 : index
    %swap3A_31 = arith.constant 0 : index
    %swap3A_32 = vector.load %arg5[%swap3A_29, %swap3A_30, %swap3A_31] : memref<2x1000x128xf32, #tpu.memory_space<vmem>>, vector<1x1000x128xf32>
    %swap3A_33 = vector.shape_cast %swap3A_32 : vector<1x1000x128xf32> to vector<1000x128xf32>
    %swap3A_34 = vector.shape_cast %slice3A_28 : vector<1000x128xf32> to vector<1x1000x128xf32>
    tpu.vector_store %arg5[%swap3A_29, %swap3A_30, %swap3A_31], %swap3A_34 {strides = array<i32>} : memref<2x1000x128xf32, #tpu.memory_space<vmem>>, vector<1x1000x128xf32>,
    %div3A = arith.constant 1.000000e+00 : f32
    %div3A_35 = vector.broadcast %div3A : f32 to vector<1000xf32>
    %div3A_36 = arith.divf %div3A_35, %add3A_21 : vector<1000xf32>
    %broadcast_in_dim3A_37 = vector.shape_cast %div3A_36 : vector<1000xf32> to vector<1000x1xf32>
    %mul3A_38 = vector.broadcast %broadcast_in_dim3A_37 : vector<1000x1xf32> to vector<1000x256xf32>
    %mul3A_39 = arith.mulf %add3A_9, %mul3A_38 : vector<1000x256xf32>
    %swap3A_40 = arith.constant 0 : index
    %swap3A_41 = arith.constant 0 : index
    %swap3A_42 = vector.load %arg6[%swap3A_40, %swap3A_41] : memref<1000x256xf32, #tpu.memory_space<vmem>>, vector<1000x256xf32>
    tpu.vector_store %arg6[%swap3A_40, %swap3A_41], %mul3A_39 {strides = array<i32>} : memref<1000x256xf32, #tpu.memory_space<vmem>>, vector<1000x256xf32>,
    %broadcast_in_dim3A_43 = vector.shape_cast %rsqrt3A : vector<1000xf32> to vector<1000x1xf32>
    %swap3A_44 = arith.constant 0 : index
    %swap3A_45 = arith.constant 0 : index
    %swap3A_46 = vector.load %arg7[%swap3A_44, %swap3A_45] : memref<1000x1xf32, #tpu.memory_space<vmem>>, vector<1000x1xf32>
    tpu.vector_store %arg7[%swap3A_44, %swap3A_45], %broadcast_in_dim3A_43 {strides = array<i32>} : memref<1000x1xf32, #tpu.memory_space<vmem>>, vector<1000x1xf32>,
    return
  }
  func.func @transform_0(%arg0: i32) -> (i32, i32) {
    %c0_i32 = arith.constant 0 : i32
    %c0_i32_0 = arith.constant 0 : i32
    return %arg0, %c0_i32 : i32, i32
  }
  func.func @transform_1(%arg0: i32) -> (i32, i32) {
    %c0_i32 = arith.constant 0 : i32
    %c0_i32_0 = arith.constant 0 : i32
    %c0_i32_1 = arith.constant 0 : i32
    return %c0_i32, %c0_i32_0 : i32, i32
  }
  func.func @transform_2(%arg0: i32) -> (i32, i32) {
    %c0_i32 = arith.constant 0 : i32
    %c0_i32_0 = arith.constant 0 : i32
    %c0_i32_1 = arith.constant 0 : i32
    return %c0_i32, %c0_i32_0 : i32, i32
  }
  func.func @transform_3(%arg0: i32) -> (i32, i32) {
    %c0_i32 = arith.constant 0 : i32
    %c0_i32_0 = arith.constant 0 : i32
    return %arg0, %c0_i32 : i32, i32
  }
  func.func @transform_4(%arg0: i32) -> (i32, i32, i32) {
    %c0_i32 = arith.constant 0 : i32
    %c0_i32_0 = arith.constant 0 : i32
    %c0_i32_1 = arith.constant 0 : i32
    return %c0_i32, %arg0, %c0_i32_0 : i32, i32, i32
  }
  func.func @transform_5(%arg0: i32) -> (i32, i32) {
    %c0_i32 = arith.constant 0 : i32
    %c0_i32_0 = arith.constant 0 : i32
    return %arg0, %c0_i32 : i32, i32
  }
  func.func @transform_6(%arg0: i32) -> (i32, i32) {
    %c0_i32 = arith.constant 0 : i32
    %c0_i32_0 = arith.constant 0 : i32
    return %arg0, %c0_i32 : i32, i32
  }
}

module attributes {stable_mosaic.version = 14 : i64} {
  func.func @_final_body(%arg0: i32, %arg1: memref<2x1000x128xf32, #tpu.memory_space<vmem>>, %arg2: memref<2x1000x32xf32, #tpu.memory_space<vmem>>, %arg3: memref<1000x256xf32, #tpu.memory_space<vmem>>, %arg4: memref<1000x1xf32, #tpu.memory_space<vmem>>, %arg5: memref<32x256xf32, #tpu.memory_space<vmem>>, %arg6: memref<1000x256xf32, #tpu.memory_space<vmem>>) attributes {dimension_semantics = [#tpu.dimension_semantics<arbitrary>], iteration_bounds = array<i64: 10>, scalar_prefetch = 0 : i64, scratch_operands = 0 : i64, tpu.core_type = #tpu.core_type<tc>, window_params = [{transform_indices = @transform_0, window_bounds = array<i64: 2, 1000, 128>}, {transform_indices = @transform_1, window_bounds = array<i64: 2, 1000, 32>}, {transform_indices = @transform_2, window_bounds = array<i64: 1000, 256>}, {transform_indices = @transform_3, window_bounds = array<i64: 1000, 1>}, {pipeline_mode = #tpu.pipeline_mode<synchronous>, transform_indices = @transform_4, window_bounds = array<i64: 32, 256>}, {transform_indices = @transform_5, window_bounds = array<i64: 1000, 256>}]} {
    %get3A = arith.constant 0 : index
    %get3A_0 = arith.constant 0 : index
    %get3A_1 = arith.constant 0 : index
    %get3A_2 = vector.load %arg2[%get3A, %get3A_0, %get3A_1] : memref<2x1000x32xf32, #tpu.memory_space<vmem>>, vector<1x1000x32xf32>
    %get3A_3 = vector.shape_cast %get3A_2 : vector<1x1000x32xf32> to vector<1000x32xf32>
    %get3A_4 = arith.constant 1 : index
    %get3A_5 = arith.constant 0 : index
    %get3A_6 = arith.constant 0 : index
    %get3A_7 = vector.load %arg2[%get3A_4, %get3A_5, %get3A_6] : memref<2x1000x32xf32, #tpu.memory_space<vmem>>, vector<1x1000x32xf32>
    %get3A_8 = vector.shape_cast %get3A_7 : vector<1x1000x32xf32> to vector<1000x32xf32>
    %add3A = arith.addf %get3A_3, %get3A_8 : vector<1000x32xf32>
    %get3A_9 = arith.constant 0 : index
    %get3A_10 = arith.constant 0 : index
    %get3A_11 = vector.load %arg5[%get3A_9, %get3A_10] : memref<32x256xf32, #tpu.memory_space<vmem>>, vector<32x256xf32>
    %dot_general3A = arith.constant dense<0.000000e+00> : vector<1000x256xf32>
    %dot_general3A_12 = tpu.matmul %add3A, %get3A_11, %dot_general3A {dimension_numbers = #tpu.dot_dimension_numbers<[1], [0], [0], [1], [0, 0, 1, 1], [], []>, transpose_lhs_hint = false} : vector<1000x32xf32>, vector<32x256xf32>, vector<1000x256xf32> -> vector<1000x256xf32>
    %get3A_13 = arith.constant 0 : index
    %get3A_14 = arith.constant 0 : index
    %get3A_15 = arith.constant 0 : index
    %get3A_16 = vector.load %arg1[%get3A_13, %get3A_14, %get3A_15] : memref<2x1000x128xf32, #tpu.memory_space<vmem>>, vector<1x1000x128xf32>
    %get3A_17 = vector.shape_cast %get3A_16 : vector<1x1000x128xf32> to vector<1000x128xf32>
    %get3A_18 = arith.constant 1 : index
    %get3A_19 = arith.constant 0 : index
    %get3A_20 = arith.constant 0 : index
    %get3A_21 = vector.load %arg1[%get3A_18, %get3A_19, %get3A_20] : memref<2x1000x128xf32, #tpu.memory_space<vmem>>, vector<1x1000x128xf32>
    %get3A_22 = vector.shape_cast %get3A_21 : vector<1x1000x128xf32> to vector<1000x128xf32>
    %concatenate3A = tpu.concatenate %get3A_17, %get3A_22 in 1 : vector<1000x128xf32>, vector<1000x128xf32> -> vector<1000x256xf32>
    %get3A_23 = arith.constant 0 : index
    %get3A_24 = arith.constant 0 : index
    %get3A_25 = vector.load %arg4[%get3A_23, %get3A_24] : memref<1000x1xf32, #tpu.memory_space<vmem>>, vector<1000x1xf32>
    %add3A_26 = arith.addf %concatenate3A, %dot_general3A_12 : vector<1000x256xf32>
    %mul3A = vector.broadcast %get3A_25 : vector<1000x1xf32> to vector<1000x256xf32>
    %mul3A_27 = arith.mulf %mul3A, %add3A_26 : vector<1000x256xf32>
    %get3A_28 = arith.constant 0 : index
    %get3A_29 = arith.constant 0 : index
    %get3A_30 = vector.load %arg3[%get3A_28, %get3A_29] : memref<1000x256xf32, #tpu.memory_space<vmem>>, vector<1000x256xf32>
    %add3A_31 = arith.addf %mul3A_27, %get3A_30 : vector<1000x256xf32>
    %swap3A = arith.constant 0 : index
    %swap3A_32 = arith.constant 0 : index
    %swap3A_33 = vector.load %arg6[%swap3A, %swap3A_32] : memref<1000x256xf32, #tpu.memory_space<vmem>>, vector<1000x256xf32>
    tpu.vector_store %arg6[%swap3A, %swap3A_32], %add3A_31 {strides = array<i32>} : memref<1000x256xf32, #tpu.memory_space<vmem>>, vector<1000x256xf32>,
    return
  }
  func.func @transform_0(%arg0: i32) -> (i32, i32, i32) {
    %c0_i32 = arith.constant 0 : i32
    %c0_i32_0 = arith.constant 0 : i32
    %c0_i32_1 = arith.constant 0 : i32
    return %c0_i32, %arg0, %c0_i32_0 : i32, i32, i32
  }
  func.func @transform_1(%arg0: i32) -> (i32, i32, i32) {
    %c0_i32 = arith.constant 0 : i32
    %c0_i32_0 = arith.constant 0 : i32
    %c0_i32_1 = arith.constant 0 : i32
    return %c0_i32, %arg0, %c0_i32_0 : i32, i32, i32
  }
  func.func @transform_2(%arg0: i32) -> (i32, i32) {
    %c0_i32 = arith.constant 0 : i32
    %c0_i32_0 = arith.constant 0 : i32
    return %arg0, %c0_i32 : i32, i32
  }
  func.func @transform_3(%arg0: i32) -> (i32, i32) {
    %c0_i32 = arith.constant 0 : i32
    %c0_i32_0 = arith.constant 0 : i32
    return %arg0, %c0_i32 : i32, i32
  }
  func.func @transform_4(%arg0: i32) -> (i32, i32) {
    %c0_i32 = arith.constant 0 : i32
    %c0_i32_0 = arith.constant 0 : i32
    %c0_i32_1 = arith.constant 0 : i32
    return %c0_i32, %c0_i32_0 : i32, i32
  }
  func.func @transform_5(%arg0: i32) -> (i32, i32) {
    %c0_i32 = arith.constant 0 : i32
    %c0_i32_0 = arith.constant 0 : i32
    return %arg0, %c0_i32 : i32, i32
  }
}

</mosaic_0001>

<sc_bundles>
// kernel: kernel.10.cloned.1.call-start
scs
__scs_entry_jumppad:
0x0: {  	(pc) =	sbr.rel $0x88, $3  }
0x1: {  	(tag) =	ssettag $0x0;
	lr =	simm.s32 $0x1  }
0x2: {  	[smem:$0x3F99] =	sst lr;
	_ =	strace $0xD0000000  }
0x3: {  	_ = 	snop  }
0x4: {  	_ = 	snop  }
0x5: {  	_ = 	snop  }
0x6: {  	_ = 	snop  }
0x7: {  	_ = 	snop  }
__scs_overlays_trampoline_lowered:
0x8: {  	[smem:$0x3FA8] =	sst s0  }
0x9: {  	[smem:$0x3FA9] =	sst s1  }
0xa: {  	[smem:$0x3FAA] =	sst s2  }
0xb: {  	[smem:$0x3FAB] =	sst s3  }
0xc: {  	[smem:$0x3FAC] =	sst s4  }
0xd: {  	[smem:$0x3FAD] =	sst s5  }
0xe: {  	[smem:$0x3FAE] =	sst s6  }
0xf: {  	[smem:$0x3FAF] =	sst s7  }
0x10: {  	[smem:$0x3FB0] =	sst s8  }
0x11: {  	[smem:$0x3FB1] =	sst s9;
	s0 =	simm.s32 @!p0 $0x0  }
0x12: {  	s1 =	sld [smem:$0x3F97];
	s0 =	simm.s32 @p0 $0x1  }
0x13: {  	[smem:$0x3FB2] =	sst s0;
	s0 =	simm.s32 @!p1 $0x0  }
0x14: {  	s2 =	sld [smem:$0x3F96];
	s0 =	simm.s32 @p1 $0x1  }
0x15: {  	[smem:$0x3FB3] =	sst s0;
	s0 =	simm.s32 @!p2 $0x0  }
0x16: {  	s3 =	sld [smem:$0x3FDB];
	s0 =	simm.s32 @p2 $0x1  }
0x17: {  	s4 =	simm.s32 $0x1BF5;
	[smem:$0x3FB5] =	sst s0  }
0x18: {  	s0 =	sld [smem:$0x3F98];
	_ =	swait.ge [sflag:s4], $0x0  }
0x19: {  	s7 =	sld [smem:$0x3F99]  }
0x1a: {  	s8 =	sadd.s32 $0xFFFFE003, lr  }
0x1b: {  	s9 =	sadd.s32 $0xFFFFFEF7, lr;
	s5 =	simm.s32 $0xFFFFFFFF;
	p2 =	slt.u32 s8, $0xFFFFF086  }
0x1c: {  	p1 =	slt.u32 s9, $0xF7A;
	s5 =	simm.s32 @!p2 $0x0  }
0x1d: {  	s5 =	simm.s32 @p1 $0x1;
	p0 =	seq.s32 s7, s2  }
0x1e: {  	s7 =	smul.u32 @!p0 $0xF7A, s2;
	p2 =	seq.s32 @!p0 s5, $0x0  }
0x1f: {  	s9 =	smul.u32 $0xF7A, s1;
	s8 =	simm.s32 @!p0 $0x1BF5;
	p2 =	por !p2, p0  }
0x20: {  	[sflag:s8] =	ssyncset.s32 @!p0 $0xFFFFF086;
	s6 =	sadd.s32 @!p0 s3, s7;
	s7 =	simm.s32 @!p0 $0x108  }
0x21: {  	s3 =	sadd.s32 s3, s9;
	s6 =	sadd.s32 @!p0 $0x88, s6;
	s7 =	simm.s32 @p2 $0x1082  }
0x22: {  	[simem:s7], [sflag:s8] =	dma.local @!p0 [hbm:s6], $0xF7A  }
0x23: {  	s9 =	sor.u32 $0xD0000000, s2;
	s6 =	simm.s32 $0x108;
	_ =	swait.ge @!p0 [sflag:s8], $0x0  }
0x24: {  	s3 =	sadd.s32 $0x88, s3;
	s6 =	simm.s32 @!p1 $0x1082;
	[sflag:s4] =	ssyncset.s32 $0xFFFFF086  }
0x25: {  	[simem:s6], [sflag:s4] =	dma.local [hbm:s3], $0xF7A  }
0x26: {  	[smem:$0x3F99] =	sst s1;
	(tag) =	ssettag s2;
	_ =	strace s9  }
0x27: {  	s1 =	sld [smem:$0x3FA9]  }
0x28: {  	s2 =	sld [smem:$0x3FAA]  }
0x29: {  	s4 =	sld [smem:$0x3FAC]  }
0x2a: {  	p0 =	seq.s32 s5, $0x0;
	s5 =	sld [smem:$0x3FAD]  }
0x2b: {  	s6 =	sld [smem:$0x3FAE]  }
0x2c: {  	s7 =	sld [smem:$0x3FAF]  }
0x2d: {  	s3 =	simm.s32 $0x108;
	s8 =	sld [smem:$0x3FB0]  }
0x2e: {  	s3 =	simm.s32 @!p0 $0x1082;
	s9 =	sld [smem:$0x3FB1]  }
0x2f: {  	lr =	sadd.s32 s0, s3;
	s0 =	sld [smem:$0x3FA8]  }
0x30: {  	s3 =	sld [smem:$0x3FAB]  }
0x31: {  	[smem:$0x3FB4] =	sst s10  }
0x32: {  	s10 =	sld [smem:$0x3FB2];
	_ =	sdelay $0x3  }
0x33: {  	p0 =	seq.s32 s10, $0x1;
	s10 =	sld [smem:$0x3FB4];
	_ =	sdelay $0x3  }
0x34: {  	[smem:$0x3FB4] =	sst s10  }
0x35: {  	s10 =	sld [smem:$0x3FB3];
	_ =	sdelay $0x3  }
0x36: {  	p1 =	seq.s32 s10, $0x1;
	s10 =	sld [smem:$0x3FB4];
	_ =	sdelay $0x3  }
0x37: {  	[smem:$0x3FB4] =	sst s10  }
0x38: {  	s10 =	sld [smem:$0x3FB5]  }
0x39: {  	_ = 	snop;
	(pc) =	sbr.ind lr, $3  }
0x3a: {  	_ = 	snop  }
0x3b: {  	_ = 	snop  }
0x3c: {  	p2 =	seq.s32 s10, $0x1;
	s10 =	sld [smem:$0x3FB4]  }
0x3d: {  	_ =	shalt  }
0x3e: {  	_ =	shalt  }
0x3f: {  	_ =	shalt  }
0x40: {  	_ =	shalt  }
0x41: {  	_ =	shalt  }
0x42: {  	_ =	shalt  }
0x43: {  	_ =	shalt  }
0x44: {  	_ =	shalt  }
0x45: {  	_ =	shalt  }
0x46: {  	_ =	shalt  }
0x47: {  	_ =	shalt  }
0x48: {  	_ =	shalt  }
0x49: {  	_ =	shalt  }
0x4a: {  	_ =	shalt  }
0x4b: {  	_ =	shalt  }
0x4c: {  	_ =	shalt  }
0x4d: {  	_ =	shalt  }
0x4e: {  	_ =	shalt  }
0x4f: {  	_ =	shalt  }
0x50: {  	_ =	shalt  }
0x51: {  	_ =	shalt  }
0x52: {  	_ =	shalt  }
0x53: {  	_ =	shalt  }
0x54: {  	_ =	shalt  }
0x55: {  	_ =	shalt  }
0x56: {  	_ =	shalt  }
0x57: {  	_ =	shalt  }
0x58: {  	_ =	shalt  }
0x59: {  	_ =	shalt  }
0x5a: {  	_ =	shalt  }
0x5b: {  	_ =	shalt  }
0x5c: {  	_ =	shalt  }
0x5d: {  	_ =	shalt  }
0x5e: {  	_ =	shalt  }
0x5f: {  	_ =	shalt  }
0x60: {  	_ =	shalt  }
0x61: {  	_ =	shalt  }
0x62: {  	_ =	shalt  }
0x63: {  	_ =	shalt  }
0x64: {  	_ =	shalt  }
0x65: {  	_ =	shalt  }
0x66: {  	_ =	shalt  }
0x67: {  	_ =	shalt  }
0x68: {  	_ =	shalt  }
0x69: {  	_ =	shalt  }
0x6a: {  	_ =	shalt  }
0x6b: {  	_ =	shalt  }
0x6c: {  	_ =	shalt  }
0x6d: {  	_ =	shalt  }
0x6e: {  	_ =	shalt  }
0x6f: {  	_ =	shalt  }
0x70: {  	_ =	shalt  }
0x71: {  	_ =	shalt  }
0x72: {  	_ =	shalt  }
0x73: {  	_ =	shalt  }
0x74: {  	_ =	shalt  }
0x75: {  	_ =	shalt  }
0x76: {  	_ =	shalt  }
0x77: {  	_ =	shalt  }
0x78: {  	_ =	shalt  }
0x79: {  	_ =	shalt  }
0x7a: {  	_ =	shalt  }
0x7b: {  	_ =	shalt  }
0x7c: {  	_ =	shalt  }
0x7d: {  	_ =	shalt  }
0x7e: {  	_ =	shalt  }
0x7f: {  	_ =	shalt  }
0x80: {  	_ =	shalt  }
0x81: {  	_ =	shalt  }
0x82: {  	_ =	shalt  }
0x83: {  	_ =	shalt  }
0x84: {  	_ =	shalt  }
0x85: {  	_ =	shalt  }
0x86: {  	_ =	shalt  }
0x87: {  	_ =	shalt  }
.Lfunc_end0:
.L_simem_size_0:
called_computation.1_lowered:
.L_overlay_start_0:
0x88: {  	s2 =	sld [smem:$0x3FD9]  }
0x89: {  	s3 =	sld [smem:$0x3FFE];
	_ =	sdelay $0x1  }
0x8a: {  	s1 =	srdreg.scid  }
0x8b: {  	s0 =	sand.u32 $0x1, s1  }
0x8c: {  	s17 =	sshll.u32 s0, $0xA;
	s2 =	sadd.s32 s3, s2  }
0x8d: {  	s2 =	sadd.s32 s2, s17  }
0x8e: {  	[smem:$0x3FC0] =	sst s2  }
0x8f: {  	_ = 	snop  }
0x90: {  	(tm) =	ssettm $0x1  }
0x91: {  	s18 =	sld [smem:$0x3FFB];
	_ =	sdelay $0x3  }
0x92: {  	_ =	strace s18  }
0x93: {  	s2 =	sld [smem:$0x3FFC];
	_ =	sdelay $0x3  }
0x94: {  	_ =	strace s2  }
0x95: {  	s2 =	sld [smem:$0x3FFD];
	_ =	sdelay $0x3  }
0x96: {  	_ =	strace s2  }
0x97: {  	_ =	strace $0x8FFFFFFF  }
0x98: {  	s19 =	sld [smem:$0x3FDB];
	_ =	sdelay $0x1  }
0x99: {  	s20 =	simm.s32 $_scs_section_size  }
0x9a: {  	s4 =	simm.s32 $_size__tile_overlayer_lowered;
	s5 =	simm.s32 $_tile_overlayer_lowered  }
0x9b: {  	s6 =	simm.s32 $0x1BFF;
	s21 =	sshll.u32 s5, $0x1;
	s3 =	sadd.s32 s20, s19  }
0x9c: {  	s22 =	simm.s32 $0x0;
	s4 =	sshll.u32 s4, $0x1;
	s5 =	sadd.s32 s21, s3  }
0x9d: {  	[timem:s22], [sflag:s6] =	dma.local [hbm:s5], s4  }
0x9e: {  	_ =	swait.ge [sflag:s6], s4  }
0x9f: {  	s4 =	ssub.s32 $0x0, s4;
	[sflag:s6] =	ssyncset.done $0x0  }
0xa0: {  	[sflag:s6] =	ssyncadd.s32 s4;
	_ =	sdelay $0x1  }
0xa1: {  	s23 =	simm.s32 $0x1B8B  }
0xa2: {  	_ =	swait.ge [sflag:s23], $0x1  }
0xa3: {  	[sflag:s23] =	ssyncset.done $0x0  }
0xa4: {  	[sflag:s23] =	ssyncadd.s32 $0xFFFFFFFF  }
0xa5: {  	s4 =	sld [smem:$0x0]  }
0xa6: {  	s5 =	sand.u32 $0xFFFFFFFE, s1  }
0xa7: {  	p0 =	sne.s32 s1, s5  }
0xa8: {  	s5 =	sshll.u32 @p0 s5, $0xE  }
0xa9: {  	s5 =	sadd.s32 @p0 $0x11B8D, s5;
	s6 =	sshll.u32 @p0 s4, $0x11  }
0xaa: {  	s5 =	sor.u32 @p0 s6, s5  }
0xab: {  	[sflag:s5] =	ssyncadd.remote.s32 @p0 $0x1;
	_ =	sdelay $0x1  }
0xac: {  	s5 =	simm.s32 @p0 $0x1B8D  }
0xad: {  	_ =	swait.eq @p0 [sflag:s5], $0x1  }
0xae: {  	[sflag:s5] =	ssyncadd.s32 @p0 $0xFFFFFFFF  }
0xaf: {  	s6 =	sshll.u32 @!p0 s1, $0xE  }
0xb0: {  	s6 =	sor.u32 @!p0 $0x4000, s6;
	s5 =	simm.s32 @!p0 $0x1B8D  }
0xb1: {  	s4 =	sshll.u32 @!p0 s4, $0x11;
	s6 =	sadd.s32 @!p0 $0x11B8D, s6;
	_ =	swait.eq @!p0 [sflag:s5], $0x1  }
0xb2: {  	s4 =	sor.u32 @!p0 s4, s6;
	[sflag:s5] =	ssyncadd.s32 @!p0 $0xFFFFFFFF  }
0xb3: {  	s25 =	simm.s32 $0x1B8E;
	s24 =	sld [smem:$0x3FFE];
	[sflag:s4] =	ssyncadd.remote.s32 @!p0 $0x1  }
0xb4: {  	s26 =	simm.s32 $execute0_lowered;
	[smem:$0x3FD2] =	sst s25  }
0xb5: {  	s5 =	sshll.u32 s26, $0x1;
	_ =	strace $0x8000004C;
	[dreg:$0x1] =	wrdreg $0xFFFFFFFF  }
0xb6: {  	s28 =	simm.s32 $_size_execute0_lowered;
	s3 =	sadd.s32 s3, s5;
	[dreg:$0x0] =	wrdreg $0x0  }
0xb7: {  	s5 =	sshll.u32 s28, $0x1;
	[dreg:$0x2] =	wrdreg s3  }
0xb8: {  	[dreg:$0x3] =	wrdreg s5  }
0xb9: {  	[dreg:$0x4] =	wrdreg $0xC0  }
0xba: {  	_ =	task [dreg:s22], $0x5FFFF  }
0xbb: {  	[dreg:$0x1] =	wrdreg $0xFFFFFFFF  }
0xbc: {  	[dreg:$0x0] =	wrdreg $0x60  }
0xbd: {  	[dreg:$0x2] =	wrdreg s24  }
0xbe: {  	[dreg:$0x3] =	wrdreg $0x0  }
0xbf: {  	[dreg:$0x4] =	wrdreg $0x9  }
0xc0: {  	_ =	task.clear_ibuf [dreg:s22], $0x5FFFF;
	_ =	strace $0x9000004C  }
0xc1: {  	s29 =	simm.s32 $0x9;
	_ =	strace $0x8000004E  }
0xc2: {  	_ =	swait.ge [sflag:s29], $0x1  }
0xc3: {  	[sflag:s29] =	ssyncadd.s32 $0xFFFFFFFF  }
0xc4: {  	_ =	strace $0x9000004E  }
0xc5: {  	_ =	sfence  }
0xc6: {  	s30 =	sld [smem:$0x0];
	_ =	sdelay $0x2  }
0xc7: {  	s31 =	sshll.u32 s1, $0xD;
	s1 =	sshrl.u32 s1, $0x2  }
0xc8: {  	s4 =	sand.u32 $0x4000, s31;
	s1 =	sadd.s32 s1, s30  }
0xc9: {  	s0 =	sor.u32 s4, s0;
	s1 =	sshll.u32 s1, $0x11  }
0xca: {  	s0 =	sor.u32 s1, s0  }
0xcb: {  	s0 =	sadd.s32 $0x8F2B, s0  }
0xcc: {  	[sflag:s0] =	ssyncadd.remote.s32 $0x1  }
0xcd: {  	_ =	sfence.sel $0xFFFF  }
0xce: {  	[dreg:$0x0] =	wrdreg $0xFFFFFFFF;
	(pc) =	sbr.abs _section_cstart, $3  }
0xcf: {  	[dreg:$0x1] =	wrdreg $0xFFFFFFFF  }
0xd0: {  	_ =	task.clear_ibuf [dreg:s22], $0x2FFFF;
	_ =	strace $0x9FFFFFFF  }
0xd1: {  	(tm) =	ssettm $0x7FFFFFFF  }
tec
execute0_lowered:
.L_overlay_start_1:
0x0: {  	(tag) =	ssettag $0x1  }
0x1: {  	s0 =	rddreg [dreg:$0x0]  }
0x2: {  	s2 =	rddreg [dreg:$0x1];
	s1 =	simm.s32 $0x0;
	s9 =	stileid.u32  }
0x3: {  	s3 =	srdreg.scid;
	s29 =	simm.s32 $0x80;
	s31 =	simm.s32 $0x1B000  }
0x4: {  	s28 =	simm.s32 $0x1;
	s30 =	simm.s32 $0x2;
	s10 =	smul.u32 $0x500, s9  }
0x5: {  	[smem:$0x7FF] =	sst s1;
	s3 =	sand.u32 $0x1, s3;
	s5 =	smul.u32 $0x50000, s9  }
0x6: {  	s4 =	sadd.s32 $0x5B400, s0;
	s9 =	smul.u32 $0x14000, s9;
	_ =	strace $0x8000004D  }
0x7: {  	s6 =	ssub.s32 $0x2, s3;
	s7 =	smul.u32 $0x140000, s3;
	p0 =	seq.s32 s3, $0x1  }
0x8: {  	s1 =	sadd.s32 s10, s0;
	s8 =	sshrl.u32 s6, $0x1;
	s5 =	sshrl.u32 s5, $0x2  }
0x9: {  	s10 =	sadd.s32 $0xB0400, s0;
	s16 =	sadd.s32 $0x4000, s9;
	s21 =	sadd.s32 $0x8000, s9  }
0xa: {  	s23 =	sadd.s32 $0xC000, s9;
	s6 =	ssub.s32 s6, s8;
	s5 =	sadd.s32 s5, s2  }
0xb: {  	s11 =	sadd.s32 $0x6400, s1;
	s12 =	sadd.s32 s7, s9;
	s13 =	sadd.s32 $0x1400, s1  }
0xc: {  	s8 =	sadd.s32 $0x83400, s0;
	s19 =	sadd.s32 s7, s16;
	s22 =	sadd.s32 s7, s21  }
0xd: {  	s24 =	sadd.s32 s7, s23;
	s9 =	sadd.s32 $0x10000, s9;
	[dreg:$0x3] =	wrdreg s11  }
0xe: {  	s25 =	sadd.s32 s23, s2;
	[dreg:$0x4] =	wrdreg s13;
	s14 =	sshrl.u32 s12, $0x3  }
0xf: {  	s15 =	smax.u32 s6, $0x1;
	s17 =	sadd.s32 $0x4000, s5;
	s18 =	sadd.s32 $0x8000, s5  }
0x10: {  	s20 =	sadd.s32 $0xC000, s5;
	s3 =	sshrl.u32 s19, $0x3;
	[dreg:$0x6] =	wrdreg s15  }
0x11: {  	s11 =	sadd.s32 $0x10000, s5;
	s6 =	sadd.s32 s21, s2;
	[dreg:$0x7] =	wrdreg s17  }
0x12: {  	s7 =	sadd.s32 s7, s9;
	s26 =	sadd.s32 s9, s2;
	[dreg:$0x8] =	wrdreg s18  }
0x13: {  	s19 =	sadd.s32 $0x1480, s1;
	s21 =	simm.s32 $0x4;
	[dreg:$0x9] =	wrdreg s20  }
0x14: {  	s1 =	simm.s32 $0x0;
	s0 =	sadd.s32 s10, s14;
	[dreg:$0xa] =	wrdreg s11  }
0x15: {  	s3 =	sadd.s32 s10, s3;
	s7 =	sshrl.u32 s7, $0x3;
	s20 =	simm.s32 $0x17000  }
.Ltmp0:
0x16: {  	s23 =	sshrl.u32 s6, $0x3;
	[dreg:$0x5] =	wrdreg s0;
	(pc) =	sbr.rel .LBB2_1-.Ltmp0, $4  }
0x17: {  	[dreg:$0xb] =	wrdreg s3;
	s0 =	sadd.s32 s16, s2;
	s3 =	sshrl.u32 s22, $0x3  }
0x18: {  	s18 =	sadd.s32 s10, s7;
	s16 =	sadd.s32 s10, s3;
	s3 =	sshrl.u32 s24, $0x3  }
0x19: {  	s22 =	sshrl.u32 s0, $0x3;
	s24 =	sshrl.u32 s25, $0x3;
	s25 =	sshrl.u32 s26, $0x3  }
0x1a: {  	v0 =	vimm.f32 $0.0e+00;
	s26 =	simm.s32 $0x14000;
	s0 =	simm.s32 $0x3;
	s17 =	sadd.s32 s10, s3  }
.LBB2_6:
0x1b: {  	[tilespmem:s10], [sflag:$0x2] =	stream.indirect.gather @!p2 [hbm4b:s4+s12], $0x80, s11, s12, $0xb8;
	[tilespmem:$0x1F000] =	vst v63  }
.LBB2_10:
0x1c: {  	s3 =	stileid.u32  }
0x1d: {  	[bflag:$0x0] =	sbarrier.arrive $0xFFFF;
	s3 =	sshll.u32 s3, $0x6  }
0x1e: {  	s6 =	sshrl.u32 s5, $0x3;
	s7 =	rddreg [dreg:$0x5];
	s3 =	sor.u32 $0x1C04, s3  }
0x1f: {  	[hbm:s7], [sflag:s3] =	dma.local [spmem:s6], $0x800  }
0x20: {  	_ =	swait.ge [sflag:s21], $0x800  }
0x21: {  	[sflag:s21] =	ssyncset.done $0x0  }
0x22: {  	s14 =	rddreg [dreg:$0xb];
	[sflag:s21] =	ssyncadd.s32 $0xFFFFF800  }
0x23: {  	[hbm:s14], [sflag:s3] =	dma.local [spmem:s22], $0x800  }
0x24: {  	_ =	swait.ge [sflag:s21], $0x800  }
0x25: {  	[sflag:s21] =	ssyncset.done $0x0  }
0x26: {  	[sflag:s21] =	ssyncadd.s32 $0xFFFFF800  }
0x27: {  	[hbm:s16], [sflag:s3] =	dma.local [spmem:s23], $0x800  }
0x28: {  	_ =	swait.ge [sflag:s21], $0x800  }
0x29: {  	[sflag:s21] =	ssyncset.done $0x0  }
0x2a: {  	[sflag:s21] =	ssyncadd.s32 $0xFFFFF800  }
0x2b: {  	[hbm:s17], [sflag:s3] =	dma.local [spmem:s24], $0x800  }
0x2c: {  	_ =	swait.ge [sflag:s21], $0x800  }
0x2d: {  	[sflag:s21] =	ssyncset.done $0x0  }
0x2e: {  	[sflag:s21] =	ssyncadd.s32 $0xFFFFF800  }
0x2f: {  	[hbm:s18], [sflag:s3] =	dma.local [spmem:s25], $0x800  }
0x30: {  	_ =	swait.ge [sflag:s21], $0x800  }
0x31: {  	s1 =	sadd.s32 $0x1, s1;
	s15 =	rddreg [dreg:$0x6]  }
0x32: {  	p1 =	sne.s32 s1, s15  }
.Ltmp1:
0x33: {  	_ = 	snop;
	(pc) =	sbr.rel @!p1 .LBB2_11-.Ltmp1, $3  }
0x34: {  	_ =	sdelay $0x1  }
0x35: {  	[sflag:s21] =	ssyncset.done $0x0  }
0x36: {  	[sflag:s21] =	ssyncadd.s32 $0xFFFFF800  }
.LBB2_1:
0x37: {  	s3 =	simm.s32 $0x0;
	s6 =	simm.s32 $0x200  }
.LBB2_2:
0x38: {  	p1 =	sne.s32 s6, $0xFE00;
	[tilespmem:s3+$0x17070] =	vst v0  }
0x39: {  	[tilespmem:s3+$0x17000] =	vst v0  }
0x3a: {  	[tilespmem:s3+$0x17010] =	vst v0  }
.Ltmp2:
0x3b: {  	[tilespmem:s3+$0x17020] =	vst v0;
	(pc) =	sbr.rel @p1 .LBB2_2-.Ltmp2, $4  }
0x3c: {  	[tilespmem:s3+$0x17030] =	vst v0  }
0x3d: {  	[tilespmem:s3+$0x17040] =	vst v0  }
0x3e: {  	[tilespmem:s3+$0x17050] =	vst v0  }
0x3f: {  	[tilespmem:s3+$0x17060] =	vst v0;
	s3 =	sshra.s32 s6, $0x2;
	s6 =	sadd.s32 $0x200, s6  }
0x40: {  	[tilespmem:s3+$0x17070] =	vst v0  }
0x41: {  	[tilespmem:s3+$0x17000] =	vst v0  }
0x42: {  	[tilespmem:s3+$0x17010] =	vst v0  }
0x43: {  	[tilespmem:s3+$0x17020] =	vst v0  }
0x44: {  	[tilespmem:s3+$0x17030] =	vst v0  }
0x45: {  	[tilespmem:s3+$0x17040] =	vst v0  }
0x46: {  	[tilespmem:s3+$0x17050] =	vst v0  }
0x47: {  	[tilespmem:s3+$0x17060] =	vst v0  }
0x48: {  	[spmem:s5] =	stream.linear.scatter [tilespmem:s20], [sflag:$0x4], $0x4000, $0x38;
	[tilespmem:$0x1F000] =	vst v63  }
0x49: {  	_ =	swait.ge [sflag:s21], $0x4000  }
0x4a: {  	[sflag:s21] =	ssyncset.done $0x0  }
0x4b: {  	s10 =	rddreg [dreg:$0x7];
	[sflag:s21] =	ssyncadd.s32 $0xFFFFC000  }
0x4c: {  	[spmem:s10] =	stream.linear.scatter [tilespmem:s20], [sflag:$0x4], $0x4000, $0x38;
	[tilespmem:$0x1F000] =	vst v63  }
0x4d: {  	_ =	swait.ge [sflag:s21], $0x4000  }
0x4e: {  	[sflag:s21] =	ssyncset.done $0x0  }
0x4f: {  	s11 =	rddreg [dreg:$0x8];
	[sflag:s21] =	ssyncadd.s32 $0xFFFFC000  }
0x50: {  	[spmem:s11] =	stream.linear.scatter [tilespmem:s20], [sflag:$0x4], $0x4000, $0x38;
	[tilespmem:$0x1F000] =	vst v63  }
0x51: {  	_ =	swait.ge [sflag:s21], $0x4000  }
0x52: {  	[sflag:s21] =	ssyncset.done $0x0  }
0x53: {  	s12 =	rddreg [dreg:$0x9];
	[sflag:s21] =	ssyncadd.s32 $0xFFFFC000  }
0x54: {  	[spmem:s12] =	stream.linear.scatter [tilespmem:s20], [sflag:$0x4], $0x4000, $0x38;
	[tilespmem:$0x1F000] =	vst v63  }
0x55: {  	_ =	swait.ge [sflag:s21], $0x4000  }
0x56: {  	[sflag:s21] =	ssyncset.done $0x0  }
0x57: {  	s13 =	rddreg [dreg:$0xa];
	[sflag:s21] =	ssyncadd.s32 $0xFFFFC000  }
0x58: {  	[spmem:s13] =	stream.linear.scatter [tilespmem:s20], [sflag:$0x4], $0x4000, $0x38;
	[tilespmem:$0x1F000] =	vst v63  }
0x59: {  	_ =	swait.ge [sflag:s21], $0x4000  }
0x5a: {  	[sflag:s21] =	ssyncset.done $0x0  }
0x5b: {  	s14 =	simm.s32 $0x0;
	s6 =	rddreg [dreg:$0x3];
	[sflag:s21] =	ssyncadd.s32 $0xFFFFC000  }
0x5c: {  	[tilespmem:s26], [sflag:$0x4] =	stream.linear.gather [hbm4b:s6+s14], $0x2800, $0x38;
	[tilespmem:$0x1F000] =	vst v63  }
0x5d: {  	_ =	swait.ge [sflag:s21], $0x2800  }
.Ltmp3:
0x5e: {  	[sflag:s21] =	ssyncset.done $0x0;
	(pc) =	sbr.rel @!p0 .LBB2_4-.Ltmp3, $4  }
0x5f: {  	[sflag:s21] =	ssyncadd.s32 $0xFFFFD800  }
0x60: {  	[bflag:$0x0] =	sbarrier.arrive $0xFFFF  }
0x61: {  	s7 =	simm.s32 $0x16800;
	s15 =	rddreg [dreg:$0x4]  }
0x62: {  	[tilespmem:s7], [sflag:$0x3] =	stream.linear.gather [hbm4b:s15+s14], $0x400, $0x38;
	[tilespmem:$0x1F000] =	vst v63  }
0x63: {  	[tilespmem:s20], [sflag:$0x1] =	stream.indirect.gather [hbm4b:s8+s29], $0x80, s26, s29, $0xb8;
	[tilespmem:$0x1F000] =	vst v63  }
0x64: {  	s3 =	simm.s32 $0x14080;
	s11 =	simm.s32 $0x0  }
0x65: {  	[tilespmem:s31], [sflag:$0x2] =	stream.indirect.gather [hbm4b:s8+s29], $0x80, s3, s29, $0xb8;
	[tilespmem:$0x1F000] =	vst v63  }
0x66: {  	p1 =	por $0x0, $0x0;
	s3 =	sand.u32 $0x1, s11;
	_ =	swait.ge [sflag:s0], $0x400  }
0x67: {  	s6 =	sshll.u32 @!p1 s3, $0xA;
	[sflag:s0] =	ssyncset.done $0x0  }
0x68: {  	s7 =	simm.s32 @!p1 $0x0;
	s6 =	sxor.u32 @!p1 $0x16C00, s6;
	[sflag:s0] =	ssyncadd.s32 $0xFFFFFC00  }
0x69: {  	[tilespmem:s6], [sflag:$0x3] =	stream.linear.gather @!p1 [hbm4b:s19+s7], $0x400, $0x38;
	[tilespmem:$0x1F000] =	vst v63  }
0x6a: {  	_ =	swait.ge [sflag:s28], $0x4000  }
0x6b: {  	s7 =	sshll.u32 s3, $0xA;
	[sflag:s28] =	ssyncset.done $0x0  }
0x6c: {  	s3 =	sor.u32 $0x16800, s7;
	[sflag:s28] =	ssyncadd.s32 $0xFFFFC000  }
0x6d: {  	[spmem:s2] =	stream.indirect.scatter.add.f32 [tilespmem:s20], [sflag:$0x4], $0x80, s3, s29, $0xb8;
	[tilespmem:$0x1F000] =	vst v63  }
0x6e: {  	_ =	swait.ge [sflag:s21], $0x4000  }
0x6f: {  	[sflag:s21] =	ssyncset.done $0x0  }
0x70: {  	s12 =	simm.s32 $0x14100;
	[sflag:s21] =	ssyncadd.s32 $0xFFFFC000  }
0x71: {  	[tilespmem:s20], [sflag:$0x1] =	stream.indirect.gather [hbm4b:s8+s29], $0x80, s12, s29, $0xb8;
	[tilespmem:$0x1F000] =	vst v63  }
0x72: {  	_ =	swait.ge [sflag:s30], $0x4000  }
0x73: {  	[sflag:s30] =	ssyncset.done $0x0  }
0x74: {  	s13 =	sor.u32 $0x16880, s7;
	[sflag:s30] =	ssyncadd.s32 $0xFFFFC000  }
0x75: {  	[spmem:s2] =	stream.indirect.scatter.add.f32 [tilespmem:s31], [sflag:$0x4], $0x80, s13, s29, $0xb8;
	[tilespmem:$0x1F000] =	vst v63  }
0x76: {  	_ =	swait.ge [sflag:s21], $0x4000  }
0x77: {  	[sflag:s21] =	ssyncset.done $0x0  }
0x78: {  	s14 =	simm.s32 $0x14180;
	[sflag:s21] =	ssyncadd.s32 $0xFFFFC000  }
0x79: {  	[tilespmem:s31], [sflag:$0x2] =	stream.indirect.gather [hbm4b:s8+s29], $0x80, s14, s29, $0xb8;
	[tilespmem:$0x1F000] =	vst v63  }
0x7a: {  	_ =	swait.ge [sflag:s28], $0x4000  }
0x7b: {  	[sflag:s28] =	ssyncset.done $0x0  }
0x7c: {  	s15 =	sor.u32 $0x16900, s7;
	[sflag:s28] =	ssyncadd.s32 $0xFFFFC000  }
0x7d: {  	[spmem:s2] =	stream.indirect.scatter.add.f32 [tilespmem:s20], [sflag:$0x4], $0x80, s15, s29, $0xb8;
	[tilespmem:$0x1F000] =	vst v63  }
0x7e: {  	_ =	swait.ge [sflag:s21], $0x4000  }
0x7f: {  	[sflag:s21] =	ssyncset.done $0x0  }
0x80: {  	s6 =	simm.s32 $0x14200;
	[sflag:s21] =	ssyncadd.s32 $0xFFFFC000  }
0x81: {  	[tilespmem:s20], [sflag:$0x1] =	stream.indirect.gather [hbm4b:s8+s29], $0x80, s6, s29, $0xb8;
	[tilespmem:$0x1F000] =	vst v63  }
0x82: {  	_ =	swait.ge [sflag:s30], $0x4000  }
0x83: {  	[sflag:s30] =	ssyncset.done $0x0  }
0x84: {  	s9 =	sor.u32 $0x16980, s7;
	[sflag:s30] =	ssyncadd.s32 $0xFFFFC000  }
0x85: {  	[spmem:s2] =	stream.indirect.scatter.add.f32 [tilespmem:s31], [sflag:$0x4], $0x80, s9, s29, $0xb8;
	[tilespmem:$0x1F000] =	vst v63  }
0x86: {  	_ =	swait.ge [sflag:s21], $0x4000  }
0x87: {  	[sflag:s21] =	ssyncset.done $0x0  }
0x88: {  	s10 =	simm.s32 $0x14280;
	[sflag:s21] =	ssyncadd.s32 $0xFFFFC000  }
0x89: {  	[tilespmem:s31], [sflag:$0x2] =	stream.indirect.gather [hbm4b:s8+s29], $0x80, s10, s29, $0xb8;
	[tilespmem:$0x1F000] =	vst v63  }
0x8a: {  	_ =	swait.ge [sflag:s28], $0x4000  }
0x8b: {  	[sflag:s28] =	ssyncset.done $0x0  }
0x8c: {  	s11 =	sor.u32 $0x16A00, s7;
	[sflag:s28] =	ssyncadd.s32 $0xFFFFC000  }
0x8d: {  	[spmem:s2] =	stream.indirect.scatter.add.f32 [tilespmem:s20], [sflag:$0x4], $0x80, s11, s29, $0xb8;
	[tilespmem:$0x1F000] =	vst v63  }
0x8e: {  	_ =	swait.ge [sflag:s21], $0x4000  }
0x8f: {  	[sflag:s21] =	ssyncset.done $0x0  }
0x90: {  	s12 =	simm.s32 $0x14300;
	[sflag:s21] =	ssyncadd.s32 $0xFFFFC000  }
0x91: {  	[tilespmem:s20], [sflag:$0x1] =	stream.indirect.gather [hbm4b:s8+s29], $0x80, s12, s29, $0xb8;
	[tilespmem:$0x1F000] =	vst v63  }
0x92: {  	_ =	swait.ge [sflag:s30], $0x4000  }
0x93: {  	[sflag:s30] =	ssyncset.done $0x0  }
0x94: {  	s13 =	sor.u32 $0x16A80, s7;
	[sflag:s30] =	ssyncadd.s32 $0xFFFFC000  }
0x95: {  	[spmem:s2] =	stream.indirect.scatter.add.f32 [tilespmem:s31], [sflag:$0x4], $0x80, s13, s29, $0xb8;
	[tilespmem:$0x1F000] =	vst v63  }
0x96: {  	_ =	swait.ge [sflag:s21], $0x4000  }
0x97: {  	[sflag:s21] =	ssyncset.done $0x0  }
0x98: {  	s14 =	simm.s32 $0x14380;
	[sflag:s21] =	ssyncadd.s32 $0xFFFFC000  }
0x99: {  	[tilespmem:s31], [sflag:$0x2] =	stream.indirect.gather [hbm4b:s8+s29], $0x80, s14, s29, $0xb8;
	[tilespmem:$0x1F000] =	vst v63  }
0x9a: {  	_ =	swait.ge [sflag:s28], $0x4000  }
0x9b: {  	[sflag:s28] =	ssyncset.done $0x0  }
0x9c: {  	s15 =	sor.u32 $0x16B00, s7;
	[sflag:s28] =	ssyncadd.s32 $0xFFFFC000  }
0x9d: {  	[spmem:s2] =	stream.indirect.scatter.add.f32 [tilespmem:s20], [sflag:$0x4], $0x80, s15, s29, $0xb8;
	[tilespmem:$0x1F000] =	vst v63  }
0x9e: {  	p1 =	por $0x0, $0x0;
	_ =	swait.ge [sflag:s21], $0x4000  }
0x9f: {  	s3 =	simm.s32 @!p1 $0x17000;
	[sflag:s21] =	ssyncset.done $0x0  }
0xa0: {  	s6 =	simm.s32 @!p1 $0x14400;
	s9 =	simm.s32 @!p1 $0x80;
	[sflag:s21] =	ssyncadd.s32 $0xFFFFC000  }
0xa1: {  	[tilespmem:s3], [sflag:$0x1] =	stream.indirect.gather @!p1 [hbm4b:s8+s9], $0x80, s6, s9, $0xb8;
	[tilespmem:$0x1F000] =	vst v63  }
0xa2: {  	_ =	swait.ge [sflag:s30], $0x4000  }
0xa3: {  	p2 =	por $0x0, $0x0;
	[sflag:s30] =	ssyncset.done $0x0  }
0xa4: {  	s7 =	sadd.s32 $0x16B80, s7;
	s10 =	simm.s32 @!p2 $0x1B000;
	[sflag:s30] =	ssyncadd.s32 $0xFFFFC000  }
0xa5: {  	[spmem:s2] =	stream.indirect.scatter.add.f32 [tilespmem:s31], [sflag:$0x4], $0x80, s7, s29, $0xb8;
	[tilespmem:$0x1F000] =	vst v63  }
0xa6: {  	s11 =	simm.s32 @!p2 $0x14480;
	s12 =	simm.s32 @!p2 $0x80;
	_ =	swait.ge [sflag:s21], $0x4000  }
0xa7: {  	s3 =	simm.s32 $0x1000;
	s6 =	sadd.s32 $0x80, s19;
	[sflag:s21] =	ssyncset.done $0x0  }
0xa8: {  	s9 =	simm.s32 $0x1;
	s7 =	simm.s32 $0xE;
	[sflag:s21] =	ssyncadd.s32 $0xFFFFC000  }
.LBB2_8:
0xa9: {  	[tilespmem:s10], [sflag:$0x2] =	stream.indirect.gather @!p2 [hbm4b:s8+s12], $0x80, s11, s12, $0xb8;
	[tilespmem:$0x1F000] =	vst v63  }
0xaa: {  	s10 =	sand.u32 $0x1, s9;
	p1 =	seq.s32 s3, $0x9000;
	_ =	swait.ge [sflag:s0], $0x400  }
0xab: {  	s12 =	sshll.u32 @!p1 s10, $0xA;
	s11 =	sshll.u32 s10, $0xA;
	[sflag:s0] =	ssyncset.done $0x0  }
0xac: {  	s10 =	sxor.u32 @!p1 $0x16C00, s12;
	s12 =	simm.s32 @!p1 $0x0;
	[sflag:s0] =	ssyncadd.s32 $0xFFFFFC00  }
0xad: {  	[tilespmem:s10], [sflag:$0x3] =	stream.linear.gather @!p1 [hbm4b:s6+s12], $0x400, $0x38;
	[tilespmem:$0x1F000] =	vst v63  }
0xae: {  	s10 =	smov.u32 s3;
	s3 =	sadd.s32 $0x1000, s3;
	_ =	swait.ge [sflag:s28], $0x4000  }
0xaf: {  	s12 =	smov.u32 s7;
	p1 =	sne.s32 s3, $0xA000;
	[sflag:s28] =	ssyncset.done $0x0  }
0xb0: {  	s13 =	sor.u32 $0x16800, s11;
	[sflag:s28] =	ssyncadd.s32 $0xFFFFC000  }
0xb1: {  	[spmem:s2] =	stream.indirect.scatter.add.f32 [tilespmem:s20], [sflag:$0x4], $0x80, s13, s29, $0xb8;
	[tilespmem:$0x1F000] =	vst v63  }
0xb2: {  	_ =	swait.ge [sflag:s21], $0x4000  }
0xb3: {  	s13 =	sshra.s32 s10, $0x2;
	[sflag:s21] =	ssyncset.done $0x0  }
0xb4: {  	s14 =	sadd.s32 $0x14100, s13;
	[sflag:s21] =	ssyncadd.s32 $0xFFFFC000  }
0xb5: {  	[tilespmem:s20], [sflag:$0x1] =	stream.indirect.gather [hbm4b:s8+s29], $0x80, s14, s29, $0xb8;
	[tilespmem:$0x1F000] =	vst v63  }
0xb6: {  	_ =	swait.ge [sflag:s30], $0x4000  }
0xb7: {  	[sflag:s30] =	ssyncset.done $0x0  }
0xb8: {  	s14 =	sor.u32 $0x16880, s11;
	[sflag:s30] =	ssyncadd.s32 $0xFFFFC000  }
0xb9: {  	[spmem:s2] =	stream.indirect.scatter.add.f32 [tilespmem:s31], [sflag:$0x4], $0x80, s14, s29, $0xb8;
	[tilespmem:$0x1F000] =	vst v63  }
0xba: {  	_ =	swait.ge [sflag:s21], $0x4000  }
0xbb: {  	[sflag:s21] =	ssyncset.done $0x0  }
0xbc: {  	s14 =	sadd.s32 $0x14180, s13;
	[sflag:s21] =	ssyncadd.s32 $0xFFFFC000  }
0xbd: {  	[tilespmem:s31], [sflag:$0x2] =	stream.indirect.gather [hbm4b:s8+s29], $0x80, s14, s29, $0xb8;
	[tilespmem:$0x1F000] =	vst v63  }
0xbe: {  	_ =	swait.ge [sflag:s28], $0x4000  }
0xbf: {  	[sflag:s28] =	ssyncset.done $0x0  }
0xc0: {  	s14 =	sor.u32 $0x16900, s11;
	[sflag:s28] =	ssyncadd.s32 $0xFFFFC000  }
0xc1: {  	[spmem:s2] =	stream.indirect.scatter.add.f32 [tilespmem:s20], [sflag:$0x4], $0x80, s14, s29, $0xb8;
	[tilespmem:$0x1F000] =	vst v63  }
0xc2: {  	_ =	swait.ge [sflag:s21], $0x4000  }
0xc3: {  	[sflag:s21] =	ssyncset.done $0x0  }
0xc4: {  	s14 =	sadd.s32 $0x14200, s13;
	[sflag:s21] =	ssyncadd.s32 $0xFFFFC000  }
0xc5: {  	[tilespmem:s20], [sflag:$0x1] =	stream.indirect.gather [hbm4b:s8+s29], $0x80, s14, s29, $0xb8;
	[tilespmem:$0x1F000] =	vst v63  }
0xc6: {  	_ =	swait.ge [sflag:s30], $0x4000  }
0xc7: {  	[sflag:s30] =	ssyncset.done $0x0  }
0xc8: {  	s14 =	sor.u32 $0x16980, s11;
	[sflag:s30] =	ssyncadd.s32 $0xFFFFC000  }
0xc9: {  	[spmem:s2] =	stream.indirect.scatter.add.f32 [tilespmem:s31], [sflag:$0x4], $0x80, s14, s29, $0xb8;
	[tilespmem:$0x1F000] =	vst v63  }
0xca: {  	_ =	swait.ge [sflag:s21], $0x4000  }
0xcb: {  	[sflag:s21] =	ssyncset.done $0x0  }
0xcc: {  	s14 =	sadd.s32 $0x14280, s13;
	[sflag:s21] =	ssyncadd.s32 $0xFFFFC000  }
0xcd: {  	[tilespmem:s31], [sflag:$0x2] =	stream.indirect.gather [hbm4b:s8+s29], $0x80, s14, s29, $0xb8;
	[tilespmem:$0x1F000] =	vst v63  }
0xce: {  	_ =	swait.ge [sflag:s28], $0x4000  }
0xcf: {  	[sflag:s28] =	ssyncset.done $0x0  }
0xd0: {  	s14 =	sor.u32 $0x16A00, s11;
	[sflag:s28] =	ssyncadd.s32 $0xFFFFC000  }
0xd1: {  	[spmem:s2] =	stream.indirect.scatter.add.f32 [tilespmem:s20], [sflag:$0x4], $0x80, s14, s29, $0xb8;
	[tilespmem:$0x1F000] =	vst v63  }
0xd2: {  	_ =	swait.ge [sflag:s21], $0x4000  }
0xd3: {  	[sflag:s21] =	ssyncset.done $0x0  }
0xd4: {  	s14 =	sadd.s32 $0x14300, s13;
	[sflag:s21] =	ssyncadd.s32 $0xFFFFC000  }
0xd5: {  	[tilespmem:s20], [sflag:$0x1] =	stream.indirect.gather [hbm4b:s8+s29], $0x80, s14, s29, $0xb8;
	[tilespmem:$0x1F000] =	vst v63  }
0xd6: {  	_ =	swait.ge [sflag:s30], $0x4000  }
0xd7: {  	[sflag:s30] =	ssyncset.done $0x0  }
0xd8: {  	s14 =	sor.u32 $0x16A80, s11;
	[sflag:s30] =	ssyncadd.s32 $0xFFFFC000  }
0xd9: {  	[spmem:s2] =	stream.indirect.scatter.add.f32 [tilespmem:s31], [sflag:$0x4], $0x80, s14, s29, $0xb8;
	[tilespmem:$0x1F000] =	vst v63  }
0xda: {  	_ =	swait.ge [sflag:s21], $0x4000  }
0xdb: {  	[sflag:s21] =	ssyncset.done $0x0  }
0xdc: {  	s13 =	sadd.s32 $0x14380, s13;
	[sflag:s21] =	ssyncadd.s32 $0xFFFFC000  }
0xdd: {  	[tilespmem:s31], [sflag:$0x2] =	stream.indirect.gather [hbm4b:s8+s29], $0x80, s13, s29, $0xb8;
	[tilespmem:$0x1F000] =	vst v63  }
0xde: {  	_ =	swait.ge [sflag:s28], $0x4000  }
0xdf: {  	[sflag:s28] =	ssyncset.done $0x0  }
0xe0: {  	s13 =	sor.u32 $0x16B00, s11;
	[sflag:s28] =	ssyncadd.s32 $0xFFFFC000  }
0xe1: {  	[spmem:s2] =	stream.indirect.scatter.add.f32 [tilespmem:s20], [sflag:$0x4], $0x80, s13, s29, $0xb8;
	[tilespmem:$0x1F000] =	vst v63  }
0xe2: {  	p2 =	sgt.u32 s7, $0x4D;
	_ =	swait.ge [sflag:s21], $0x4000  }
0xe3: {  	s14 =	simm.s32 @!p2 $0x17000;
	s13 =	sshra.s32 @!p2 s10, $0x2;
	[sflag:s21] =	ssyncset.done $0x0  }
0xe4: {  	s15 =	simm.s32 @!p2 $0x80;
	s13 =	sadd.s32 @!p2 $0x14400, s13;
	[sflag:s21] =	ssyncadd.s32 $0xFFFFC000  }
0xe5: {  	[tilespmem:s14], [sflag:$0x1] =	stream.indirect.gather @!p2 [hbm4b:s8+s15], $0x80, s13, s15, $0xb8;
	[tilespmem:$0x1F000] =	vst v63  }
0xe6: {  	_ =	swait.ge [sflag:s30], $0x4000  }
0xe7: {  	s6 =	sadd.s32 $0x80, s6;
	s7 =	sadd.s32 $0x8, s7;
	[sflag:s30] =	ssyncset.done $0x0  }
.Ltmp4:
0xe8: {  	s11 =	sadd.s32 $0x16B80, s11;
	[sflag:s30] =	ssyncadd.s32 $0xFFFFC000;
	(pc) =	sbr.rel @p1 .LBB2_8-.Ltmp4, $4  }
0xe9: {  	[spmem:s2] =	stream.indirect.scatter.add.f32 [tilespmem:s31], [sflag:$0x4], $0x80, s11, s29, $0xb8;
	[tilespmem:$0x1F000] =	vst v63  }
0xea: {  	s9 =	sadd.s32 $0x1, s9;
	p2 =	sgt.u32 s12, $0x4C;
	_ =	swait.ge [sflag:s21], $0x4000  }
0xeb: {  	s11 =	sshra.s32 @!p2 s10, $0x2;
	s10 =	simm.s32 @!p2 $0x1B000;
	[sflag:s21] =	ssyncset.done $0x0  }
0xec: {  	s12 =	simm.s32 @!p2 $0x80;
	s11 =	sadd.s32 @!p2 $0x14480, s11;
	[sflag:s21] =	ssyncadd.s32 $0xFFFFC000  }
.Ltmp5:
0xed: {  	(pc) =	sbr.rel .LBB2_10-.Ltmp5, $2  }
0xee: {  	_ =	sdelay $0x2  }
0xef: {  	[tilespmem:s10], [sflag:$0x2] =	stream.indirect.gather @!p2 [hbm4b:s8+s12], $0x80, s11, s12, $0xb8;
	[tilespmem:$0x1F000] =	vst v63  }
.LBB2_4:
0xf0: {  	[tilespmem:s20], [sflag:$0x1] =	stream.indirect.gather [hbm4b:s4+s29], $0x80, s26, s29, $0xb8;
	[tilespmem:$0x1F000] =	vst v63  }
0xf1: {  	s3 =	simm.s32 $0x14080;
	s11 =	simm.s32 $0x0  }
0xf2: {  	[tilespmem:s31], [sflag:$0x2] =	stream.indirect.gather [hbm4b:s4+s29], $0x80, s3, s29, $0xb8;
	[tilespmem:$0x1F000] =	vst v63  }
0xf3: {  	p1 =	por $0x0, $0x0;
	s3 =	sand.u32 $0x1, s11;
	_ =	swait.ge [sflag:s0], $0x400  }
0xf4: {  	s6 =	sshll.u32 @!p1 s3, $0xA;
	[sflag:s0] =	ssyncset.done $0x0  }
0xf5: {  	s7 =	simm.s32 @!p1 $0x0;
	s6 =	sxor.u32 @!p1 $0x16C00, s6;
	[sflag:s0] =	ssyncadd.s32 $0xFFFFFC00  }
0xf6: {  	[tilespmem:s6], [sflag:$0x3] =	stream.linear.gather @!p1 [hbm4b:s19+s7], $0x400, $0x38;
	[tilespmem:$0x1F000] =	vst v63  }
0xf7: {  	_ =	swait.ge [sflag:s28], $0x4000  }
0xf8: {  	s7 =	sshll.u32 s3, $0xA;
	[sflag:s28] =	ssyncset.done $0x0  }
0xf9: {  	s3 =	sor.u32 $0x16800, s7;
	[sflag:s28] =	ssyncadd.s32 $0xFFFFC000  }
0xfa: {  	[spmem:s2] =	stream.indirect.scatter.add.f32 [tilespmem:s20], [sflag:$0x4], $0x80, s3, s29, $0xb8;
	[tilespmem:$0x1F000] =	vst v63  }
0xfb: {  	_ =	swait.ge [sflag:s21], $0x4000  }
0xfc: {  	[sflag:s21] =	ssyncset.done $0x0  }
0xfd: {  	s12 =	simm.s32 $0x14100;
	[sflag:s21] =	ssyncadd.s32 $0xFFFFC000  }
0xfe: {  	[tilespmem:s20], [sflag:$0x1] =	stream.indirect.gather [hbm4b:s4+s29], $0x80, s12, s29, $0xb8;
	[tilespmem:$0x1F000] =	vst v63  }
0xff: {  	_ =	swait.ge [sflag:s30], $0x4000  }
0x100: {  	[sflag:s30] =	ssyncset.done $0x0  }
0x101: {  	s13 =	sor.u32 $0x16880, s7;
	[sflag:s30] =	ssyncadd.s32 $0xFFFFC000  }
0x102: {  	[spmem:s2] =	stream.indirect.scatter.add.f32 [tilespmem:s31], [sflag:$0x4], $0x80, s13, s29, $0xb8;
	[tilespmem:$0x1F000] =	vst v63  }
0x103: {  	_ =	swait.ge [sflag:s21], $0x4000  }
0x104: {  	[sflag:s21] =	ssyncset.done $0x0  }
0x105: {  	s14 =	simm.s32 $0x14180;
	[sflag:s21] =	ssyncadd.s32 $0xFFFFC000  }
0x106: {  	[tilespmem:s31], [sflag:$0x2] =	stream.indirect.gather [hbm4b:s4+s29], $0x80, s14, s29, $0xb8;
	[tilespmem:$0x1F000] =	vst v63  }
0x107: {  	_ =	swait.ge [sflag:s28], $0x4000  }
0x108: {  	[sflag:s28] =	ssyncset.done $0x0  }
0x109: {  	s15 =	sor.u32 $0x16900, s7;
	[sflag:s28] =	ssyncadd.s32 $0xFFFFC000  }
0x10a: {  	[spmem:s2] =	stream.indirect.scatter.add.f32 [tilespmem:s20], [sflag:$0x4], $0x80, s15, s29, $0xb8;
	[tilespmem:$0x1F000] =	vst v63  }
0x10b: {  	_ =	swait.ge [sflag:s21], $0x4000  }
0x10c: {  	[sflag:s21] =	ssyncset.done $0x0  }
0x10d: {  	s6 =	simm.s32 $0x14200;
	[sflag:s21] =	ssyncadd.s32 $0xFFFFC000  }
0x10e: {  	[tilespmem:s20], [sflag:$0x1] =	stream.indirect.gather [hbm4b:s4+s29], $0x80, s6, s29, $0xb8;
	[tilespmem:$0x1F000] =	vst v63  }
0x10f: {  	_ =	swait.ge [sflag:s30], $0x4000  }
0x110: {  	[sflag:s30] =	ssyncset.done $0x0  }
0x111: {  	s9 =	sor.u32 $0x16980, s7;
	[sflag:s30] =	ssyncadd.s32 $0xFFFFC000  }
0x112: {  	[spmem:s2] =	stream.indirect.scatter.add.f32 [tilespmem:s31], [sflag:$0x4], $0x80, s9, s29, $0xb8;
	[tilespmem:$0x1F000] =	vst v63  }
0x113: {  	_ =	swait.ge [sflag:s21], $0x4000  }
0x114: {  	[sflag:s21] =	ssyncset.done $0x0  }
0x115: {  	s10 =	simm.s32 $0x14280;
	[sflag:s21] =	ssyncadd.s32 $0xFFFFC000  }
0x116: {  	[tilespmem:s31], [sflag:$0x2] =	stream.indirect.gather [hbm4b:s4+s29], $0x80, s10, s29, $0xb8;
	[tilespmem:$0x1F000] =	vst v63  }
0x117: {  	_ =	swait.ge [sflag:s28], $0x4000  }
0x118: {  	[sflag:s28] =	ssyncset.done $0x0  }
0x119: {  	s11 =	sor.u32 $0x16A00, s7;
	[sflag:s28] =	ssyncadd.s32 $0xFFFFC000  }
0x11a: {  	[spmem:s2] =	stream.indirect.scatter.add.f32 [tilespmem:s20], [sflag:$0x4], $0x80, s11, s29, $0xb8;
	[tilespmem:$0x1F000] =	vst v63  }
0x11b: {  	_ =	swait.ge [sflag:s21], $0x4000  }
0x11c: {  	[sflag:s21] =	ssyncset.done $0x0  }
0x11d: {  	s12 =	simm.s32 $0x14300;
	[sflag:s21] =	ssyncadd.s32 $0xFFFFC000  }
0x11e: {  	[tilespmem:s20], [sflag:$0x1] =	stream.indirect.gather [hbm4b:s4+s29], $0x80, s12, s29, $0xb8;
	[tilespmem:$0x1F000] =	vst v63  }
0x11f: {  	_ =	swait.ge [sflag:s30], $0x4000  }
0x120: {  	[sflag:s30] =	ssyncset.done $0x0  }
0x121: {  	s13 =	sor.u32 $0x16A80, s7;
	[sflag:s30] =	ssyncadd.s32 $0xFFFFC000  }
0x122: {  	[spmem:s2] =	stream.indirect.scatter.add.f32 [tilespmem:s31], [sflag:$0x4], $0x80, s13, s29, $0xb8;
	[tilespmem:$0x1F000] =	vst v63  }
0x123: {  	_ =	swait.ge [sflag:s21], $0x4000  }
0x124: {  	[sflag:s21] =	ssyncset.done $0x0  }
0x125: {  	s14 =	simm.s32 $0x14380;
	[sflag:s21] =	ssyncadd.s32 $0xFFFFC000  }
0x126: {  	[tilespmem:s31], [sflag:$0x2] =	stream.indirect.gather [hbm4b:s4+s29], $0x80, s14, s29, $0xb8;
	[tilespmem:$0x1F000] =	vst v63  }
0x127: {  	_ =	swait.ge [sflag:s28], $0x4000  }
0x128: {  	[sflag:s28] =	ssyncset.done $0x0  }
0x129: {  	s15 =	sor.u32 $0x16B00, s7;
	[sflag:s28] =	ssyncadd.s32 $0xFFFFC000  }
0x12a: {  	[spmem:s2] =	stream.indirect.scatter.add.f32 [tilespmem:s20], [sflag:$0x4], $0x80, s15, s29, $0xb8;
	[tilespmem:$0x1F000] =	vst v63  }
0x12b: {  	p1 =	por $0x0, $0x0;
	_ =	swait.ge [sflag:s21], $0x4000  }
0x12c: {  	s3 =	simm.s32 @!p1 $0x17000;
	[sflag:s21] =	ssyncset.done $0x0  }
0x12d: {  	s6 =	simm.s32 @!p1 $0x14400;
	s9 =	simm.s32 @!p1 $0x80;
	[sflag:s21] =	ssyncadd.s32 $0xFFFFC000  }
0x12e: {  	[tilespmem:s3], [sflag:$0x1] =	stream.indirect.gather @!p1 [hbm4b:s4+s9], $0x80, s6, s9, $0xb8;
	[tilespmem:$0x1F000] =	vst v63  }
0x12f: {  	_ =	swait.ge [sflag:s30], $0x4000  }
0x130: {  	p2 =	por $0x0, $0x0;
	[sflag:s30] =	ssyncset.done $0x0  }
0x131: {  	s7 =	sadd.s32 $0x16B80, s7;
	s10 =	simm.s32 @!p2 $0x1B000;
	[sflag:s30] =	ssyncadd.s32 $0xFFFFC000  }
0x132: {  	[spmem:s2] =	stream.indirect.scatter.add.f32 [tilespmem:s31], [sflag:$0x4], $0x80, s7, s29, $0xb8;
	[tilespmem:$0x1F000] =	vst v63  }
0x133: {  	s11 =	simm.s32 @!p2 $0x14480;
	s12 =	simm.s32 @!p2 $0x80;
	_ =	swait.ge [sflag:s21], $0x4000  }
0x134: {  	s3 =	simm.s32 $0x1000;
	s6 =	sadd.s32 $0x80, s19;
	[sflag:s21] =	ssyncset.done $0x0  }
0x135: {  	s9 =	simm.s32 $0x1;
	s7 =	simm.s32 $0xE;
	[sflag:s21] =	ssyncadd.s32 $0xFFFFC000  }
.LBB2_5:
0x136: {  	[tilespmem:s10], [sflag:$0x2] =	stream.indirect.gather @!p2 [hbm4b:s4+s12], $0x80, s11, s12, $0xb8;
	[tilespmem:$0x1F000] =	vst v63  }
0x137: {  	s10 =	sand.u32 $0x1, s9;
	p1 =	seq.s32 s3, $0x9000;
	_ =	swait.ge [sflag:s0], $0x400  }
0x138: {  	s12 =	sshll.u32 @!p1 s10, $0xA;
	s11 =	sshll.u32 s10, $0xA;
	[sflag:s0] =	ssyncset.done $0x0  }
0x139: {  	s10 =	sxor.u32 @!p1 $0x16C00, s12;
	s12 =	simm.s32 @!p1 $0x0;
	[sflag:s0] =	ssyncadd.s32 $0xFFFFFC00  }
0x13a: {  	[tilespmem:s10], [sflag:$0x3] =	stream.linear.gather @!p1 [hbm4b:s6+s12], $0x400, $0x38;
	[tilespmem:$0x1F000] =	vst v63  }
0x13b: {  	s10 =	smov.u32 s3;
	s3 =	sadd.s32 $0x1000, s3;
	_ =	swait.ge [sflag:s28], $0x4000  }
0x13c: {  	s12 =	smov.u32 s7;
	p1 =	seq.s32 s3, $0xA000;
	[sflag:s28] =	ssyncset.done $0x0  }
0x13d: {  	s13 =	sor.u32 $0x16800, s11;
	[sflag:s28] =	ssyncadd.s32 $0xFFFFC000  }
0x13e: {  	[spmem:s2] =	stream.indirect.scatter.add.f32 [tilespmem:s20], [sflag:$0x4], $0x80, s13, s29, $0xb8;
	[tilespmem:$0x1F000] =	vst v63  }
0x13f: {  	_ =	swait.ge [sflag:s21], $0x4000  }
0x140: {  	s13 =	sshra.s32 s10, $0x2;
	[sflag:s21] =	ssyncset.done $0x0  }
0x141: {  	s14 =	sadd.s32 $0x14100, s13;
	[sflag:s21] =	ssyncadd.s32 $0xFFFFC000  }
0x142: {  	[tilespmem:s20], [sflag:$0x1] =	stream.indirect.gather [hbm4b:s4+s29], $0x80, s14, s29, $0xb8;
	[tilespmem:$0x1F000] =	vst v63  }
0x143: {  	_ =	swait.ge [sflag:s30], $0x4000  }
0x144: {  	[sflag:s30] =	ssyncset.done $0x0  }
0x145: {  	s14 =	sor.u32 $0x16880, s11;
	[sflag:s30] =	ssyncadd.s32 $0xFFFFC000  }
0x146: {  	[spmem:s2] =	stream.indirect.scatter.add.f32 [tilespmem:s31], [sflag:$0x4], $0x80, s14, s29, $0xb8;
	[tilespmem:$0x1F000] =	vst v63  }
0x147: {  	_ =	swait.ge [sflag:s21], $0x4000  }
0x148: {  	[sflag:s21] =	ssyncset.done $0x0  }
0x149: {  	s14 =	sadd.s32 $0x14180, s13;
	[sflag:s21] =	ssyncadd.s32 $0xFFFFC000  }
0x14a: {  	[tilespmem:s31], [sflag:$0x2] =	stream.indirect.gather [hbm4b:s4+s29], $0x80, s14, s29, $0xb8;
	[tilespmem:$0x1F000] =	vst v63  }
0x14b: {  	_ =	swait.ge [sflag:s28], $0x4000  }
0x14c: {  	[sflag:s28] =	ssyncset.done $0x0  }
0x14d: {  	s14 =	sor.u32 $0x16900, s11;
	[sflag:s28] =	ssyncadd.s32 $0xFFFFC000  }
0x14e: {  	[spmem:s2] =	stream.indirect.scatter.add.f32 [tilespmem:s20], [sflag:$0x4], $0x80, s14, s29, $0xb8;
	[tilespmem:$0x1F000] =	vst v63  }
0x14f: {  	_ =	swait.ge [sflag:s21], $0x4000  }
0x150: {  	[sflag:s21] =	ssyncset.done $0x0  }
0x151: {  	s14 =	sadd.s32 $0x14200, s13;
	[sflag:s21] =	ssyncadd.s32 $0xFFFFC000  }
0x152: {  	[tilespmem:s20], [sflag:$0x1] =	stream.indirect.gather [hbm4b:s4+s29], $0x80, s14, s29, $0xb8;
	[tilespmem:$0x1F000] =	vst v63  }
0x153: {  	_ =	swait.ge [sflag:s30], $0x4000  }
0x154: {  	[sflag:s30] =	ssyncset.done $0x0  }
0x155: {  	s14 =	sor.u32 $0x16980, s11;
	[sflag:s30] =	ssyncadd.s32 $0xFFFFC000  }
0x156: {  	[spmem:s2] =	stream.indirect.scatter.add.f32 [tilespmem:s31], [sflag:$0x4], $0x80, s14, s29, $0xb8;
	[tilespmem:$0x1F000] =	vst v63  }
0x157: {  	_ =	swait.ge [sflag:s21], $0x4000  }
0x158: {  	[sflag:s21] =	ssyncset.done $0x0  }
0x159: {  	s14 =	sadd.s32 $0x14280, s13;
	[sflag:s21] =	ssyncadd.s32 $0xFFFFC000  }
0x15a: {  	[tilespmem:s31], [sflag:$0x2] =	stream.indirect.gather [hbm4b:s4+s29], $0x80, s14, s29, $0xb8;
	[tilespmem:$0x1F000] =	vst v63  }
0x15b: {  	_ =	swait.ge [sflag:s28], $0x4000  }
0x15c: {  	[sflag:s28] =	ssyncset.done $0x0  }
0x15d: {  	s14 =	sor.u32 $0x16A00, s11;
	[sflag:s28] =	ssyncadd.s32 $0xFFFFC000  }
0x15e: {  	[spmem:s2] =	stream.indirect.scatter.add.f32 [tilespmem:s20], [sflag:$0x4], $0x80, s14, s29, $0xb8;
	[tilespmem:$0x1F000] =	vst v63  }
0x15f: {  	_ =	swait.ge [sflag:s21], $0x4000  }
0x160: {  	[sflag:s21] =	ssyncset.done $0x0  }
0x161: {  	s14 =	sadd.s32 $0x14300, s13;
	[sflag:s21] =	ssyncadd.s32 $0xFFFFC000  }
0x162: {  	[tilespmem:s20], [sflag:$0x1] =	stream.indirect.gather [hbm4b:s4+s29], $0x80, s14, s29, $0xb8;
	[tilespmem:$0x1F000] =	vst v63  }
0x163: {  	_ =	swait.ge [sflag:s30], $0x4000  }
0x164: {  	[sflag:s30] =	ssyncset.done $0x0  }
0x165: {  	s14 =	sor.u32 $0x16A80, s11;
	[sflag:s30] =	ssyncadd.s32 $0xFFFFC000  }
0x166: {  	[spmem:s2] =	stream.indirect.scatter.add.f32 [tilespmem:s31], [sflag:$0x4], $0x80, s14, s29, $0xb8;
	[tilespmem:$0x1F000] =	vst v63  }
0x167: {  	_ =	swait.ge [sflag:s21], $0x4000  }
0x168: {  	[sflag:s21] =	ssyncset.done $0x0  }
0x169: {  	s13 =	sadd.s32 $0x14380, s13;
	[sflag:s21] =	ssyncadd.s32 $0xFFFFC000  }
0x16a: {  	[tilespmem:s31], [sflag:$0x2] =	stream.indirect.gather [hbm4b:s4+s29], $0x80, s13, s29, $0xb8;
	[tilespmem:$0x1F000] =	vst v63  }
0x16b: {  	_ =	swait.ge [sflag:s28], $0x4000  }
0x16c: {  	[sflag:s28] =	ssyncset.done $0x0  }
0x16d: {  	s13 =	sor.u32 $0x16B00, s11;
	[sflag:s28] =	ssyncadd.s32 $0xFFFFC000  }
0x16e: {  	[spmem:s2] =	stream.indirect.scatter.add.f32 [tilespmem:s20], [sflag:$0x4], $0x80, s13, s29, $0xb8;
	[tilespmem:$0x1F000] =	vst v63  }
0x16f: {  	p2 =	sgt.u32 s7, $0x4D;
	_ =	swait.ge [sflag:s21], $0x4000  }
0x170: {  	s14 =	simm.s32 @!p2 $0x17000;
	s13 =	sshra.s32 @!p2 s10, $0x2;
	[sflag:s21] =	ssyncset.done $0x0  }
0x171: {  	s15 =	simm.s32 @!p2 $0x80;
	s13 =	sadd.s32 @!p2 $0x14400, s13;
	[sflag:s21] =	ssyncadd.s32 $0xFFFFC000  }
0x172: {  	[tilespmem:s14], [sflag:$0x1] =	stream.indirect.gather @!p2 [hbm4b:s4+s15], $0x80, s13, s15, $0xb8;
	[tilespmem:$0x1F000] =	vst v63  }
0x173: {  	_ =	swait.ge [sflag:s30], $0x4000  }
0x174: {  	s6 =	sadd.s32 $0x80, s6;
	s7 =	sadd.s32 $0x8, s7;
	[sflag:s30] =	ssyncset.done $0x0  }
.Ltmp6:
0x175: {  	s11 =	sadd.s32 $0x16B80, s11;
	[sflag:s30] =	ssyncadd.s32 $0xFFFFC000;
	(pc) =	sbr.rel @!p1 .LBB2_5-.Ltmp6, $4  }
0x176: {  	[spmem:s2] =	stream.indirect.scatter.add.f32 [tilespmem:s31], [sflag:$0x4], $0x80, s11, s29, $0xb8;
	[tilespmem:$0x1F000] =	vst v63  }
0x177: {  	s9 =	sadd.s32 $0x1, s9;
	p2 =	sgt.u32 s12, $0x4C;
	_ =	swait.ge [sflag:s21], $0x4000  }
0x178: {  	s11 =	sshra.s32 @!p2 s10, $0x2;
	s10 =	simm.s32 @!p2 $0x1B000;
	[sflag:s21] =	ssyncset.done $0x0  }
0x179: {  	s12 =	simm.s32 @!p2 $0x80;
	s11 =	sadd.s32 @!p2 $0x14480, s11;
	[sflag:s21] =	ssyncadd.s32 $0xFFFFC000  }
.Ltmp7:
0x17a: {  	_ = 	snop;
	(pc) =	sbr.rel .LBB2_6-.Ltmp7, $1  }
0x17b: {  	_ =	sdelay $0x3  }
.LBB2_11:
0x17c: {  	_ =	sfence.sel $0x180000  }
0x17d: {  	[bflag:$0x0] =	sbarrier.arrive $0xFFFF  }
0x17e: {  	_ =	strace $0x9000004D  }
0x17f: {  	s0 =	stileid.u32;
	[bflag:$0x2] =	sbarrier.arrive $0xFFFF  }
0x180: {  	p0 =	sne.s32 s0, $0x0;
	s0 =	rddreg [dreg:$0x2]  }
0x181: {  	s0 =	sadd.s32 @!p0 $0x100000, s0  }
0x182: {  	[sflag:s0] =	ssyncadd.tile.s32 @!p0 $0x1;
	_ =	shalt  }
.Lfunc_end2:
_tile_overlayer_lowered:
.L_overlay_start_2:
0x183: {  	(tag) =	ssettag $0x2  }
0x184: {  	s0 =	rddreg [dreg:$0x0];
	s2 =	stileid.u32  }
0x185: {  	s1 =	rddreg [dreg:$0x1];
	p0 =	sne.s32 s2, $0x0  }
0x186: {  	s3 =	rddreg [dreg:$0x2];
	[bflag:$0x3] =	sbarrier.arrive $0xFFFF;
	s2 =	simm.s32 @!p0 $0x1C04  }
0x187: {  	[timem:s3], [sflag:s2] =	dma.local @!p0 [hbm:s0], s1  }
0x188: {  	s0 =	simm.s32 @!p0 $0x4  }
0x189: {  	_ =	swait.ge @!p0 [sflag:s0], s1  }
0x18a: {  	s1 =	ssub.s32 @!p0 $0x0, s1;
	[sflag:s0] =	ssyncset.done @!p0 $0x0  }
0x18b: {  	[sflag:s0] =	ssyncadd.s32 @!p0 s1  }
0x18c: {  	[bflag:$0x3] =	sbarrier.arrive $0xFFFF  }
0x18d: {  	_ =	shalt  }

// kernel: kernel.13.cloned.1.call-start
scs
__scs_entry_jumppad:
0x0: {  	(pc) =	sbr.rel $0x88, $3  }
0x1: {  	(tag) =	ssettag $0x0;
	lr =	simm.s32 $0x1  }
0x2: {  	[smem:$0x3F99] =	sst lr;
	_ =	strace $0xD0000000  }
0x3: {  	_ = 	snop  }
0x4: {  	_ = 	snop  }
0x5: {  	_ = 	snop  }
0x6: {  	_ = 	snop  }
0x7: {  	_ = 	snop  }
__scs_overlays_trampoline_lowered:
0x8: {  	[smem:$0x3FA8] =	sst s0  }
0x9: {  	[smem:$0x3FA9] =	sst s1  }
0xa: {  	[smem:$0x3FAA] =	sst s2  }
0xb: {  	[smem:$0x3FAB] =	sst s3  }
0xc: {  	[smem:$0x3FAC] =	sst s4  }
0xd: {  	[smem:$0x3FAD] =	sst s5  }
0xe: {  	[smem:$0x3FAE] =	sst s6  }
0xf: {  	[smem:$0x3FAF] =	sst s7  }
0x10: {  	[smem:$0x3FB0] =	sst s8  }
0x11: {  	[smem:$0x3FB1] =	sst s9;
	s0 =	simm.s32 @!p0 $0x0  }
0x12: {  	s1 =	sld [smem:$0x3F97];
	s0 =	simm.s32 @p0 $0x1  }
0x13: {  	[smem:$0x3FB2] =	sst s0;
	s0 =	simm.s32 @!p1 $0x0  }
0x14: {  	s2 =	sld [smem:$0x3F96];
	s0 =	simm.s32 @p1 $0x1  }
0x15: {  	[smem:$0x3FB3] =	sst s0;
	s0 =	simm.s32 @!p2 $0x0  }
0x16: {  	s3 =	sld [smem:$0x3FDB];
	s0 =	simm.s32 @p2 $0x1  }
0x17: {  	s4 =	simm.s32 $0x1BF5;
	[smem:$0x3FB5] =	sst s0  }
0x18: {  	s0 =	sld [smem:$0x3F98];
	_ =	swait.ge [sflag:s4], $0x0  }
0x19: {  	s7 =	sld [smem:$0x3F99]  }
0x1a: {  	s8 =	sadd.s32 $0xFFFFE003, lr  }
0x1b: {  	s9 =	sadd.s32 $0xFFFFFEF7, lr;
	s5 =	simm.s32 $0xFFFFFFFF;
	p2 =	slt.u32 s8, $0xFFFFF086  }
0x1c: {  	p1 =	slt.u32 s9, $0xF7A;
	s5 =	simm.s32 @!p2 $0x0  }
0x1d: {  	s5 =	simm.s32 @p1 $0x1;
	p0 =	seq.s32 s7, s2  }
0x1e: {  	s7 =	smul.u32 @!p0 $0xF7A, s2;
	p2 =	seq.s32 @!p0 s5, $0x0  }
0x1f: {  	s9 =	smul.u32 $0xF7A, s1;
	s8 =	simm.s32 @!p0 $0x1BF5;
	p2 =	por !p2, p0  }
0x20: {  	[sflag:s8] =	ssyncset.s32 @!p0 $0xFFFFF086;
	s6 =	sadd.s32 @!p0 s3, s7;
	s7 =	simm.s32 @!p0 $0x108  }
0x21: {  	s3 =	sadd.s32 s3, s9;
	s6 =	sadd.s32 @!p0 $0x88, s6;
	s7 =	simm.s32 @p2 $0x1082  }
0x22: {  	[simem:s7], [sflag:s8] =	dma.local @!p0 [hbm:s6], $0xF7A  }
0x23: {  	s9 =	sor.u32 $0xD0000000, s2;
	s6 =	simm.s32 $0x108;
	_ =	swait.ge @!p0 [sflag:s8], $0x0  }
0x24: {  	s3 =	sadd.s32 $0x88, s3;
	s6 =	simm.s32 @!p1 $0x1082;
	[sflag:s4] =	ssyncset.s32 $0xFFFFF086  }
0x25: {  	[simem:s6], [sflag:s4] =	dma.local [hbm:s3], $0xF7A  }
0x26: {  	[smem:$0x3F99] =	sst s1;
	(tag) =	ssettag s2;
	_ =	strace s9  }
0x27: {  	s1 =	sld [smem:$0x3FA9]  }
0x28: {  	s2 =	sld [smem:$0x3FAA]  }
0x29: {  	s4 =	sld [smem:$0x3FAC]  }
0x2a: {  	p0 =	seq.s32 s5, $0x0;
	s5 =	sld [smem:$0x3FAD]  }
0x2b: {  	s6 =	sld [smem:$0x3FAE]  }
0x2c: {  	s7 =	sld [smem:$0x3FAF]  }
0x2d: {  	s3 =	simm.s32 $0x108;
	s8 =	sld [smem:$0x3FB0]  }
0x2e: {  	s3 =	simm.s32 @!p0 $0x1082;
	s9 =	sld [smem:$0x3FB1]  }
0x2f: {  	lr =	sadd.s32 s0, s3;
	s0 =	sld [smem:$0x3FA8]  }
0x30: {  	s3 =	sld [smem:$0x3FAB]  }
0x31: {  	[smem:$0x3FB4] =	sst s10  }
0x32: {  	s10 =	sld [smem:$0x3FB2];
	_ =	sdelay $0x3  }
0x33: {  	p0 =	seq.s32 s10, $0x1;
	s10 =	sld [smem:$0x3FB4];
	_ =	sdelay $0x3  }
0x34: {  	[smem:$0x3FB4] =	sst s10  }
0x35: {  	s10 =	sld [smem:$0x3FB3];
	_ =	sdelay $0x3  }
0x36: {  	p1 =	seq.s32 s10, $0x1;
	s10 =	sld [smem:$0x3FB4];
	_ =	sdelay $0x3  }
0x37: {  	[smem:$0x3FB4] =	sst s10  }
0x38: {  	s10 =	sld [smem:$0x3FB5]  }
0x39: {  	_ = 	snop;
	(pc) =	sbr.ind lr, $3  }
0x3a: {  	_ = 	snop  }
0x3b: {  	_ = 	snop  }
0x3c: {  	p2 =	seq.s32 s10, $0x1;
	s10 =	sld [smem:$0x3FB4]  }
0x3d: {  	_ =	shalt  }
0x3e: {  	_ =	shalt  }
0x3f: {  	_ =	shalt  }
0x40: {  	_ =	shalt  }
0x41: {  	_ =	shalt  }
0x42: {  	_ =	shalt  }
0x43: {  	_ =	shalt  }
0x44: {  	_ =	shalt  }
0x45: {  	_ =	shalt  }
0x46: {  	_ =	shalt  }
0x47: {  	_ =	shalt  }
0x48: {  	_ =	shalt  }
0x49: {  	_ =	shalt  }
0x4a: {  	_ =	shalt  }
0x4b: {  	_ =	shalt  }
0x4c: {  	_ =	shalt  }
0x4d: {  	_ =	shalt  }
0x4e: {  	_ =	shalt  }
0x4f: {  	_ =	shalt  }
0x50: {  	_ =	shalt  }
0x51: {  	_ =	shalt  }
0x52: {  	_ =	shalt  }
0x53: {  	_ =	shalt  }
0x54: {  	_ =	shalt  }
0x55: {  	_ =	shalt  }
0x56: {  	_ =	shalt  }
0x57: {  	_ =	shalt  }
0x58: {  	_ =	shalt  }
0x59: {  	_ =	shalt  }
0x5a: {  	_ =	shalt  }
0x5b: {  	_ =	shalt  }
0x5c: {  	_ =	shalt  }
0x5d: {  	_ =	shalt  }
0x5e: {  	_ =	shalt  }
0x5f: {  	_ =	shalt  }
0x60: {  	_ =	shalt  }
0x61: {  	_ =	shalt  }
0x62: {  	_ =	shalt  }
0x63: {  	_ =	shalt  }
0x64: {  	_ =	shalt  }
0x65: {  	_ =	shalt  }
0x66: {  	_ =	shalt  }
0x67: {  	_ =	shalt  }
0x68: {  	_ =	shalt  }
0x69: {  	_ =	shalt  }
0x6a: {  	_ =	shalt  }
0x6b: {  	_ =	shalt  }
0x6c: {  	_ =	shalt  }
0x6d: {  	_ =	shalt  }
0x6e: {  	_ =	shalt  }
0x6f: {  	_ =	shalt  }
0x70: {  	_ =	shalt  }
0x71: {  	_ =	shalt  }
0x72: {  	_ =	shalt  }
0x73: {  	_ =	shalt  }
0x74: {  	_ =	shalt  }
0x75: {  	_ =	shalt  }
0x76: {  	_ =	shalt  }
0x77: {  	_ =	shalt  }
0x78: {  	_ =	shalt  }
0x79: {  	_ =	shalt  }
0x7a: {  	_ =	shalt  }
0x7b: {  	_ =	shalt  }
0x7c: {  	_ =	shalt  }
0x7d: {  	_ =	shalt  }
0x7e: {  	_ =	shalt  }
0x7f: {  	_ =	shalt  }
0x80: {  	_ =	shalt  }
0x81: {  	_ =	shalt  }
0x82: {  	_ =	shalt  }
0x83: {  	_ =	shalt  }
0x84: {  	_ =	shalt  }
0x85: {  	_ =	shalt  }
0x86: {  	_ =	shalt  }
0x87: {  	_ =	shalt  }
.Lfunc_end0:
.L_simem_size_0:
called_computation.2_lowered:
.L_overlay_start_0:
0x88: {  	s2 =	sld [smem:$0x3FD9]  }
0x89: {  	s3 =	sld [smem:$0x3FFE];
	_ =	sdelay $0x1  }
0x8a: {  	s1 =	srdreg.scid  }
0x8b: {  	s0 =	sand.u32 $0x1, s1  }
0x8c: {  	s17 =	sshll.u32 s0, $0xA;
	s2 =	sadd.s32 s3, s2  }
0x8d: {  	s2 =	sadd.s32 s2, s17  }
0x8e: {  	[smem:$0x3FC0] =	sst s2  }
0x8f: {  	_ = 	snop  }
0x90: {  	s2 =	sld [smem:$0x3FD0];
	(tm) =	ssettm $0x1  }
0x91: {  	s18 =	sld [smem:$0x3FFB];
	_ =	sdelay $0x3  }
0x92: {  	_ =	strace s18  }
0x93: {  	s3 =	sld [smem:$0x3FFC];
	_ =	sdelay $0x3  }
0x94: {  	_ =	strace s3  }
0x95: {  	s3 =	sld [smem:$0x3FFD];
	_ =	sdelay $0x3  }
0x96: {  	_ =	strace s3  }
0x97: {  	_ =	strace $0x8FFFFFFF  }
0x98: {  	s19 =	sld [smem:$0x3FDB];
	_ =	sdelay $0x1  }
0x99: {  	s4 =	simm.s32 $_scs_section_size  }
0x9a: {  	s5 =	simm.s32 $_size__tile_overlayer_lowered;
	s6 =	simm.s32 $_tile_overlayer_lowered  }
0x9b: {  	s22 =	simm.s32 $0x1BFF;
	s21 =	sshll.u32 s6, $0x1;
	s3 =	sadd.s32 s4, s19  }
0x9c: {  	s7 =	simm.s32 $0x0;
	s20 =	sshll.u32 s5, $0x1;
	s5 =	sadd.s32 s21, s3  }
0x9d: {  	[timem:s7], [sflag:s22] =	dma.local [hbm:s5], s20  }
0x9e: {  	_ =	swait.ge [sflag:s22], s20  }
0x9f: {  	s4 =	ssub.s32 $0x0, s20;
	[sflag:s22] =	ssyncset.done $0x0  }
0xa0: {  	[sflag:s22] =	ssyncadd.s32 s4;
	_ =	sdelay $0x1  }
0xa1: {  	s23 =	simm.s32 $0x1B8B  }
0xa2: {  	_ =	swait.ge [sflag:s23], $0x1  }
0xa3: {  	[sflag:s23] =	ssyncset.done $0x0  }
0xa4: {  	s25 =	simm.s32 $0x1B8E;
	s24 =	sld [smem:$0x3FFE];
	[sflag:s23] =	ssyncadd.s32 $0xFFFFFFFF  }
0xa5: {  	s26 =	simm.s32 $execute0_lowered;
	[smem:$0x3FD2] =	sst s25  }
0xa6: {  	s5 =	sshll.u32 s26, $0x1;
	_ =	strace $0x80000049;
	[dreg:$0x1] =	wrdreg $0xFFFFFFFF  }
0xa7: {  	s28 =	simm.s32 $_size_execute0_lowered;
	s3 =	sadd.s32 s3, s5;
	[dreg:$0x0] =	wrdreg $0x0  }
0xa8: {  	s5 =	sshll.u32 s28, $0x1;
	[dreg:$0x2] =	wrdreg s3  }
0xa9: {  	[dreg:$0x3] =	wrdreg s5  }
0xaa: {  	[dreg:$0x4] =	wrdreg $0xC0  }
0xab: {  	_ =	task [dreg:s7], $0x5FFFF  }
0xac: {  	[dreg:$0x1] =	wrdreg $0xFFFFFFFF  }
0xad: {  	[dreg:$0x0] =	wrdreg $0x60  }
0xae: {  	[dreg:$0x2] =	wrdreg s24  }
0xaf: {  	[dreg:$0x3] =	wrdreg s2  }
0xb0: {  	[dreg:$0x4] =	wrdreg $0x0  }
0xb1: {  	[dreg:$0x5] =	wrdreg $0xA  }
0xb2: {  	_ =	task.clear_ibuf [dreg:s7], $0x6FFFF;
	_ =	strace $0x90000049  }
0xb3: {  	s29 =	simm.s32 $0xA;
	_ =	strace $0x8000004B  }
0xb4: {  	_ =	swait.ge [sflag:s29], $0x1  }
0xb5: {  	[sflag:s29] =	ssyncadd.s32 $0xFFFFFFFF  }
0xb6: {  	_ =	strace $0x9000004B  }
0xb7: {  	_ =	sfence  }
0xb8: {  	s30 =	sld [smem:$0x0];
	_ =	sdelay $0x2  }
0xb9: {  	s31 =	sshll.u32 s1, $0xD;
	s1 =	sshrl.u32 s1, $0x2  }
0xba: {  	s3 =	sand.u32 $0x4000, s31;
	s1 =	sadd.s32 s1, s30  }
0xbb: {  	s0 =	sor.u32 s3, s0;
	s1 =	sshll.u32 s1, $0x11  }
0xbc: {  	s0 =	sor.u32 s1, s0  }
0xbd: {  	s0 =	sadd.s32 $0x8F2B, s0  }
0xbe: {  	[sflag:s0] =	ssyncadd.remote.s32 $0x1  }
0xbf: {  	_ =	sfence.sel $0xFFFF  }
0xc0: {  	[dreg:$0x0] =	wrdreg $0xFFFFFFFF;
	(pc) =	sbr.abs _section_cstart, $3  }
0xc1: {  	[dreg:$0x1] =	wrdreg $0xFFFFFFFF  }
0xc2: {  	_ =	task.clear_ibuf [dreg:s7], $0x2FFFF;
	_ =	strace $0x9FFFFFFF  }
0xc3: {  	(tm) =	ssettm $0x7FFFFFFF  }
tec
execute0_lowered:
.L_overlay_start_1:
0x0: {  	(tag) =	ssettag $0x1  }
0x1: {  	s0 =	rddreg [dreg:$0x0]  }
0x2: {  	s1 =	rddreg [dreg:$0x1];
	s3 =	srdreg.scid  }
0x3: {  	s12 =	stileid.u32;
	s2 =	rddreg [dreg:$0x2];
	s28 =	simm.s32 $0x8800  }
0x4: {  	s29 =	simm.s32 $0x5;
	s30 =	simm.s32 $0x5000;
	s31 =	simm.s32 $0xB000  }
0x5: {  	s7 =	sand.u32 $0x1, s3;
	s4 =	sshll.u32 s12, $0x1;
	s9 =	smul.u32 $0x14000, s12  }
0x6: {  	s3 =	simm.s32 $0x0;
	s6 =	sadd.s32 $0xAB400, s0;
	s12 =	smul.u32 $0x5000, s12  }
0x7: {  	s8 =	sor.u32 s7, s4;
	[smem:$0x7FF] =	sst s3;
	s11 =	smul.u32 $0x50000, s7  }
0x8: {  	s19 =	ssub.s32 $0x2, s7;
	s4 =	smul.u32 $0x280, s8;
	_ =	strace $0x8000004A  }
0x9: {  	s5 =	smul.u32 $0x28, s8;
	s20 =	sshrl.u32 s19, $0x1;
	s9 =	sshrl.u32 s9, $0x2  }
0xa: {  	s8 =	smul.u32 $0x2800, s8;
	s26 =	sadd.s32 $0x1000, s12;
	s18 =	sadd.s32 $0x2000, s12  }
0xb: {  	s13 =	sadd.s32 $0x4000, s12;
	s7 =	sadd.s32 s9, s2;
	s23 =	sadd.s32 s11, s12  }
0xc: {  	s14 =	sadd.s32 s11, s26;
	s9 =	simm.s32 $0x3;
	s10 =	sadd.s32 s4, s0  }
0xd: {  	s4 =	sadd.s32 $0xB400, s0;
	s0 =	ssub.s32 s19, s20;
	s25 =	sshrl.u32 s23, $0x3  }
0xe: {  	s15 =	sadd.s32 $0x1000, s7;
	s16 =	sshrl.u32 s14, $0x3;
	s17 =	sadd.s32 $0x2000, s7  }
0xf: {  	s19 =	sadd.s32 s11, s18;
	s20 =	sadd.s32 $0x3000, s12;
	[dreg:$0xa] =	wrdreg s15  }
0x10: {  	s23 =	sadd.s32 s12, s2;
	s21 =	sadd.s32 $0x6400, s10;
	[dreg:$0xb] =	wrdreg s17  }
0x11: {  	s12 =	simm.s32 $0x4;
	s22 =	sadd.s32 $0x1400, s10;
	[dreg:$0x4] =	wrdreg s21  }
0x12: {  	s24 =	sadd.s32 s4, s8;
	s8 =	sadd.s32 s1, s25;
	[dreg:$0x5] =	wrdreg s22  }
0x13: {  	s0 =	smax.u32 s0, $0x1;
	s14 =	sadd.s32 s11, s20;
	[dreg:$0x6] =	wrdreg s24  }
0x14: {  	s11 =	sadd.s32 s11, s13;
	s25 =	sadd.s32 s20, s2;
	[dreg:$0x8] =	wrdreg s8  }
0x15: {  	s10 =	sadd.s32 $0x100, s24;
	[dreg:$0x9] =	wrdreg s0;
	s0 =	sadd.s32 s1, s16  }
0x16: {  	s8 =	sshrl.u32 s19, $0x3;
	s21 =	sshrl.u32 s14, $0x3;
	s11 =	sshrl.u32 s11, $0x3  }
0x17: {  	s22 =	sadd.s32 $0x3000, s7;
	s24 =	sadd.s32 s26, s2;
	[dreg:$0x7] =	wrdreg s10  }
0x18: {  	s26 =	sadd.s32 s13, s2;
	s13 =	simm.s32 $0x9800;
	[dreg:$0xc] =	wrdreg s0  }
0x19: {  	s14 =	simm.s32 $0x0;
	s8 =	sadd.s32 s1, s8;
	[dreg:$0x10] =	wrdreg s22  }
0x1a: {  	s0 =	sadd.s32 s18, s2;
	s22 =	sshrl.u32 s24, $0x3;
	s24 =	sshrl.u32 s25, $0x3  }
.Ltmp0:
0x1b: {  	[dreg:$0xd] =	wrdreg s8;
	s8 =	sadd.s32 s1, s21;
	(pc) =	sbr.rel .LBB2_1-.Ltmp0, $4  }
0x1c: {  	s25 =	sshrl.u32 s26, $0x3;
	s1 =	sadd.s32 s1, s11;
	[dreg:$0xe] =	wrdreg s8  }
0x1d: {  	s26 =	sadd.s32 $0x4000, s7;
	s11 =	simm.s32 $0x2;
	[dreg:$0xf] =	wrdreg s1  }
0x1e: {  	s1 =	sshrl.u32 s23, $0x3;
	s23 =	sshrl.u32 s0, $0x3;
	s0 =	simm.s32 $0x80  }
0x1f: {  	v0 =	vimm.f32 $0.0e+00;
	s8 =	simm.s32 $0x1;
	[dreg:$0x11] =	wrdreg s1;
	s1 =	simm.s32 $0x8000  }
.LBB2_10:
0x20: {  	s10 =	stileid.u32;
	[bflag:$0x0] =	sbarrier.arrive $0xFFFF  }
0x21: {  	s10 =	sshll.u32 s10, $0x6;
	s15 =	rddreg [dreg:$0x8]  }
0x22: {  	s16 =	rddreg [dreg:$0x11];
	s10 =	sor.u32 $0x1C05, s10  }
0x23: {  	[hbm:s15], [sflag:s10] =	dma.local [spmem:s16], $0x200  }
0x24: {  	_ =	swait.ge [sflag:s29], $0x200  }
0x25: {  	[sflag:s29] =	ssyncset.done $0x0  }
0x26: {  	s17 =	rddreg [dreg:$0xc];
	[sflag:s29] =	ssyncadd.s32 $0xFFFFFE00  }
0x27: {  	[hbm:s17], [sflag:s10] =	dma.local [spmem:s22], $0x200  }
0x28: {  	_ =	swait.ge [sflag:s29], $0x200  }
0x29: {  	[sflag:s29] =	ssyncset.done $0x0  }
0x2a: {  	s18 =	rddreg [dreg:$0xd];
	[sflag:s29] =	ssyncadd.s32 $0xFFFFFE00  }
0x2b: {  	[hbm:s18], [sflag:s10] =	dma.local [spmem:s23], $0x200  }
0x2c: {  	_ =	swait.ge [sflag:s29], $0x200  }
0x2d: {  	[sflag:s29] =	ssyncset.done $0x0  }
0x2e: {  	s19 =	rddreg [dreg:$0xe];
	[sflag:s29] =	ssyncadd.s32 $0xFFFFFE00  }
0x2f: {  	[hbm:s19], [sflag:s10] =	dma.local [spmem:s24], $0x200  }
0x30: {  	_ =	swait.ge [sflag:s29], $0x200  }
0x31: {  	[sflag:s29] =	ssyncset.done $0x0  }
0x32: {  	s20 =	rddreg [dreg:$0xf];
	[sflag:s29] =	ssyncadd.s32 $0xFFFFFE00  }
0x33: {  	[hbm:s20], [sflag:s10] =	dma.local [spmem:s25], $0x200  }
0x34: {  	_ =	swait.ge [sflag:s29], $0x200  }
0x35: {  	s14 =	sadd.s32 $0x1, s14;
	s21 =	rddreg [dreg:$0x9]  }
0x36: {  	p0 =	sne.s32 s14, s21  }
.Ltmp1:
0x37: {  	_ = 	snop;
	(pc) =	sbr.rel @!p0 .LBB2_11-.Ltmp1, $3  }
0x38: {  	_ =	sdelay $0x1  }
0x39: {  	[sflag:s29] =	ssyncset.done $0x0  }
0x3a: {  	[sflag:s29] =	ssyncadd.s32 $0xFFFFFE00  }
.LBB2_1:
0x3b: {  	s10 =	simm.s32 $0x80;
	s15 =	simm.s32 $0x0  }
.LBB2_2:
0x3c: {  	p0 =	sne.s32 s10, $0x3F80;
	[tilespmem:s15+$0x8800] =	vst v0;
	s16 =	smov.u32 s10;
	s10 =	sadd.s32 $0x80, s10  }
.Ltmp2:
0x3d: {  	[tilespmem:s15+$0x8810] =	vst v0;
	(pc) =	sbr.rel @p0 .LBB2_2-.Ltmp2, $2  }
0x3e: {  	_ =	sdelay $0x2  }
0x3f: {  	s15 =	sshra.s32 s16, $0x2  }
0x40: {  	[tilespmem:s15+$0x8800] =	vst v0  }
0x41: {  	[tilespmem:s15+$0x8810] =	vst v0  }
0x42: {  	[spmem:s7] =	stream.linear.scatter [tilespmem:s28], [sflag:$0x5], $0x1000, $0x38;
	[tilespmem:$0xB800] =	vst v63  }
0x43: {  	_ =	swait.ge [sflag:s29], $0x1000  }
0x44: {  	[sflag:s29] =	ssyncset.done $0x0  }
0x45: {  	s10 =	rddreg [dreg:$0xa];
	[sflag:s29] =	ssyncadd.s32 $0xFFFFF000  }
0x46: {  	[spmem:s10] =	stream.linear.scatter [tilespmem:s28], [sflag:$0x5], $0x1000, $0x38;
	[tilespmem:$0xB800] =	vst v63  }
0x47: {  	_ =	swait.ge [sflag:s29], $0x1000  }
0x48: {  	[sflag:s29] =	ssyncset.done $0x0  }
0x49: {  	s18 =	rddreg [dreg:$0xb];
	[sflag:s29] =	ssyncadd.s32 $0xFFFFF000  }
0x4a: {  	[spmem:s18] =	stream.linear.scatter [tilespmem:s28], [sflag:$0x5], $0x1000, $0x38;
	[tilespmem:$0xB800] =	vst v63  }
0x4b: {  	_ =	swait.ge [sflag:s29], $0x1000  }
0x4c: {  	[sflag:s29] =	ssyncset.done $0x0  }
0x4d: {  	s19 =	rddreg [dreg:$0x10];
	[sflag:s29] =	ssyncadd.s32 $0xFFFFF000  }
0x4e: {  	[spmem:s19] =	stream.linear.scatter [tilespmem:s28], [sflag:$0x5], $0x1000, $0x38;
	[tilespmem:$0xB800] =	vst v63  }
0x4f: {  	_ =	swait.ge [sflag:s29], $0x1000  }
0x50: {  	[sflag:s29] =	ssyncset.done $0x0  }
0x51: {  	[sflag:s29] =	ssyncadd.s32 $0xFFFFF000  }
0x52: {  	[spmem:s26] =	stream.linear.scatter [tilespmem:s28], [sflag:$0x5], $0x1000, $0x38;
	[tilespmem:$0xB800] =	vst v63  }
0x53: {  	_ =	swait.ge [sflag:s29], $0x1000  }
0x54: {  	[sflag:s29] =	ssyncset.done $0x0  }
0x55: {  	s15 =	simm.s32 $0x0;
	s20 =	rddreg [dreg:$0x4];
	[sflag:s29] =	ssyncadd.s32 $0xFFFFF000  }
0x56: {  	[tilespmem:s30], [sflag:$0x5] =	stream.linear.gather [hbm4b:s20+s15], $0x1400, $0x38;
	[tilespmem:$0xB800] =	vst v63  }
0x57: {  	_ =	swait.ge [sflag:s29], $0x1400  }
0x58: {  	[sflag:s29] =	ssyncset.done $0x0  }
0x59: {  	s16 =	simm.s32 $0x6400;
	s21 =	rddreg [dreg:$0x5];
	[sflag:s29] =	ssyncadd.s32 $0xFFFFEC00  }
0x5a: {  	[tilespmem:s16], [sflag:$0x5] =	stream.linear.gather [hbm4b:s21+s15], $0x1400, $0x38;
	[tilespmem:$0xB800] =	vst v63  }
0x5b: {  	_ =	swait.ge [sflag:s29], $0x1400  }
0x5c: {  	[sflag:s29] =	ssyncset.done $0x0  }
0x5d: {  	[sflag:s29] =	ssyncadd.s32 $0xFFFFEC00  }
0x5e: {  	[bflag:$0x0] =	sbarrier.arrive $0xFFFF  }
0x5f: {  	s18 =	simm.s32 $0x7800;
	s17 =	rddreg [dreg:$0x6]  }
0x60: {  	[tilespmem:s18], [sflag:$0x1] =	stream.linear.gather [hbm4b:s17+s15], $0x800, $0x38;
	[tilespmem:$0xB800] =	vst v63  }
0x61: {  	s19 =	simm.s32 $0xA800  }
0x62: {  	[tilespmem:s19], [sflag:$0x3] =	stream.indirect.gather [hbm4b:s6+s0], $0x10, s30, s0, $0xb8;
	[tilespmem:$0xB800] =	vst v63  }
0x63: {  	s20 =	rddreg [dreg:$0x7]  }
0x64: {  	[tilespmem:s1], [sflag:$0x2] =	stream.linear.gather [hbm4b:s20+s15], $0x800, $0x38;
	[tilespmem:$0xB800] =	vst v63  }
0x65: {  	s21 =	simm.s32 $0x5080  }
0x66: {  	[tilespmem:s31], [sflag:$0x4] =	stream.indirect.gather [hbm4b:s6+s0], $0x10, s21, s0, $0xb8;
	[tilespmem:$0xB800] =	vst v63  }
.LBB2_4:
0x67: {  	_ =	swait.ge [sflag:s8], $0x800  }
0x68: {  	[sflag:s8] =	ssyncset.done $0x0  }
0x69: {  	[sflag:s8] =	ssyncadd.s32 $0xFFFFF800  }
0x6a: {  	_ =	swait.ge [sflag:s9], $0x800  }
0x6b: {  	[sflag:s9] =	ssyncset.done $0x0  }
0x6c: {  	s17 =	simm.s32 $0xA820;
	[sflag:s9] =	ssyncadd.s32 $0xFFFFF800  }
0x6d: {  	s10 =	simm.s32 $0x7820;
	v1 =	vld [tilespmem:s17+$0xFFFFFFE0]  }
0x6e: {  	v2 =	vld [tilespmem:s10+$0xFFFFFFE0];
	_ =	sdelay $0x4  }
0x6f: {  	s16 =	simm.s32 $0x8840;
	v2 =	vmul.f32 v2, v1  }
0x70: {  	[tilespmem:s16+$0xFFFFFFD0] =	vst v1  }
0x71: {  	[tilespmem:s16+$0xFFFFFFC0] =	vst v2  }
0x72: {  	v1 =	vld [tilespmem:s17+$0xFFFFFFF0]  }
0x73: {  	v2 =	vld [tilespmem:s10+$0xFFFFFFF0];
	_ =	sdelay $0x4  }
0x74: {  	v2 =	vmul.f32 v2, v1  }
0x75: {  	[tilespmem:s16+$0xFFFFFFF0] =	vst v1  }
0x76: {  	[tilespmem:s16+$0xFFFFFFE0] =	vst v2  }
0x77: {  	v1 =	vld [tilespmem:s17+$0x0]  }
0x78: {  	v2 =	vld [tilespmem:s10+$0x0];
	_ =	sdelay $0x4  }
0x79: {  	v2 =	vmul.f32 v2, v1  }
0x7a: {  	[tilespmem:s16+$0x10] =	vst v1  }
0x7b: {  	[tilespmem:s16+$0x0] =	vst v2  }
0x7c: {  	v1 =	vld [tilespmem:s17+$0x10]  }
0x7d: {  	v2 =	vld [tilespmem:s10+$0x10];
	_ =	sdelay $0x2  }
0x7e: {  	s18 =	simm.s32 $0xA860;
	s19 =	simm.s32 $0x8840;
	s17 =	simm.s32 $0x0  }
.LBB2_5:
0x7f: {  	s17 =	sadd.s32 $0x4, s17;
	[tilespmem:s16+$0x30] =	vst v1;
	s10 =	sadd.s32 $0x40, s10;
	s19 =	sadd.s32 $0x80, s19  }
0x80: {  	p0 =	slt.u32 s17, $0x7C;
	v1 =	vmul.f32 v2, v1;
	_ =	sdelay $0x1  }
0x81: {  	[tilespmem:s16+$0x20] =	vst v1;
	s16 =	smov.u32 s19  }
0x82: {  	v1 =	vld [tilespmem:s18+$0xFFFFFFE0]  }
0x83: {  	v2 =	vld [tilespmem:s10+$0xFFFFFFE0];
	_ =	sdelay $0x4  }
0x84: {  	v2 =	vmul.f32 v2, v1  }
0x85: {  	[tilespmem:s19+$0xFFFFFFD0] =	vst v1  }
0x86: {  	[tilespmem:s19+$0xFFFFFFC0] =	vst v2  }
0x87: {  	v1 =	vld [tilespmem:s18+$0xFFFFFFF0]  }
0x88: {  	v2 =	vld [tilespmem:s10+$0xFFFFFFF0];
	_ =	sdelay $0x3  }
0x89: {  	[tilespmem:s19+$0xFFFFFFF0] =	vst v1  }
0x8a: {  	v1 =	vmul.f32 v2, v1;
	_ =	sdelay $0x1  }
0x8b: {  	[tilespmem:s19+$0xFFFFFFE0] =	vst v1  }
0x8c: {  	v1 =	vld [tilespmem:s18+$0x0]  }
0x8d: {  	v2 =	vld [tilespmem:s10+$0x0];
	_ =	sdelay $0x3  }
0x8e: {  	[tilespmem:s19+$0x10] =	vst v1  }
0x8f: {  	v1 =	vmul.f32 v2, v1;
	_ =	sdelay $0x1  }
0x90: {  	[tilespmem:s19+$0x0] =	vst v1  }
.Ltmp3:
0x91: {  	v1 =	vld [tilespmem:s18+$0x10];
	(pc) =	sbr.rel @p0 .LBB2_5-.Ltmp3, $2  }
0x92: {  	v2 =	vld [tilespmem:s10+$0x10];
	_ =	sdelay $0x2  }
0x93: {  	s18 =	sadd.s32 $0x40, s18  }
0x94: {  	_ = 	snop  }
0x95: {  	s10 =	sshll.u32 s15, $0x8;
	v2 =	vmul.f32 v2, v1  }
0x96: {  	[tilespmem:s16+$0x30] =	vst v1;
	s10 =	sand.u32 $0x3FFFFF00, s10  }
0x97: {  	p0 =	seq.s32 s15, $0x13;
	s20 =	sadd.s32 $0x6400, s10;
	[tilespmem:s16+$0x20] =	vst v2;
	s16 =	sshll.u32 s15, $0x1  }
0x98: {  	[spmem:s2] =	stream.indirect.scatter.add.f32 [tilespmem:s28], [sflag:$0x5], $0x20, s20, s0, $0xb8;
	[tilespmem:$0xB800] =	vst v63  }
0x99: {  	s17 =	sadd.s32 @!p0 $0x2, s16  }
0x9a: {  	s19 =	simm.s32 @!p0 $0x0;
	s18 =	sadd.s32 @!p0 s5, s17  }
0x9b: {  	s20 =	simm.s32 @!p0 $0x7800;
	_ =	swait.ge [sflag:s29], $0x1000;
	s18 =	sshll.u32 @!p0 s18, $0x8  }
0x9c: {  	s17 =	sshll.u32 @!p0 s17, $0x7;
	[sflag:s29] =	ssyncset.done $0x0;
	s18 =	sand.u32 @!p0 $0x1FFFFE00, s18  }
0x9d: {  	s17 =	sand.u32 @!p0 $0x3FFFFF80, s17;
	[sflag:s29] =	ssyncadd.s32 $0xFFFFF000;
	s18 =	sadd.s32 @!p0 s4, s18  }
0x9e: {  	[tilespmem:s20], [sflag:$0x1] =	stream.linear.gather @!p0 [hbm4b:s18+s19], $0x800, $0x38;
	[tilespmem:$0xB800] =	vst v63  }
0x9f: {  	s17 =	sadd.s32 @!p0 $0x5000, s17;
	s18 =	simm.s32 @!p0 $0x80;
	s19 =	simm.s32 @!p0 $0xA800  }
0xa0: {  	[tilespmem:s19], [sflag:$0x3] =	stream.indirect.gather @!p0 [hbm4b:s6+s18], $0x10, s17, s18, $0xb8;
	[tilespmem:$0xB800] =	vst v63  }
0xa1: {  	_ =	swait.ge [sflag:s11], $0x800  }
0xa2: {  	[sflag:s11] =	ssyncset.done $0x0  }
0xa3: {  	[sflag:s11] =	ssyncadd.s32 $0xFFFFF800  }
0xa4: {  	_ =	swait.ge [sflag:s12], $0x800  }
0xa5: {  	[sflag:s12] =	ssyncset.done $0x0  }
0xa6: {  	s21 =	simm.s32 $0xB020;
	[sflag:s12] =	ssyncadd.s32 $0xFFFFF800  }
0xa7: {  	s17 =	simm.s32 $0x8020;
	v1 =	vld [tilespmem:s21+$0xFFFFFFE0]  }
0xa8: {  	v2 =	vld [tilespmem:s17+$0xFFFFFFE0];
	_ =	sdelay $0x4  }
0xa9: {  	s18 =	simm.s32 $0x9840;
	v2 =	vmul.f32 v2, v1  }
0xaa: {  	[tilespmem:s18+$0xFFFFFFD0] =	vst v1  }
0xab: {  	[tilespmem:s18+$0xFFFFFFC0] =	vst v2  }
0xac: {  	v1 =	vld [tilespmem:s21+$0xFFFFFFF0]  }
0xad: {  	v2 =	vld [tilespmem:s17+$0xFFFFFFF0];
	_ =	sdelay $0x4  }
0xae: {  	v2 =	vmul.f32 v2, v1  }
0xaf: {  	[tilespmem:s18+$0xFFFFFFF0] =	vst v1  }
0xb0: {  	[tilespmem:s18+$0xFFFFFFE0] =	vst v2  }
0xb1: {  	v1 =	vld [tilespmem:s21+$0x0]  }
0xb2: {  	v2 =	vld [tilespmem:s17+$0x0];
	_ =	sdelay $0x4  }
0xb3: {  	v2 =	vmul.f32 v2, v1  }
0xb4: {  	[tilespmem:s18+$0x10] =	vst v1  }
0xb5: {  	[tilespmem:s18+$0x0] =	vst v2  }
0xb6: {  	v1 =	vld [tilespmem:s21+$0x10]  }
0xb7: {  	v2 =	vld [tilespmem:s17+$0x10];
	_ =	sdelay $0x2  }
0xb8: {  	s20 =	simm.s32 $0xB060;
	s19 =	simm.s32 $0x0;
	s21 =	simm.s32 $0x9840  }
.LBB2_7:
0xb9: {  	s19 =	sadd.s32 $0x4, s19;
	[tilespmem:s18+$0x30] =	vst v1;
	s17 =	sadd.s32 $0x40, s17;
	s21 =	sadd.s32 $0x80, s21  }
0xba: {  	p1 =	slt.u32 s19, $0x7C;
	v1 =	vmul.f32 v2, v1;
	_ =	sdelay $0x1  }
0xbb: {  	[tilespmem:s18+$0x20] =	vst v1;
	s18 =	smov.u32 s21  }
0xbc: {  	v1 =	vld [tilespmem:s20+$0xFFFFFFE0]  }
0xbd: {  	v2 =	vld [tilespmem:s17+$0xFFFFFFE0];
	_ =	sdelay $0x4  }
0xbe: {  	v2 =	vmul.f32 v2, v1  }
0xbf: {  	[tilespmem:s21+$0xFFFFFFD0] =	vst v1  }
0xc0: {  	[tilespmem:s21+$0xFFFFFFC0] =	vst v2  }
0xc1: {  	v1 =	vld [tilespmem:s20+$0xFFFFFFF0]  }
0xc2: {  	v2 =	vld [tilespmem:s17+$0xFFFFFFF0];
	_ =	sdelay $0x3  }
0xc3: {  	[tilespmem:s21+$0xFFFFFFF0] =	vst v1  }
0xc4: {  	v1 =	vmul.f32 v2, v1;
	_ =	sdelay $0x1  }
0xc5: {  	[tilespmem:s21+$0xFFFFFFE0] =	vst v1  }
0xc6: {  	v1 =	vld [tilespmem:s20+$0x0]  }
0xc7: {  	v2 =	vld [tilespmem:s17+$0x0];
	_ =	sdelay $0x3  }
0xc8: {  	[tilespmem:s21+$0x10] =	vst v1  }
0xc9: {  	v1 =	vmul.f32 v2, v1;
	_ =	sdelay $0x1  }
0xca: {  	[tilespmem:s21+$0x0] =	vst v1  }
.Ltmp4:
0xcb: {  	v1 =	vld [tilespmem:s20+$0x10];
	(pc) =	sbr.rel @p1 .LBB2_7-.Ltmp4, $2  }
0xcc: {  	v2 =	vld [tilespmem:s17+$0x10];
	_ =	sdelay $0x2  }
0xcd: {  	s20 =	sadd.s32 $0x40, s20  }
0xce: {  	_ = 	snop  }
0xcf: {  	v2 =	vmul.f32 v2, v1  }
0xd0: {  	[tilespmem:s18+$0x30] =	vst v1  }
.Ltmp5:
0xd1: {  	s10 =	sadd.s32 $0x6480, s10;
	[tilespmem:s18+$0x20] =	vst v2;
	(pc) =	sbr.rel @p0 .LBB2_10-.Ltmp5, $4  }
0xd2: {  	[spmem:s2] =	stream.indirect.scatter.add.f32 [tilespmem:s13], [sflag:$0x5], $0x20, s10, s0, $0xb8;
	[tilespmem:$0xB800] =	vst v63  }
0xd3: {  	_ =	swait.ge [sflag:s29], $0x1000  }
0xd4: {  	[sflag:s29] =	ssyncset.done $0x0  }
0xd5: {  	[sflag:s29] =	ssyncadd.s32 $0xFFFFF000  }
0xd6: {  	s10 =	sadd.s32 $0x3, s16  }
0xd7: {  	s16 =	sadd.s32 s5, s10  }
0xd8: {  	s16 =	sshll.u32 s16, $0x8  }
.Ltmp6:
0xd9: {  	s10 =	sshll.u32 s10, $0x7;
	s16 =	sand.u32 $0x1FFFFF00, s16;
	(pc) =	sbr.rel .LBB2_4-.Ltmp6, $4  }
0xda: {  	s10 =	sand.u32 $0x3FFFFF80, s10;
	s16 =	sadd.s32 s4, s16  }
0xdb: {  	[tilespmem:s1], [sflag:$0x2] =	stream.linear.gather [hbm4b:s16+s3], $0x800, $0x38;
	[tilespmem:$0xB800] =	vst v63  }
0xdc: {  	s15 =	sadd.s32 $0x1, s15;
	s10 =	sadd.s32 $0x5000, s10  }
0xdd: {  	[tilespmem:s31], [sflag:$0x4] =	stream.indirect.gather [hbm4b:s6+s0], $0x10, s10, s0, $0xb8;
	[tilespmem:$0xB800] =	vst v63  }
.LBB2_11:
0xde: {  	_ =	sfence.sel $0x180000  }
0xdf: {  	[bflag:$0x0] =	sbarrier.arrive $0xFFFF  }
0xe0: {  	_ =	strace $0x9000004A  }
0xe1: {  	s0 =	stileid.u32;
	[bflag:$0x2] =	sbarrier.arrive $0xFFFF  }
0xe2: {  	p0 =	sne.s32 s0, $0x0;
	s0 =	rddreg [dreg:$0x3]  }
0xe3: {  	s0 =	sadd.s32 @!p0 $0x100000, s0  }
0xe4: {  	[sflag:s0] =	ssyncadd.tile.s32 @!p0 $0x1;
	_ =	shalt  }
.Lfunc_end2:
_tile_overlayer_lowered:
.L_overlay_start_2:
0xe5: {  	(tag) =	ssettag $0x2  }
0xe6: {  	s0 =	rddreg [dreg:$0x0];
	s2 =	stileid.u32  }
0xe7: {  	s1 =	rddreg [dreg:$0x1];
	p0 =	sne.s32 s2, $0x0  }
0xe8: {  	s3 =	rddreg [dreg:$0x2];
	[bflag:$0x3] =	sbarrier.arrive $0xFFFF;
	s2 =	simm.s32 @!p0 $0x1C05  }
0xe9: {  	[timem:s3], [sflag:s2] =	dma.local @!p0 [hbm:s0], s1  }
0xea: {  	s0 =	simm.s32 @!p0 $0x5  }
0xeb: {  	_ =	swait.ge @!p0 [sflag:s0], s1  }
0xec: {  	s1 =	ssub.s32 @!p0 $0x0, s1;
	[sflag:s0] =	ssyncset.done @!p0 $0x0  }
0xed: {  	[sflag:s0] =	ssyncadd.s32 @!p0 s1  }
0xee: {  	[bflag:$0x3] =	sbarrier.arrive $0xFFFF  }
0xef: {  	_ =	shalt  }

// kernel: kernel.7.cloned.1.call-start
scs
__scs_entry_jumppad:
0x0: {  	(pc) =	sbr.rel $0x88, $3  }
0x1: {  	(tag) =	ssettag $0x0;
	lr =	simm.s32 $0x1  }
0x2: {  	[smem:$0x3F99] =	sst lr;
	_ =	strace $0xD0000000  }
0x3: {  	_ = 	snop  }
0x4: {  	_ = 	snop  }
0x5: {  	_ = 	snop  }
0x6: {  	_ = 	snop  }
0x7: {  	_ = 	snop  }
__scs_overlays_trampoline_lowered:
0x8: {  	[smem:$0x3FA8] =	sst s0  }
0x9: {  	[smem:$0x3FA9] =	sst s1  }
0xa: {  	[smem:$0x3FAA] =	sst s2  }
0xb: {  	[smem:$0x3FAB] =	sst s3  }
0xc: {  	[smem:$0x3FAC] =	sst s4  }
0xd: {  	[smem:$0x3FAD] =	sst s5  }
0xe: {  	[smem:$0x3FAE] =	sst s6  }
0xf: {  	[smem:$0x3FAF] =	sst s7  }
0x10: {  	[smem:$0x3FB0] =	sst s8  }
0x11: {  	[smem:$0x3FB1] =	sst s9;
	s0 =	simm.s32 @!p0 $0x0  }
0x12: {  	s1 =	sld [smem:$0x3F97];
	s0 =	simm.s32 @p0 $0x1  }
0x13: {  	[smem:$0x3FB2] =	sst s0;
	s0 =	simm.s32 @!p1 $0x0  }
0x14: {  	s2 =	sld [smem:$0x3F96];
	s0 =	simm.s32 @p1 $0x1  }
0x15: {  	[smem:$0x3FB3] =	sst s0;
	s0 =	simm.s32 @!p2 $0x0  }
0x16: {  	s3 =	sld [smem:$0x3FDB];
	s0 =	simm.s32 @p2 $0x1  }
0x17: {  	s4 =	simm.s32 $0x1BF5;
	[smem:$0x3FB5] =	sst s0  }
0x18: {  	s0 =	sld [smem:$0x3F98];
	_ =	swait.ge [sflag:s4], $0x0  }
0x19: {  	s7 =	sld [smem:$0x3F99]  }
0x1a: {  	s8 =	sadd.s32 $0xFFFFE003, lr  }
0x1b: {  	s9 =	sadd.s32 $0xFFFFFEF7, lr;
	s5 =	simm.s32 $0xFFFFFFFF;
	p2 =	slt.u32 s8, $0xFFFFF086  }
0x1c: {  	p1 =	slt.u32 s9, $0xF7A;
	s5 =	simm.s32 @!p2 $0x0  }
0x1d: {  	s5 =	simm.s32 @p1 $0x1;
	p0 =	seq.s32 s7, s2  }
0x1e: {  	s7 =	smul.u32 @!p0 $0xF7A, s2;
	p2 =	seq.s32 @!p0 s5, $0x0  }
0x1f: {  	s9 =	smul.u32 $0xF7A, s1;
	s8 =	simm.s32 @!p0 $0x1BF5;
	p2 =	por !p2, p0  }
0x20: {  	[sflag:s8] =	ssyncset.s32 @!p0 $0xFFFFF086;
	s6 =	sadd.s32 @!p0 s3, s7;
	s7 =	simm.s32 @!p0 $0x108  }
0x21: {  	s3 =	sadd.s32 s3, s9;
	s6 =	sadd.s32 @!p0 $0x88, s6;
	s7 =	simm.s32 @p2 $0x1082  }
0x22: {  	[simem:s7], [sflag:s8] =	dma.local @!p0 [hbm:s6], $0xF7A  }
0x23: {  	s9 =	sor.u32 $0xD0000000, s2;
	s6 =	simm.s32 $0x108;
	_ =	swait.ge @!p0 [sflag:s8], $0x0  }
0x24: {  	s3 =	sadd.s32 $0x88, s3;
	s6 =	simm.s32 @!p1 $0x1082;
	[sflag:s4] =	ssyncset.s32 $0xFFFFF086  }
0x25: {  	[simem:s6], [sflag:s4] =	dma.local [hbm:s3], $0xF7A  }
0x26: {  	[smem:$0x3F99] =	sst s1;
	(tag) =	ssettag s2;
	_ =	strace s9  }
0x27: {  	s1 =	sld [smem:$0x3FA9]  }
0x28: {  	s2 =	sld [smem:$0x3FAA]  }
0x29: {  	s4 =	sld [smem:$0x3FAC]  }
0x2a: {  	p0 =	seq.s32 s5, $0x0;
	s5 =	sld [smem:$0x3FAD]  }
0x2b: {  	s6 =	sld [smem:$0x3FAE]  }
0x2c: {  	s7 =	sld [smem:$0x3FAF]  }
0x2d: {  	s3 =	simm.s32 $0x108;
	s8 =	sld [smem:$0x3FB0]  }
0x2e: {  	s3 =	simm.s32 @!p0 $0x1082;
	s9 =	sld [smem:$0x3FB1]  }
0x2f: {  	lr =	sadd.s32 s0, s3;
	s0 =	sld [smem:$0x3FA8]  }
0x30: {  	s3 =	sld [smem:$0x3FAB]  }
0x31: {  	[smem:$0x3FB4] =	sst s10  }
0x32: {  	s10 =	sld [smem:$0x3FB2];
	_ =	sdelay $0x3  }
0x33: {  	p0 =	seq.s32 s10, $0x1;
	s10 =	sld [smem:$0x3FB4];
	_ =	sdelay $0x3  }
0x34: {  	[smem:$0x3FB4] =	sst s10  }
0x35: {  	s10 =	sld [smem:$0x3FB3];
	_ =	sdelay $0x3  }
0x36: {  	p1 =	seq.s32 s10, $0x1;
	s10 =	sld [smem:$0x3FB4];
	_ =	sdelay $0x3  }
0x37: {  	[smem:$0x3FB4] =	sst s10  }
0x38: {  	s10 =	sld [smem:$0x3FB5]  }
0x39: {  	_ = 	snop;
	(pc) =	sbr.ind lr, $3  }
0x3a: {  	_ = 	snop  }
0x3b: {  	_ = 	snop  }
0x3c: {  	p2 =	seq.s32 s10, $0x1;
	s10 =	sld [smem:$0x3FB4]  }
0x3d: {  	_ =	shalt  }
0x3e: {  	_ =	shalt  }
0x3f: {  	_ =	shalt  }
0x40: {  	_ =	shalt  }
0x41: {  	_ =	shalt  }
0x42: {  	_ =	shalt  }
0x43: {  	_ =	shalt  }
0x44: {  	_ =	shalt  }
0x45: {  	_ =	shalt  }
0x46: {  	_ =	shalt  }
0x47: {  	_ =	shalt  }
0x48: {  	_ =	shalt  }
0x49: {  	_ =	shalt  }
0x4a: {  	_ =	shalt  }
0x4b: {  	_ =	shalt  }
0x4c: {  	_ =	shalt  }
0x4d: {  	_ =	shalt  }
0x4e: {  	_ =	shalt  }
0x4f: {  	_ =	shalt  }
0x50: {  	_ =	shalt  }
0x51: {  	_ =	shalt  }
0x52: {  	_ =	shalt  }
0x53: {  	_ =	shalt  }
0x54: {  	_ =	shalt  }
0x55: {  	_ =	shalt  }
0x56: {  	_ =	shalt  }
0x57: {  	_ =	shalt  }
0x58: {  	_ =	shalt  }
0x59: {  	_ =	shalt  }
0x5a: {  	_ =	shalt  }
0x5b: {  	_ =	shalt  }
0x5c: {  	_ =	shalt  }
0x5d: {  	_ =	shalt  }
0x5e: {  	_ =	shalt  }
0x5f: {  	_ =	shalt  }
0x60: {  	_ =	shalt  }
0x61: {  	_ =	shalt  }
0x62: {  	_ =	shalt  }
0x63: {  	_ =	shalt  }
0x64: {  	_ =	shalt  }
0x65: {  	_ =	shalt  }
0x66: {  	_ =	shalt  }
0x67: {  	_ =	shalt  }
0x68: {  	_ =	shalt  }
0x69: {  	_ =	shalt  }
0x6a: {  	_ =	shalt  }
0x6b: {  	_ =	shalt  }
0x6c: {  	_ =	shalt  }
0x6d: {  	_ =	shalt  }
0x6e: {  	_ =	shalt  }
0x6f: {  	_ =	shalt  }
0x70: {  	_ =	shalt  }
0x71: {  	_ =	shalt  }
0x72: {  	_ =	shalt  }
0x73: {  	_ =	shalt  }
0x74: {  	_ =	shalt  }
0x75: {  	_ =	shalt  }
0x76: {  	_ =	shalt  }
0x77: {  	_ =	shalt  }
0x78: {  	_ =	shalt  }
0x79: {  	_ =	shalt  }
0x7a: {  	_ =	shalt  }
0x7b: {  	_ =	shalt  }
0x7c: {  	_ =	shalt  }
0x7d: {  	_ =	shalt  }
0x7e: {  	_ =	shalt  }
0x7f: {  	_ =	shalt  }
0x80: {  	_ =	shalt  }
0x81: {  	_ =	shalt  }
0x82: {  	_ =	shalt  }
0x83: {  	_ =	shalt  }
0x84: {  	_ =	shalt  }
0x85: {  	_ =	shalt  }
0x86: {  	_ =	shalt  }
0x87: {  	_ =	shalt  }
.Lfunc_end0:
.L_simem_size_0:
called_computation_lowered:
.L_overlay_start_0:
0x88: {  	s2 =	sld [smem:$0x3FD9]  }
0x89: {  	s3 =	sld [smem:$0x3FFE];
	_ =	sdelay $0x1  }
0x8a: {  	s1 =	srdreg.scid  }
0x8b: {  	s0 =	sand.u32 $0x1, s1  }
0x8c: {  	s17 =	sshll.u32 s0, $0xA;
	s2 =	sadd.s32 s3, s2  }
0x8d: {  	s2 =	sadd.s32 s2, s17  }
0x8e: {  	[smem:$0x3FC0] =	sst s2  }
0x8f: {  	_ = 	snop  }
0x90: {  	s2 =	sld [smem:$0x3FD0];
	(tm) =	ssettm $0x1  }
0x91: {  	s18 =	sld [smem:$0x3FFB];
	_ =	sdelay $0x3  }
0x92: {  	_ =	strace s18  }
0x93: {  	s3 =	sld [smem:$0x3FFC];
	_ =	sdelay $0x3  }
0x94: {  	_ =	strace s3  }
0x95: {  	s3 =	sld [smem:$0x3FFD];
	_ =	sdelay $0x3  }
0x96: {  	_ =	strace s3  }
0x97: {  	_ =	strace $0x8FFFFFFF  }
0x98: {  	s19 =	sld [smem:$0x3FDB];
	_ =	sdelay $0x1  }
0x99: {  	s4 =	simm.s32 $_scs_section_size  }
0x9a: {  	s5 =	simm.s32 $_size__tile_overlayer_lowered;
	s6 =	simm.s32 $_tile_overlayer_lowered  }
0x9b: {  	s22 =	simm.s32 $0x1BFF;
	s21 =	sshll.u32 s6, $0x1;
	s3 =	sadd.s32 s4, s19  }
0x9c: {  	s7 =	simm.s32 $0x0;
	s20 =	sshll.u32 s5, $0x1;
	s5 =	sadd.s32 s21, s3  }
0x9d: {  	[timem:s7], [sflag:s22] =	dma.local [hbm:s5], s20  }
0x9e: {  	_ =	swait.ge [sflag:s22], s20  }
0x9f: {  	s4 =	ssub.s32 $0x0, s20;
	[sflag:s22] =	ssyncset.done $0x0  }
0xa0: {  	[sflag:s22] =	ssyncadd.s32 s4;
	_ =	sdelay $0x1  }
0xa1: {  	s23 =	simm.s32 $0x1B8B  }
0xa2: {  	_ =	swait.ge [sflag:s23], $0x1  }
0xa3: {  	[sflag:s23] =	ssyncset.done $0x0  }
0xa4: {  	s25 =	simm.s32 $0x1B8E;
	s24 =	sld [smem:$0x3FFE];
	[sflag:s23] =	ssyncadd.s32 $0xFFFFFFFF  }
0xa5: {  	s26 =	simm.s32 $execute0_lowered;
	[smem:$0x3FD2] =	sst s25  }
0xa6: {  	s5 =	sshll.u32 s26, $0x1;
	_ =	strace $0x80000046;
	[dreg:$0x1] =	wrdreg $0xFFFFFFFF  }
0xa7: {  	s28 =	simm.s32 $_size_execute0_lowered;
	s3 =	sadd.s32 s3, s5;
	[dreg:$0x0] =	wrdreg $0x0  }
0xa8: {  	s5 =	sshll.u32 s28, $0x1;
	[dreg:$0x2] =	wrdreg s3  }
0xa9: {  	[dreg:$0x3] =	wrdreg s5  }
0xaa: {  	[dreg:$0x4] =	wrdreg $0xC0  }
0xab: {  	_ =	task [dreg:s7], $0x5FFFF  }
0xac: {  	[dreg:$0x1] =	wrdreg $0xFFFFFFFF  }
0xad: {  	[dreg:$0x0] =	wrdreg $0x60  }
0xae: {  	[dreg:$0x2] =	wrdreg s24  }
0xaf: {  	[dreg:$0x3] =	wrdreg s2  }
0xb0: {  	[dreg:$0x4] =	wrdreg $0x0  }
0xb1: {  	[dreg:$0x5] =	wrdreg $0x9  }
0xb2: {  	_ =	task.clear_ibuf [dreg:s7], $0x6FFFF;
	_ =	strace $0x90000046  }
0xb3: {  	s29 =	simm.s32 $0x9;
	_ =	strace $0x80000048  }
0xb4: {  	_ =	swait.ge [sflag:s29], $0x1  }
0xb5: {  	[sflag:s29] =	ssyncadd.s32 $0xFFFFFFFF  }
0xb6: {  	_ =	strace $0x90000048  }
0xb7: {  	_ =	sfence  }
0xb8: {  	s30 =	sld [smem:$0x0];
	_ =	sdelay $0x2  }
0xb9: {  	s31 =	sshll.u32 s1, $0xD;
	s1 =	sshrl.u32 s1, $0x2  }
0xba: {  	s3 =	sand.u32 $0x4000, s31;
	s1 =	sadd.s32 s1, s30  }
0xbb: {  	s0 =	sor.u32 s3, s0;
	s1 =	sshll.u32 s1, $0x11  }
0xbc: {  	s0 =	sor.u32 s1, s0  }
0xbd: {  	s0 =	sadd.s32 $0x8F2B, s0  }
0xbe: {  	[sflag:s0] =	ssyncadd.remote.s32 $0x1  }
0xbf: {  	_ =	sfence.sel $0xFFFF  }
0xc0: {  	[dreg:$0x0] =	wrdreg $0xFFFFFFFF;
	(pc) =	sbr.abs _section_cstart, $3  }
0xc1: {  	[dreg:$0x1] =	wrdreg $0xFFFFFFFF  }
0xc2: {  	_ =	task.clear_ibuf [dreg:s7], $0x2FFFF;
	_ =	strace $0x9FFFFFFF  }
0xc3: {  	(tm) =	ssettm $0x7FFFFFFF  }
tec
execute0_lowered:
.L_overlay_start_1:
0x0: {  	(tag) =	ssettag $0x1  }
0x1: {  	s4 =	rddreg [dreg:$0x0]  }
0x2: {  	s6 =	rddreg [dreg:$0x1];
	s0 =	srdreg.scid  }
0x3: {  	s2 =	rddreg [dreg:$0x2];
	s1 =	stileid.u32  }
0x4: {  	s3 =	simm.s32 $0x0;
	s11 =	simm.s32 $0x80;
	s12 =	simm.s32 $0x1680  }
0x5: {  	s15 =	simm.s32 $0x20;
	s16 =	simm.s32 $0x10;
	s8 =	smul.u32 $0x280, s1  }
0x6: {  	s5 =	sand.u32 $0x1, s0;
	s0 =	rddreg [dreg:$0x3];
	s26 =	smul.u32 $0x500, s1  }
0x7: {  	s17 =	simm.s32 $0x0;
	[smem:$0x7FF] =	sst s3;
	s10 =	smul.u32 $0xA00, s1  }
0x8: {  	s13 =	sshll.u32 s1, $0x6;
	s7 =	smul.u32 $0x2800, s5;
	_ =	strace $0x80000047  }
0x9: {  	s9 =	ssub.s32 $0x2, s5;
	s5 =	sshll.u32 s5, $0x7;
	s13 =	sor.u32 $0x1C01, s13  }
0xa: {  	s28 =	sshrl.u32 s9, $0x1;
	s5 =	sor.u32 s5, s26;
	s30 =	sshrl.u32 s10, $0x2  }
0xb: {  	s10 =	simm.s32 $0x280;
	s7 =	sadd.s32 s8, s7;
	s29 =	ssub.s32 s9, s28  }
0xc: {  	s31 =	sshrl.u32 s5, $0x3;
	s8 =	simm.s32 $0x1700;
	s9 =	simm.s32 $0x1  }
0xd: {  	s7 =	sadd.s32 s7, s4;
	s4 =	sadd.s32 s30, s2;
	s6 =	sadd.s32 s6, s31  }
0xe: {  	v0 =	vimm.f32 $1.000000000e+00;
	v1 =	vimm.f32 $0.0e+00;
	s5 =	sadd.s32 $0x1400, s7;
	s7 =	smax.u32 s29, $0x1;
	s14 =	sshrl.u32 s4, $0x3  }
.LBB2_1:
0xf: {  	[tilespmem:$0x1680] =	vst v0  }
0x10: {  	[tilespmem:$0x1690] =	vst v0  }
0x11: {  	[tilespmem:$0x16A0] =	vst v0  }
0x12: {  	[tilespmem:$0x16B0] =	vst v0  }
0x13: {  	[tilespmem:$0x16C0] =	vst v0  }
0x14: {  	[tilespmem:$0x16D0] =	vst v0  }
0x15: {  	[tilespmem:$0x16E0] =	vst v0  }
0x16: {  	[tilespmem:$0x16F0] =	vst v0  }
0x17: {  	[tilespmem:$0x1700] =	vst v1  }
0x18: {  	[tilespmem:$0x1710] =	vst v1  }
0x19: {  	[tilespmem:$0x1720] =	vst v1  }
0x1a: {  	[tilespmem:$0x1730] =	vst v1  }
0x1b: {  	[tilespmem:$0x1740] =	vst v1  }
0x1c: {  	[tilespmem:$0x1750] =	vst v1  }
0x1d: {  	[tilespmem:$0x1760] =	vst v1  }
0x1e: {  	[tilespmem:$0x1770] =	vst v1  }
0x1f: {  	[tilespmem:$0x1780] =	vst v1  }
0x20: {  	[tilespmem:$0x1790] =	vst v1  }
0x21: {  	[tilespmem:$0x17A0] =	vst v1  }
0x22: {  	[tilespmem:$0x17B0] =	vst v1  }
0x23: {  	[tilespmem:$0x17C0] =	vst v1  }
0x24: {  	[tilespmem:$0x17D0] =	vst v1  }
0x25: {  	[tilespmem:$0x17E0] =	vst v1  }
0x26: {  	[tilespmem:$0x17F0] =	vst v1  }
0x27: {  	[tilespmem:$0x1800] =	vst v1  }
0x28: {  	[tilespmem:$0x1810] =	vst v1  }
0x29: {  	[tilespmem:$0x1820] =	vst v1  }
0x2a: {  	[tilespmem:$0x1830] =	vst v1  }
0x2b: {  	[tilespmem:$0x1840] =	vst v1  }
0x2c: {  	[tilespmem:$0x1850] =	vst v1  }
0x2d: {  	[tilespmem:$0x1860] =	vst v1  }
0x2e: {  	[tilespmem:$0x1870] =	vst v1  }
0x2f: {  	[tilespmem:$0x1880] =	vst v1  }
0x30: {  	[tilespmem:$0x1890] =	vst v1  }
0x31: {  	[tilespmem:$0x18A0] =	vst v1  }
0x32: {  	[tilespmem:$0x18B0] =	vst v1  }
0x33: {  	[tilespmem:$0x18C0] =	vst v1  }
0x34: {  	[tilespmem:$0x18D0] =	vst v1  }
0x35: {  	[tilespmem:$0x18E0] =	vst v1  }
0x36: {  	[tilespmem:$0x18F0] =	vst v1  }
0x37: {  	[tilespmem:$0x1900] =	vst v1  }
0x38: {  	[tilespmem:$0x1910] =	vst v1  }
0x39: {  	[tilespmem:$0x1920] =	vst v1  }
0x3a: {  	[tilespmem:$0x1930] =	vst v1  }
0x3b: {  	[tilespmem:$0x1940] =	vst v1  }
0x3c: {  	[tilespmem:$0x1950] =	vst v1  }
0x3d: {  	[tilespmem:$0x1960] =	vst v1  }
0x3e: {  	[tilespmem:$0x1970] =	vst v1  }
0x3f: {  	[spmem:s4] =	stream.linear.scatter [tilespmem:s8], [sflag:$0x1], $0x280, $0x38;
	[tilespmem:$0x1980] =	vst v63  }
0x40: {  	_ =	swait.ge [sflag:s9], $0x280  }
0x41: {  	[sflag:s9] =	ssyncset.done $0x0  }
0x42: {  	[sflag:s9] =	ssyncadd.s32 $0xFFFFFD80  }
0x43: {  	[tilespmem:s10], [sflag:$0x1] =	stream.linear.gather [hbm4b:s5+s3], $0x1400, $0x38;
	[tilespmem:$0x1980] =	vst v63  }
0x44: {  	_ =	swait.ge [sflag:s9], $0x1400  }
0x45: {  	[sflag:s9] =	ssyncset.done $0x0  }
0x46: {  	[sflag:s9] =	ssyncadd.s32 $0xFFFFEC00  }
0x47: {  	s18 =	simm.s32 $0x280;
	[bflag:$0x0] =	sbarrier.arrive $0xFFFF  }
0x48: {  	[spmem:s2] =	stream.indirect.scatter.add.f32 [tilespmem:s12], [sflag:$0x1], $0x1, s18, s11, $0xb8;
	[tilespmem:$0x1980] =	vst v63  }
0x49: {  	s18 =	simm.s32 $0x200;
	_ =	swait.ge [sflag:s9], $0x80  }
.LBB2_2:
0x4a: {  	s19 =	sshra.s32 s18, $0x2;
	[sflag:s9] =	ssyncset.done $0x0;
	p0 =	sne.s32 s18, $0x4E00  }
.Ltmp0:
0x4b: {  	s19 =	sadd.s32 $0x280, s19;
	[sflag:s9] =	ssyncadd.s32 $0xFFFFFF80;
	(pc) =	sbr.rel @p0 .LBB2_2-.Ltmp0, $3  }
0x4c: {  	[spmem:s2] =	stream.indirect.scatter.add.f32 [tilespmem:s12], [sflag:$0x1], $0x1, s19, s11, $0xb8;
	[tilespmem:$0x1980] =	vst v63  }
0x4d: {  	s18 =	sadd.s32 $0x200, s18;
	_ =	sdelay $0x1  }
0x4e: {  	_ =	swait.ge [sflag:s9], $0x80  }
0x4f: {  	[sflag:s9] =	ssyncset.done $0x0;
	s17 =	sadd.s32 $0x1, s17  }
0x50: {  	[sflag:s9] =	ssyncadd.s32 $0xFFFFFF80;
	p0 =	sne.s32 s17, s7  }
.Ltmp1:
0x51: {  	[bflag:$0x0] =	sbarrier.arrive $0xFFFF;
	(pc) =	sbr.rel @p0 .LBB2_1-.Ltmp1, $4  }
0x52: {  	[hbm:s6@s15], [sflag:s13] =	dma.strided [spmem:s14@s16], $0x50, s9, $0x10   }
0x53: {  	_ =	swait.ge [sflag:s9], $0x50  }
0x54: {  	[sflag:s9] =	ssyncset.done $0x0  }
0x55: {  	[sflag:s9] =	ssyncadd.s32 $0xFFFFFFB0  }
0x56: {  	_ =	sfence.sel $0x180000  }
0x57: {  	[bflag:$0x0] =	sbarrier.arrive $0xFFFF  }
0x58: {  	p0 =	sne.s32 s1, $0x0;
	_ =	strace $0x90000047  }
0x59: {  	s0 =	sadd.s32 @!p0 $0x100000, s0;
	[bflag:$0x2] =	sbarrier.arrive $0xFFFF  }
0x5a: {  	[sflag:s0] =	ssyncadd.tile.s32 @!p0 $0x1;
	_ =	shalt  }
.Lfunc_end2:
_tile_overlayer_lowered:
.L_overlay_start_2:
0x5b: {  	(tag) =	ssettag $0x2  }
0x5c: {  	s0 =	rddreg [dreg:$0x0];
	s2 =	stileid.u32  }
0x5d: {  	s1 =	rddreg [dreg:$0x1];
	p0 =	sne.s32 s2, $0x0  }
0x5e: {  	s3 =	rddreg [dreg:$0x2];
	[bflag:$0x3] =	sbarrier.arrive $0xFFFF;
	s2 =	simm.s32 @!p0 $0x1C01  }
0x5f: {  	[timem:s3], [sflag:s2] =	dma.local @!p0 [hbm:s0], s1  }
0x60: {  	s0 =	simm.s32 @!p0 $0x1  }
0x61: {  	_ =	swait.ge @!p0 [sflag:s0], s1  }
0x62: {  	s1 =	ssub.s32 @!p0 $0x0, s1;
	[sflag:s0] =	ssyncset.done @!p0 $0x0  }
0x63: {  	[sflag:s0] =	ssyncadd.s32 @!p0 s1  }
0x64: {  	[bflag:$0x3] =	sbarrier.arrive $0xFFFF  }
0x65: {  	_ =	shalt  }

</sc_bundles>
